<compile_context>
chip_gen: v7x
topology: tpu7x:2x2x1
jax: 0.10.2.dev20260603
libtpu: 0.0.44.dev20260713+nightly
codegen_flags: <defaults>
</compile_context>

<pallas_src>
import functools

import jax
import jax.numpy as jnp
from jax import lax
from jax.experimental import pallas as pl
from jax.experimental.pallas import tpu as pltpu
from jax.experimental.pallas import tpu_sc as plsc

N = 10000
E = 160000
D_IN = 256
NC = 40
CODE = 4

BN = 400
BE = 640
EPT = E // 32
F32 = jnp.float32
I32 = jnp.int32

_MESH = dict(core_axis_name="c", subcore_axis_name="s")


@functools.lru_cache(maxsize=None)
def _make_scatter(vc, feat_split, ch):
    del ch
    NR = E // 128
    maxr = 80 if feat_split else 40

    @functools.partial(
        pl.kernel,
        out_type=jax.ShapeDtypeStruct((2 * N, vc), F32),
        mesh=plsc.VectorSubcoreMesh(**_MESH),
        scratch_types=[
            pltpu.VMEM((128, vc), F32),
            pltpu.VMEM((maxr, 128), I32),
            pltpu.VMEM_SHARED((N, vc), F32),
        ],
    )
    def scatter_k(vals_hbm, col2d_hbm, zero_hbm, out_hbm, dbuf, cbuf2, acc):
        c = lax.axis_index("c")
        s = lax.axis_index("s")

        @pl.when(s == 0)
        def _():
            pltpu.sync_copy(zero_hbm, acc)

        plsc.subcore_barrier()

        w = s if feat_split else c * 16 + s
        base_row = w * maxr
        nr = jnp.minimum(maxr, NR - base_row)
        pltpu.sync_copy(col2d_hbm.at[pl.ds(base_row, maxr)], cbuf2)
        ebase = c * E if feat_split else 0

        def body(j, carry):
            off_e = ebase + (base_row + j) * 128
            pltpu.sync_copy(vals_hbm.at[pl.ds(off_e, 128)], dbuf)
            pltpu.sync_copy(dbuf, acc.at[cbuf2.at[j]], add=True)
            return carry

        lax.fori_loop(0, nr, body, 0)
        plsc.subcore_barrier()

        @pl.when(s == 0)
        def _():
            pltpu.sync_copy(acc, out_hbm.at[pl.ds(c * N, N)])

    return scatter_k


@functools.lru_cache(maxsize=None)
def _make_gather_tab(vc, ch=128):
    n_ch = EPT // ch
    tail = EPT - n_ch * ch

    scratch = [
        pltpu.VMEM((EPT,), I32),
        pltpu.VMEM((ch, vc), F32),
    ]
    if tail:
        scratch += [pltpu.VMEM((tail, vc), F32)]

    @functools.partial(
        pl.kernel,
        out_type=jax.ShapeDtypeStruct((E, vc), F32),
        mesh=plsc.VectorSubcoreMesh(**_MESH),
        scratch_types=scratch,
    )
    def gather_k(tab_hbm, idx_hbm, out_hbm, ibuf, gbuf, *tailbufs):
        c = lax.axis_index("c")
        s = lax.axis_index("s")
        base = (s * 2 + c) * EPT
        pltpu.sync_copy(idx_hbm.at[pl.ds(base, EPT)], ibuf)

        def body(i, carry):
            off = i * ch
            pltpu.sync_copy(tab_hbm.at[ibuf.at[pl.ds(off, ch)]], gbuf)
            pltpu.sync_copy(gbuf, out_hbm.at[pl.ds(base + off, ch)])
            return carry

        lax.fori_loop(0, n_ch, body, 0)
        if tail:
            (gbuf_t,) = tailbufs
            off = n_ch * ch
            pltpu.sync_copy(tab_hbm.at[ibuf.at[pl.ds(off, tail)]], gbuf_t)
            pltpu.sync_copy(gbuf_t, out_hbm.at[pl.ds(base + off, tail)])

    return gather_k


def _disinv_body(deg_ref, out_ref):
    deg = deg_ref[0:1, :] + deg_ref[1:2, :]
    dis = jnp.where(deg > 0.0, lax.rsqrt(jnp.maximum(deg, 1e-12)), 0.0)
    invc = 1.0 / jnp.maximum(deg, 1.0)
    out_ref[...] = jnp.concatenate([dis, invc], axis=0)


def _disinv(deg2):
    return pl.pallas_call(
        _disinv_body,
        out_shape=jax.ShapeDtypeStruct((2, N), F32),
    )(deg2)


def _dense_body(first, dout, *refs):
    if first:
        (x_ref, wl_ref, bl_ref, wef_ref, be_ref, ae_ref, dis_ref,
         h_ref, encd_ref) = refs
        xb = x_ref[...]
    else:
        (hp_ref, st_ref, ic_ref, wl_ref, bl_ref, wef_ref, be_ref, ae_ref,
         dis_ref, h_ref, encd_ref) = refs
        agg = jnp.concatenate([st_ref[0], st_ref[1]], axis=1)
        xb = jnp.maximum(hp_ref[...] + agg * ic_ref[0, 0, :][:, None], 0.0)

    h = jnp.dot(xb, wl_ref[...], preferred_element_type=F32) + bl_ref[...]
    encall = jnp.dot(h, wef_ref[...], preferred_element_type=F32)
    ae = ae_ref[0, 0, :]
    j160 = lax.broadcasted_iota(I32, (BN, NC * CODE), 1)
    m = (j160 // CODE == ae[:, None]).astype(F32)
    s4 = (lax.broadcasted_iota(I32, (NC * CODE, CODE), 0) % CODE
          == lax.broadcasted_iota(I32, (NC * CODE, CODE), 1)).astype(F32)
    o40 = (ae[:, None] == lax.broadcasted_iota(I32, (BN, NC), 1)).astype(F32)
    enc4 = (jnp.dot(encall * m, s4, preferred_element_type=F32)
            + jnp.dot(o40, be_ref[...], preferred_element_type=F32))
    encd_ref[...] = jnp.zeros((BN, 128), F32)
    encd_ref[:, :CODE] = jnp.maximum(enc4, 0.0) * dis_ref[0, 0, :][:, None]
    h_ref[...] = h


def _make_dense(first, din, dout):
    grid = (N // BN,)
    nodeblk = pl.BlockSpec((1, 1, BN), lambda i: (i, 0, 0))
    in_specs = [pl.BlockSpec((BN, din), lambda i: (i, 0))]
    if not first:
        in_specs += [pl.BlockSpec((2, BN, 128), lambda i: (0, i, 0)), nodeblk]
    in_specs += [
        pl.BlockSpec((din, dout), lambda i: (0, 0)),
        pl.BlockSpec((1, dout), lambda i: (0, 0)),
        pl.BlockSpec((dout, NC * CODE), lambda i: (0, 0)),
        pl.BlockSpec((NC, CODE), lambda i: (0, 0)),
        nodeblk,
        nodeblk,
    ]
    out_specs = [
        pl.BlockSpec((BN, dout), lambda i: (i, 0)),
        pl.BlockSpec((BN, 128), lambda i: (i, 0)),
    ]
    return pl.pallas_call(
        functools.partial(_dense_body, first, dout),
        grid=grid,
        in_specs=in_specs,
        out_specs=out_specs,
        out_shape=[
            jax.ShapeDtypeStruct((N, dout), F32),
            jax.ShapeDtypeStruct((N, 128), F32),
        ],
    )


def _dec_body(dpad, split, msg_ref, cls_ref, disc_ref, wd_ref, bd_ref, out_ref):
    cls = cls_ref[0, 0, :]
    o = (cls[:, None] == lax.broadcasted_iota(I32, (BE, NC), 1)).astype(F32)
    acc = jnp.dot(o, bd_ref[...], preferred_element_type=F32)
    msg = msg_ref[:, :CODE] * disc_ref[0, 0, :][:, None]
    for k in range(CODE):
        acc = acc + jnp.dot(o * msg[:, k][:, None], wd_ref[k],
                            preferred_element_type=F32)
    d = jnp.maximum(acc, 0.0)
    if split:
        hw = dpad // 2
        out_ref[0] = d[:, :hw]
        out_ref[1] = d[:, hw:]
    else:
        out_ref[...] = d


def _make_dec(dpad, split):
    grid = (E // BE,)
    in_specs = [
        pl.BlockSpec((BE, 128), lambda i: (i, 0)),
        pl.BlockSpec((1, 1, BE), lambda i: (i, 0, 0)),
        pl.BlockSpec((1, 1, BE), lambda i: (i, 0, 0)),
        pl.BlockSpec((CODE, NC, dpad), lambda i: (0, 0, 0)),
        pl.BlockSpec((NC, dpad), lambda i: (0, 0)),
    ]
    if split:
        out_specs = pl.BlockSpec((2, BE, dpad // 2), lambda i: (0, i, 0))
        out_shape = jax.ShapeDtypeStruct((2, E, dpad // 2), F32)
    else:
        out_specs = pl.BlockSpec((BE, dpad), lambda i: (i, 0))
        out_shape = jax.ShapeDtypeStruct((E, dpad), F32)
    return pl.pallas_call(
        functools.partial(_dec_body, dpad, split),
        grid=grid,
        in_specs=in_specs,
        out_specs=out_specs,
        out_shape=out_shape,
    )


def _final_body(h_ref, s_ref, ic_ref, out_ref):
    agg = (s_ref[0, :, :NC] + s_ref[1, :, :NC]) * ic_ref[0, 0, :][:, None]
    out_ref[...] = jnp.maximum(h_ref[...] + agg, 0.0)


def _final(h2, s2, invc3):
    grid = (N // BN,)
    return pl.pallas_call(
        _final_body,
        grid=grid,
        in_specs=[
            pl.BlockSpec((BN, NC), lambda i: (i, 0)),
            pl.BlockSpec((2, BN, 128), lambda i: (0, i, 0)),
            pl.BlockSpec((1, 1, BN), lambda i: (i, 0, 0)),
        ],
        out_specs=pl.BlockSpec((BN, NC), lambda i: (i, 0)),
        out_shape=jax.ShapeDtypeStruct((N, NC), F32),
    )(h2, s2, invc3)


def kernel(x, edge_index, ae_idx,
           W_lin_0, b_lin_0, W_enc_0, b_enc_0, W_dec_0, b_dec_0,
           W_lin_1, b_lin_1, W_enc_1, b_enc_1, W_dec_1, b_dec_1,
           W_lin_2, b_lin_2, W_enc_2, b_enc_2, W_dec_2, b_dec_2):
    row = edge_index[0]
    col = edge_index[1]
    ae3 = ae_idx.reshape(N // BN, 1, BN)

    col2d = jnp.pad(col.reshape(E // 128, 128), ((0, 30), (0, 0)))
    ones_e = jnp.ones((E, 128), F32)
    zero_n128 = jnp.zeros((N, 128), F32)
    degs = _make_scatter(128, False, 128)(ones_e, col2d, zero_n128)
    deg2 = jnp.stack([degs[:N, 0], degs[N:, 0]])
    dv = _disinv(deg2)
    dis = dv[0]
    dis3 = dis.reshape(N // BN, 1, BN)
    invc3 = dv[1].reshape(N // BN, 1, BN)

    disae = jnp.concatenate(
        [dis[:, None], ae_idx.astype(F32)[:, None],
         jnp.zeros((N, 126), F32)], axis=1)
    g2 = _make_gather_tab(128)(disae, col)
    disc3 = g2[:, 0].reshape(E // BE, 1, BE)
    cls3 = g2[:, 1].astype(I32).reshape(E // BE, 1, BE)


    layers = [
        (W_lin_0, b_lin_0, W_enc_0, b_enc_0, W_dec_0, b_dec_0, 256),
        (W_lin_1, b_lin_1, W_enc_1, b_enc_1, W_dec_1, b_dec_1, 256),
        (W_lin_2, b_lin_2, W_enc_2, b_enc_2, W_dec_2, b_dec_2, 40),
    ]

    h_prev = None
    sT_prev = None
    out40 = None
    for li, (Wl, bl, We, be, Wd, bd, dout) in enumerate(layers):
        WlT = Wl.T
        bl2 = bl.reshape(1, dout)
        WencF = We.transpose(1, 0, 2).reshape(dout, NC * CODE)
        dpad = 256 if dout == 256 else 128
        WdT = Wd.transpose(1, 0, 2)
        if dpad != dout:
            WdT = jnp.pad(WdT, ((0, 0), (0, 0), (0, dpad - dout)))
            bdp = jnp.pad(bd, ((0, 0), (0, dpad - dout)))
        else:
            bdp = bd

        if li == 0:
            h, encd = _make_dense(True, D_IN, dout)(
                x, WlT, bl2, WencF, be, ae3, dis3)
        else:
            h, encd = _make_dense(False, D_IN, dout)(
                h_prev, sT_prev, invc3, WlT, bl2, WencF, be, ae3, dis3)

        msg = _make_gather_tab(128)(encd, row)

        if dout == 256:
            decT = _make_dec(256, True)(msg, cls3, disc3, WdT, bdp)
            sflat = _make_scatter(128, True, 128)(decT.reshape(2 * E, 128), col2d, zero_n128)
            sT_prev = sflat.reshape(2, N, 128)
            h_prev = h
        else:
            dec = _make_dec(128, False)(msg, cls3, disc3, WdT, bdp)
            s2 = _make_scatter(128, False, 128)(dec, col2d, zero_n128).reshape(2, N, 128)
            out40 = _final(h, s2, invc3)

    return out40

# --- scband reference (transcript-rebuilt; emitter-appended) ---
"""Pipeline reference for scband-our-model-56453050138989 (READ-ONLY COPY).

The authoritative reference and input builder live on the scoring server;
editing this copy changes nothing except your own understanding.
"""

import jax, jax.numpy as jnp
import numpy as np

N = 10000
E = 160000
D_IN = 256
D_HID = 256
D_OUT = 40
N_CLASS = 40
CODE = 4

def setup_inputs(seed: int = 0):
    key = jax.random.key(seed)
    ks = jax.random.split(key, 16)
    inp = {}
    inp["x"] = jax.random.normal(ks[0], (N, D_IN), dtype=jnp.float32)
    inp["edge_index"] = jax.random.randint(ks[1], (2, E), 0, N, dtype=jnp.int32)
    inp["ae_idx"] = jax.random.randint(ks[2], (N,), -1, N_CLASS, dtype=jnp.int32)
    dims = [(D_IN, D_HID), (D_HID, D_HID), (D_HID, D_OUT)]
    k = 3
    for li, (din, dout) in enumerate(dims):
        inp["W_lin_%d" % li] = jax.random.normal(ks[k], (dout, din), dtype=jnp.float32) / np.sqrt(din); k += 1
        inp["b_lin_%d" % li] = jnp.zeros((dout,), jnp.float32)
        inp["W_enc_%d" % li] = jax.random.normal(ks[k], (N_CLASS, dout, CODE), dtype=jnp.float32) / np.sqrt(dout); k += 1
        inp["b_enc_%d" % li] = jnp.zeros((N_CLASS, CODE), jnp.float32)
        inp["W_dec_%d" % li] = jax.random.normal(ks[k], (N_CLASS, CODE, dout), dtype=jnp.float32) / np.sqrt(CODE); k += 1
        inp["b_dec_%d" % li] = jnp.zeros((N_CLASS, dout), jnp.float32)
    return inp

def _gcn_norm(row, col, n):
    ew = jnp.ones((row.shape[0],), jnp.float32)
    deg = jnp.zeros((n,), jnp.float32).at[col].add(ew)
    dis = jnp.where(deg > 0, 1.0 / jnp.sqrt(jnp.maximum(deg, 1e-12)), 0.0)
    return dis[row] * ew * dis[col]

def _moe_apply(z, idx, W, b):
    # routed per-class MLP: encoder/decoder forward is fc + relu; idx == -1 -> zeros
    out = jnp.zeros((z.shape[0], W.shape[2]), jnp.float32)
    for e in range(N_CLASS):
        oe = jax.nn.relu(z @ W[e] + b[e])
        out = jnp.where((idx == e)[:, None], oe, out)
    return out

def _layer(x, idx, row, col, ew, W_lin, b_lin, W_enc, b_enc, W_dec, b_dec):
    h = x @ W_lin.T + b_lin
    x_clone = h
    enc = _moe_apply(h, idx, W_enc, b_enc)
    msg = jnp.take(enc, row, axis=0) * ew[:, None]
    didx = jnp.take(idx, col, axis=0)
    dec = _moe_apply(msg, didx, W_dec, b_dec)
    n = x.shape[0]
    s = jnp.zeros((n, dec.shape[1]), jnp.float32).at[col].add(dec)
    cnt = jnp.zeros((n,), jnp.float32).at[col].add(jnp.ones((col.shape[0],), jnp.float32))
    agg = s / jnp.maximum(cnt, 1.0)[:, None]
    return jax.nn.relu(x_clone + agg)

def reference(x, edge_index, ae_idx,
              W_lin_0, b_lin_0, W_enc_0, b_enc_0, W_dec_0, b_dec_0,
              W_lin_1, b_lin_1, W_enc_1, b_enc_1, W_dec_1, b_dec_1,
              W_lin_2, b_lin_2, W_enc_2, b_enc_2, W_dec_2, b_dec_2):
    row = edge_index[0]
    col = edge_index[1]
    ew = _gcn_norm(row, col, x.shape[0])
    h = _layer(x, ae_idx, row, col, ew, W_lin_0, b_lin_0, W_enc_0, b_enc_0, W_dec_0, b_dec_0)
    h = _layer(h, ae_idx, row, col, ew, W_lin_1, b_lin_1, W_enc_1, b_enc_1, W_dec_1, b_dec_1)
    h = _layer(h, ae_idx, row, col, ew, W_lin_2, b_lin_2, W_enc_2, b_enc_2, W_dec_2, b_dec_2)
    return h

if __name__ == "__main__":
    import jax
    _d = setup_inputs()
    print(jax.jit(kernel)(*tuple(_d.values())))

</pallas_src>

<mosaic_0001>
#map = affine_map<(d0, d1) -> (0, 0)>
module attributes {stable_mosaic.version = 14 : i64} {
  func.func @scatter_k(%arg0: i32, %arg1: i32, %arg2: memref<320000x128xf32, #tpu.memory_space<hbm>>, %arg3: memref<1280x128xi32, #tpu.memory_space<hbm>>, %arg4: memref<10000x128xf32, #tpu.memory_space<hbm>>, %arg5: memref<20000x128xf32, #tpu.memory_space<hbm>>, %arg6: memref<128x128xf32, #tpu.memory_space<vmem>>, %arg7: memref<80x128xi32, #tpu.memory_space<vmem>>, %arg8: memref<10000x128xf32, #tpu.memory_space<vmem_shared>>) attributes {dimension_semantics = [#tpu.dimension_semantics<core_parallel>, #tpu.dimension_semantics<subcore_parallel>], iteration_bounds = array<i64: 2, 16>, scalar_prefetch = 0 : i64, scratch_operands = 3 : i64, tpu.core_type = #tpu.core_type<sc_vector_subcore>, window_params = [{transform_indices = #map}, {transform_indices = #map}, {transform_indices = #map}, {transform_indices = #map}]} {
    %eq3A = arith.constant 0 : i32
    %eq3A_0 = arith.cmpi eq, %arg1, %eq3A : i32
    %convert_element_type3A = arith.extui %eq3A_0 : i1 to i32
    %cond3A = arith.constant 0 : i32
    %cond3A_1 = arith.cmpi ne, %convert_element_type3A, %cond3A : i32
    scf.if %cond3A_1 {
      "tpu.region"() ({
        %run_scoped3A = tpu.sem_alloc : memref<!tpu.dma_semaphore, #tpu.memory_space<semaphore_mem>>
        tpu.enqueue_dma source(%arg4 : memref<10000x128xf32, #tpu.memory_space<hbm>>) target(%arg8 : memref<10000x128xf32, #tpu.memory_space<vmem_shared>>) target_semaphore(%run_scoped3A : memref<!tpu.dma_semaphore, #tpu.memory_space<semaphore_mem>>)
        tpu.wait_dma2 semaphore(%run_scoped3A : memref<!tpu.dma_semaphore, #tpu.memory_space<semaphore_mem>>) src(%arg4 : memref<10000x128xf32, #tpu.memory_space<hbm>>) dst(%arg8 : memref<10000x128xf32, #tpu.memory_space<vmem_shared>>)
        tpu.yield
      }) : () -> ()
    } else {
    }
    %barrier3A = arith.constant 0 : index
    tpu.barrier barrier_id(%barrier3A)
    %mul3A = arith.constant 80 : i32
    %mul3A_2 = arith.muli %arg1, %mul3A : i32
    %sub3A = arith.constant 1250 : i32
    %sub3A_3 = arith.subi %sub3A, %mul3A_2 : i32
    %min3A = arith.constant 80 : i32
    %min3A_4 = arith.minsi %min3A, %sub3A_3 : i32
    "tpu.region"() ({
      %run_scoped3A = tpu.sem_alloc : memref<!tpu.dma_semaphore, #tpu.memory_space<semaphore_mem>>
      %dma_start3A = arith.constant 0 : i32
      %dma_start3A_22 = tpu.memref_slice %arg3[%mul3A_2, %dma_start3A] : memref<1280x128xi32, #tpu.memory_space<hbm>> -> memref<80x128xi32, #tpu.memory_space<hbm>>
      %dma_start3A_23 = arith.constant 0 : i32
      %dma_start3A_24 = tpu.memref_slice %arg3[%mul3A_2, %dma_start3A_23] : memref<1280x128xi32, #tpu.memory_space<hbm>> -> memref<80x128xi32, #tpu.memory_space<hbm>>
      tpu.enqueue_dma source(%dma_start3A_24 : memref<80x128xi32, #tpu.memory_space<hbm>>) target(%arg7 : memref<80x128xi32, #tpu.memory_space<vmem>>) target_semaphore(%run_scoped3A : memref<!tpu.dma_semaphore, #tpu.memory_space<semaphore_mem>>)
      %dma_wait3A = arith.constant 0 : i32
      %dma_wait3A_25 = tpu.memref_slice %arg3[%mul3A_2, %dma_wait3A] : memref<1280x128xi32, #tpu.memory_space<hbm>> -> memref<80x128xi32, #tpu.memory_space<hbm>>
      %dma_wait3A_26 = arith.constant 0 : i32
      %dma_wait3A_27 = tpu.memref_slice %arg3[%mul3A_2, %dma_wait3A_26] : memref<1280x128xi32, #tpu.memory_space<hbm>> -> memref<80x128xi32, #tpu.memory_space<hbm>>
      tpu.wait_dma2 semaphore(%run_scoped3A : memref<!tpu.dma_semaphore, #tpu.memory_space<semaphore_mem>>) src(%dma_wait3A_27 : memref<80x128xi32, #tpu.memory_space<hbm>>) dst(%arg7 : memref<80x128xi32, #tpu.memory_space<vmem>>)
      tpu.yield
    }) : () -> ()
    %mul3A_5 = arith.constant 160000 : i32
    %mul3A_6 = arith.muli %arg0, %mul3A_5 : i32
    %while3A = arith.constant 0 : i32
    %while3A_7 = arith.constant 0 : i32
    %while3A_8 = arith.subi %min3A_4, %while3A_7 : i32
    %while3A_9 = arith.addi %while3A_7, %while3A_8 : i32
    %while3A_10 = arith.constant 1 : i32
    %while3A_11 = arith.divsi %while3A_8, %while3A_10 : i32
    %while3A_12 = arith.muli %while3A_11, %while3A_10 : i32
    %while3A_13 = arith.addi %while3A_7, %while3A_12 : i32
    %while3A_14 = arith.constant 1 : i32
    scf.for %while3A_22 = %while3A_7 to %while3A_13 step %while3A_14  : i32 {
      %add3A = arith.addi %mul3A_2, %while3A_22 : i32
      %mul3A_23 = arith.constant 128 : i32
      %mul3A_24 = arith.muli %add3A, %mul3A_23 : i32
      %add3A_25 = arith.addi %mul3A_6, %mul3A_24 : i32
      "tpu.region"() ({
        %run_scoped3A = tpu.sem_alloc : memref<!tpu.dma_semaphore, #tpu.memory_space<semaphore_mem>>
        %dma_start3A = arith.constant 0 : i32
        %dma_start3A_26 = tpu.memref_slice %arg2[%add3A_25, %dma_start3A] : memref<320000x128xf32, #tpu.memory_space<hbm>> -> memref<128x128xf32, #tpu.memory_space<hbm>>
        %dma_start3A_27 = arith.constant 0 : i32
        %dma_start3A_28 = tpu.memref_slice %arg2[%add3A_25, %dma_start3A_27] : memref<320000x128xf32, #tpu.memory_space<hbm>> -> memref<128x128xf32, #tpu.memory_space<hbm>>
        tpu.enqueue_dma source(%dma_start3A_28 : memref<128x128xf32, #tpu.memory_space<hbm>>) target(%arg6 : memref<128x128xf32, #tpu.memory_space<vmem>>) target_semaphore(%run_scoped3A : memref<!tpu.dma_semaphore, #tpu.memory_space<semaphore_mem>>)
        %dma_wait3A = arith.constant 0 : i32
        %dma_wait3A_29 = tpu.memref_slice %arg2[%add3A_25, %dma_wait3A] : memref<320000x128xf32, #tpu.memory_space<hbm>> -> memref<128x128xf32, #tpu.memory_space<hbm>>
        %dma_wait3A_30 = arith.constant 0 : i32
        %dma_wait3A_31 = tpu.memref_slice %arg2[%add3A_25, %dma_wait3A_30] : memref<320000x128xf32, #tpu.memory_space<hbm>> -> memref<128x128xf32, #tpu.memory_space<hbm>>
        tpu.wait_dma2 semaphore(%run_scoped3A : memref<!tpu.dma_semaphore, #tpu.memory_space<semaphore_mem>>) src(%dma_wait3A_31 : memref<128x128xf32, #tpu.memory_space<hbm>>) dst(%arg6 : memref<128x128xf32, #tpu.memory_space<vmem>>)
        tpu.yield
      }) : () -> ()
      "tpu.region"() ({
        %run_scoped3A = tpu.sem_alloc : memref<!tpu.dma_semaphore, #tpu.memory_space<semaphore_mem>>
        %dma_start3A = arith.constant 0 : i32
        %dma_start3A_26 = tpu.memref_slice %arg7[%while3A_22, %dma_start3A] : memref<80x128xi32, #tpu.memory_space<vmem>> -> memref<1x128xi32, #tpu.memory_space<vmem>>
        %dma_start3A_27 = tpu.memref_squeeze %dma_start3A_26 : memref<1x128xi32, #tpu.memory_space<vmem>> -> memref<128xi32, #tpu.memory_space<vmem>>
        %dma_start3A_28 = arith.constant 0 : i32
        %dma_start3A_29 = arith.constant 0 : i32
        %dma_start3A_30 = tpu.memref_slice %arg8[%dma_start3A_28, %dma_start3A_29] : memref<10000x128xf32, #tpu.memory_space<vmem_shared>> -> memref<10000x128xf32, #tpu.memory_space<vmem_shared>>
        tpu.enqueue_indirect_dma source(%arg6 : memref<128x128xf32, #tpu.memory_space<vmem>>) target(%dma_start3A_30 : memref<10000x128xf32, #tpu.memory_space<vmem_shared>>) offsets(%dma_start3A_27 : memref<128xi32, #tpu.memory_space<vmem>>) semaphore(%run_scoped3A : memref<!tpu.dma_semaphore, #tpu.memory_space<semaphore_mem>>) {add = true}
        %dma_wait3A = arith.constant 0 : i32
        %dma_wait3A_31 = tpu.memref_slice %arg7[%while3A_22, %dma_wait3A] : memref<80x128xi32, #tpu.memory_space<vmem>> -> memref<1x128xi32, #tpu.memory_space<vmem>>
        %dma_wait3A_32 = tpu.memref_squeeze %dma_wait3A_31 : memref<1x128xi32, #tpu.memory_space<vmem>> -> memref<128xi32, #tpu.memory_space<vmem>>
        %dma_wait3A_33 = arith.constant 0 : i32
        %dma_wait3A_34 = arith.constant 0 : i32
        %dma_wait3A_35 = tpu.memref_slice %arg8[%dma_wait3A_33, %dma_wait3A_34] : memref<10000x128xf32, #tpu.memory_space<vmem_shared>> -> memref<10000x128xf32, #tpu.memory_space<vmem_shared>>
        tpu.wait_indirect_dma semaphore(%run_scoped3A : memref<!tpu.dma_semaphore, #tpu.memory_space<semaphore_mem>>) src(%arg6 : memref<128x128xf32, #tpu.memory_space<vmem>>) dst(%dma_wait3A_35 : memref<10000x128xf32, #tpu.memory_space<vmem_shared>>)
        tpu.yield
      }) : () -> ()
    }
    %while3A_15 = arith.constant 1 : i32
    scf.for %while3A_22 = %while3A_13 to %while3A_9 step %while3A_15  : i32 {
      %add3A = arith.addi %mul3A_2, %while3A_22 : i32
      %mul3A_23 = arith.constant 128 : i32
      %mul3A_24 = arith.muli %add3A, %mul3A_23 : i32
      %add3A_25 = arith.addi %mul3A_6, %mul3A_24 : i32
      "tpu.region"() ({
        %run_scoped3A = tpu.sem_alloc : memref<!tpu.dma_semaphore, #tpu.memory_space<semaphore_mem>>
        %dma_start3A = arith.constant 0 : i32
        %dma_start3A_26 = tpu.memref_slice %arg2[%add3A_25, %dma_start3A] : memref<320000x128xf32, #tpu.memory_space<hbm>> -> memref<128x128xf32, #tpu.memory_space<hbm>>
        %dma_start3A_27 = arith.constant 0 : i32
        %dma_start3A_28 = tpu.memref_slice %arg2[%add3A_25, %dma_start3A_27] : memref<320000x128xf32, #tpu.memory_space<hbm>> -> memref<128x128xf32, #tpu.memory_space<hbm>>
        tpu.enqueue_dma source(%dma_start3A_28 : memref<128x128xf32, #tpu.memory_space<hbm>>) target(%arg6 : memref<128x128xf32, #tpu.memory_space<vmem>>) target_semaphore(%run_scoped3A : memref<!tpu.dma_semaphore, #tpu.memory_space<semaphore_mem>>)
        %dma_wait3A = arith.constant 0 : i32
        %dma_wait3A_29 = tpu.memref_slice %arg2[%add3A_25, %dma_wait3A] : memref<320000x128xf32, #tpu.memory_space<hbm>> -> memref<128x128xf32, #tpu.memory_space<hbm>>
        %dma_wait3A_30 = arith.constant 0 : i32
        %dma_wait3A_31 = tpu.memref_slice %arg2[%add3A_25, %dma_wait3A_30] : memref<320000x128xf32, #tpu.memory_space<hbm>> -> memref<128x128xf32, #tpu.memory_space<hbm>>
        tpu.wait_dma2 semaphore(%run_scoped3A : memref<!tpu.dma_semaphore, #tpu.memory_space<semaphore_mem>>) src(%dma_wait3A_31 : memref<128x128xf32, #tpu.memory_space<hbm>>) dst(%arg6 : memref<128x128xf32, #tpu.memory_space<vmem>>)
        tpu.yield
      }) : () -> ()
      "tpu.region"() ({
        %run_scoped3A = tpu.sem_alloc : memref<!tpu.dma_semaphore, #tpu.memory_space<semaphore_mem>>
        %dma_start3A = arith.constant 0 : i32
        %dma_start3A_26 = tpu.memref_slice %arg7[%while3A_22, %dma_start3A] : memref<80x128xi32, #tpu.memory_space<vmem>> -> memref<1x128xi32, #tpu.memory_space<vmem>>
        %dma_start3A_27 = tpu.memref_squeeze %dma_start3A_26 : memref<1x128xi32, #tpu.memory_space<vmem>> -> memref<128xi32, #tpu.memory_space<vmem>>
        %dma_start3A_28 = arith.constant 0 : i32
        %dma_start3A_29 = arith.constant 0 : i32
        %dma_start3A_30 = tpu.memref_slice %arg8[%dma_start3A_28, %dma_start3A_29] : memref<10000x128xf32, #tpu.memory_space<vmem_shared>> -> memref<10000x128xf32, #tpu.memory_space<vmem_shared>>
        tpu.enqueue_indirect_dma source(%arg6 : memref<128x128xf32, #tpu.memory_space<vmem>>) target(%dma_start3A_30 : memref<10000x128xf32, #tpu.memory_space<vmem_shared>>) offsets(%dma_start3A_27 : memref<128xi32, #tpu.memory_space<vmem>>) semaphore(%run_scoped3A : memref<!tpu.dma_semaphore, #tpu.memory_space<semaphore_mem>>) {add = true}
        %dma_wait3A = arith.constant 0 : i32
        %dma_wait3A_31 = tpu.memref_slice %arg7[%while3A_22, %dma_wait3A] : memref<80x128xi32, #tpu.memory_space<vmem>> -> memref<1x128xi32, #tpu.memory_space<vmem>>
        %dma_wait3A_32 = tpu.memref_squeeze %dma_wait3A_31 : memref<1x128xi32, #tpu.memory_space<vmem>> -> memref<128xi32, #tpu.memory_space<vmem>>
        %dma_wait3A_33 = arith.constant 0 : i32
        %dma_wait3A_34 = arith.constant 0 : i32
        %dma_wait3A_35 = tpu.memref_slice %arg8[%dma_wait3A_33, %dma_wait3A_34] : memref<10000x128xf32, #tpu.memory_space<vmem_shared>> -> memref<10000x128xf32, #tpu.memory_space<vmem_shared>>
        tpu.wait_indirect_dma semaphore(%run_scoped3A : memref<!tpu.dma_semaphore, #tpu.memory_space<semaphore_mem>>) src(%arg6 : memref<128x128xf32, #tpu.memory_space<vmem>>) dst(%dma_wait3A_35 : memref<10000x128xf32, #tpu.memory_space<vmem_shared>>)
        tpu.yield
      }) : () -> ()
    }
    %barrier3A_16 = arith.constant 0 : index
    tpu.barrier barrier_id(%barrier3A_16)
    %eq3A_17 = arith.constant 0 : i32
    %eq3A_18 = arith.cmpi eq, %arg1, %eq3A_17 : i32
    %convert_element_type3A_19 = arith.extui %eq3A_18 : i1 to i32
    %cond3A_20 = arith.constant 0 : i32
    %cond3A_21 = arith.cmpi ne, %convert_element_type3A_19, %cond3A_20 : i32
    scf.if %cond3A_21 {
      %mul3A_22 = arith.constant 10000 : i32
      %mul3A_23 = arith.muli %arg0, %mul3A_22 : i32
      "tpu.region"() ({
        %run_scoped3A = tpu.sem_alloc : memref<!tpu.dma_semaphore, #tpu.memory_space<semaphore_mem>>
        %dma_start3A = arith.constant 0 : i32
        %dma_start3A_24 = tpu.memref_slice %arg5[%mul3A_23, %dma_start3A] : memref<20000x128xf32, #tpu.memory_space<hbm>> -> memref<10000x128xf32, #tpu.memory_space<hbm>>
        tpu.enqueue_dma source(%arg8 : memref<10000x128xf32, #tpu.memory_space<vmem_shared>>) target(%dma_start3A_24 : memref<10000x128xf32, #tpu.memory_space<hbm>>) target_semaphore(%run_scoped3A : memref<!tpu.dma_semaphore, #tpu.memory_space<semaphore_mem>>)
        %dma_wait3A = arith.constant 0 : i32
        %dma_wait3A_25 = tpu.memref_slice %arg5[%mul3A_23, %dma_wait3A] : memref<20000x128xf32, #tpu.memory_space<hbm>> -> memref<10000x128xf32, #tpu.memory_space<hbm>>
        tpu.wait_dma2 semaphore(%run_scoped3A : memref<!tpu.dma_semaphore, #tpu.memory_space<semaphore_mem>>) src(%arg8 : memref<10000x128xf32, #tpu.memory_space<vmem_shared>>) dst(%dma_wait3A_25 : memref<10000x128xf32, #tpu.memory_space<hbm>>)
        tpu.yield
      }) : () -> ()
    } else {
    }
    return
  }
}

#map = affine_map<(d0, d1) -> (0, 0)>
module attributes {stable_mosaic.version = 14 : i64} {
  func.func @scatter_k(%arg0: i32, %arg1: i32, %arg2: memref<160000x128xf32, #tpu.memory_space<hbm>>, %arg3: memref<1280x128xi32, #tpu.memory_space<hbm>>, %arg4: memref<10000x128xf32, #tpu.memory_space<hbm>>, %arg5: memref<20000x128xf32, #tpu.memory_space<hbm>>, %arg6: memref<128x128xf32, #tpu.memory_space<vmem>>, %arg7: memref<40x128xi32, #tpu.memory_space<vmem>>, %arg8: memref<10000x128xf32, #tpu.memory_space<vmem_shared>>) attributes {dimension_semantics = [#tpu.dimension_semantics<core_parallel>, #tpu.dimension_semantics<subcore_parallel>], iteration_bounds = array<i64: 2, 16>, scalar_prefetch = 0 : i64, scratch_operands = 3 : i64, tpu.core_type = #tpu.core_type<sc_vector_subcore>, window_params = [{transform_indices = #map}, {transform_indices = #map}, {transform_indices = #map}, {transform_indices = #map}]} {
    %eq3A = arith.constant 0 : i32
    %eq3A_0 = arith.cmpi eq, %arg1, %eq3A : i32
    %convert_element_type3A = arith.extui %eq3A_0 : i1 to i32
    %cond3A = arith.constant 0 : i32
    %cond3A_1 = arith.cmpi ne, %convert_element_type3A, %cond3A : i32
    scf.if %cond3A_1 {
      "tpu.region"() ({
        %run_scoped3A = tpu.sem_alloc : memref<!tpu.dma_semaphore, #tpu.memory_space<semaphore_mem>>
        tpu.enqueue_dma source(%arg4 : memref<10000x128xf32, #tpu.memory_space<hbm>>) target(%arg8 : memref<10000x128xf32, #tpu.memory_space<vmem_shared>>) target_semaphore(%run_scoped3A : memref<!tpu.dma_semaphore, #tpu.memory_space<semaphore_mem>>)
        tpu.wait_dma2 semaphore(%run_scoped3A : memref<!tpu.dma_semaphore, #tpu.memory_space<semaphore_mem>>) src(%arg4 : memref<10000x128xf32, #tpu.memory_space<hbm>>) dst(%arg8 : memref<10000x128xf32, #tpu.memory_space<vmem_shared>>)
        tpu.yield
      }) : () -> ()
    } else {
    }
    %barrier3A = arith.constant 0 : index
    tpu.barrier barrier_id(%barrier3A)
    %mul3A = arith.constant 16 : i32
    %mul3A_2 = arith.muli %arg0, %mul3A : i32
    %add3A = arith.addi %mul3A_2, %arg1 : i32
    %mul3A_3 = arith.constant 40 : i32
    %mul3A_4 = arith.muli %add3A, %mul3A_3 : i32
    %sub3A = arith.constant 1250 : i32
    %sub3A_5 = arith.subi %sub3A, %mul3A_4 : i32
    %min3A = arith.constant 40 : i32
    %min3A_6 = arith.minsi %min3A, %sub3A_5 : i32
    "tpu.region"() ({
      %run_scoped3A = tpu.sem_alloc : memref<!tpu.dma_semaphore, #tpu.memory_space<semaphore_mem>>
      %dma_start3A = arith.constant 0 : i32
      %dma_start3A_22 = tpu.memref_slice %arg3[%mul3A_4, %dma_start3A] : memref<1280x128xi32, #tpu.memory_space<hbm>> -> memref<40x128xi32, #tpu.memory_space<hbm>>
      %dma_start3A_23 = arith.constant 0 : i32
      %dma_start3A_24 = tpu.memref_slice %arg3[%mul3A_4, %dma_start3A_23] : memref<1280x128xi32, #tpu.memory_space<hbm>> -> memref<40x128xi32, #tpu.memory_space<hbm>>
      tpu.enqueue_dma source(%dma_start3A_24 : memref<40x128xi32, #tpu.memory_space<hbm>>) target(%arg7 : memref<40x128xi32, #tpu.memory_space<vmem>>) target_semaphore(%run_scoped3A : memref<!tpu.dma_semaphore, #tpu.memory_space<semaphore_mem>>)
      %dma_wait3A = arith.constant 0 : i32
      %dma_wait3A_25 = tpu.memref_slice %arg3[%mul3A_4, %dma_wait3A] : memref<1280x128xi32, #tpu.memory_space<hbm>> -> memref<40x128xi32, #tpu.memory_space<hbm>>
      %dma_wait3A_26 = arith.constant 0 : i32
      %dma_wait3A_27 = tpu.memref_slice %arg3[%mul3A_4, %dma_wait3A_26] : memref<1280x128xi32, #tpu.memory_space<hbm>> -> memref<40x128xi32, #tpu.memory_space<hbm>>
      tpu.wait_dma2 semaphore(%run_scoped3A : memref<!tpu.dma_semaphore, #tpu.memory_space<semaphore_mem>>) src(%dma_wait3A_27 : memref<40x128xi32, #tpu.memory_space<hbm>>) dst(%arg7 : memref<40x128xi32, #tpu.memory_space<vmem>>)
      tpu.yield
    }) : () -> ()
    %while3A = arith.constant 0 : i32
    %while3A_7 = arith.constant 0 : i32
    %while3A_8 = arith.subi %min3A_6, %while3A_7 : i32
    %while3A_9 = arith.addi %while3A_7, %while3A_8 : i32
    %while3A_10 = arith.constant 1 : i32
    %while3A_11 = arith.divsi %while3A_8, %while3A_10 : i32
    %while3A_12 = arith.muli %while3A_11, %while3A_10 : i32
    %while3A_13 = arith.addi %while3A_7, %while3A_12 : i32
    %while3A_14 = arith.constant 1 : i32
    scf.for %while3A_22 = %while3A_7 to %while3A_13 step %while3A_14  : i32 {
      %add3A_23 = arith.addi %mul3A_4, %while3A_22 : i32
      %mul3A_24 = arith.constant 128 : i32
      %mul3A_25 = arith.muli %add3A_23, %mul3A_24 : i32
      %add3A_26 = arith.constant 0 : i32
      %add3A_27 = arith.addi %add3A_26, %mul3A_25 : i32
      "tpu.region"() ({
        %run_scoped3A = tpu.sem_alloc : memref<!tpu.dma_semaphore, #tpu.memory_space<semaphore_mem>>
        %dma_start3A = arith.constant 0 : i32
        %dma_start3A_28 = tpu.memref_slice %arg2[%add3A_27, %dma_start3A] : memref<160000x128xf32, #tpu.memory_space<hbm>> -> memref<128x128xf32, #tpu.memory_space<hbm>>
        %dma_start3A_29 = arith.constant 0 : i32
        %dma_start3A_30 = tpu.memref_slice %arg2[%add3A_27, %dma_start3A_29] : memref<160000x128xf32, #tpu.memory_space<hbm>> -> memref<128x128xf32, #tpu.memory_space<hbm>>
        tpu.enqueue_dma source(%dma_start3A_30 : memref<128x128xf32, #tpu.memory_space<hbm>>) target(%arg6 : memref<128x128xf32, #tpu.memory_space<vmem>>) target_semaphore(%run_scoped3A : memref<!tpu.dma_semaphore, #tpu.memory_space<semaphore_mem>>)
        %dma_wait3A = arith.constant 0 : i32
        %dma_wait3A_31 = tpu.memref_slice %arg2[%add3A_27, %dma_wait3A] : memref<160000x128xf32, #tpu.memory_space<hbm>> -> memref<128x128xf32, #tpu.memory_space<hbm>>
        %dma_wait3A_32 = arith.constant 0 : i32
        %dma_wait3A_33 = tpu.memref_slice %arg2[%add3A_27, %dma_wait3A_32] : memref<160000x128xf32, #tpu.memory_space<hbm>> -> memref<128x128xf32, #tpu.memory_space<hbm>>
        tpu.wait_dma2 semaphore(%run_scoped3A : memref<!tpu.dma_semaphore, #tpu.memory_space<semaphore_mem>>) src(%dma_wait3A_33 : memref<128x128xf32, #tpu.memory_space<hbm>>) dst(%arg6 : memref<128x128xf32, #tpu.memory_space<vmem>>)
        tpu.yield
      }) : () -> ()
      "tpu.region"() ({
        %run_scoped3A = tpu.sem_alloc : memref<!tpu.dma_semaphore, #tpu.memory_space<semaphore_mem>>
        %dma_start3A = arith.constant 0 : i32
        %dma_start3A_28 = tpu.memref_slice %arg7[%while3A_22, %dma_start3A] : memref<40x128xi32, #tpu.memory_space<vmem>> -> memref<1x128xi32, #tpu.memory_space<vmem>>
        %dma_start3A_29 = tpu.memref_squeeze %dma_start3A_28 : memref<1x128xi32, #tpu.memory_space<vmem>> -> memref<128xi32, #tpu.memory_space<vmem>>
        %dma_start3A_30 = arith.constant 0 : i32
        %dma_start3A_31 = arith.constant 0 : i32
        %dma_start3A_32 = tpu.memref_slice %arg8[%dma_start3A_30, %dma_start3A_31] : memref<10000x128xf32, #tpu.memory_space<vmem_shared>> -> memref<10000x128xf32, #tpu.memory_space<vmem_shared>>
        tpu.enqueue_indirect_dma source(%arg6 : memref<128x128xf32, #tpu.memory_space<vmem>>) target(%dma_start3A_32 : memref<10000x128xf32, #tpu.memory_space<vmem_shared>>) offsets(%dma_start3A_29 : memref<128xi32, #tpu.memory_space<vmem>>) semaphore(%run_scoped3A : memref<!tpu.dma_semaphore, #tpu.memory_space<semaphore_mem>>) {add = true}
        %dma_wait3A = arith.constant 0 : i32
        %dma_wait3A_33 = tpu.memref_slice %arg7[%while3A_22, %dma_wait3A] : memref<40x128xi32, #tpu.memory_space<vmem>> -> memref<1x128xi32, #tpu.memory_space<vmem>>
        %dma_wait3A_34 = tpu.memref_squeeze %dma_wait3A_33 : memref<1x128xi32, #tpu.memory_space<vmem>> -> memref<128xi32, #tpu.memory_space<vmem>>
        %dma_wait3A_35 = arith.constant 0 : i32
        %dma_wait3A_36 = arith.constant 0 : i32
        %dma_wait3A_37 = tpu.memref_slice %arg8[%dma_wait3A_35, %dma_wait3A_36] : memref<10000x128xf32, #tpu.memory_space<vmem_shared>> -> memref<10000x128xf32, #tpu.memory_space<vmem_shared>>
        tpu.wait_indirect_dma semaphore(%run_scoped3A : memref<!tpu.dma_semaphore, #tpu.memory_space<semaphore_mem>>) src(%arg6 : memref<128x128xf32, #tpu.memory_space<vmem>>) dst(%dma_wait3A_37 : memref<10000x128xf32, #tpu.memory_space<vmem_shared>>)
        tpu.yield
      }) : () -> ()
    }
    %while3A_15 = arith.constant 1 : i32
    scf.for %while3A_22 = %while3A_13 to %while3A_9 step %while3A_15  : i32 {
      %add3A_23 = arith.addi %mul3A_4, %while3A_22 : i32
      %mul3A_24 = arith.constant 128 : i32
      %mul3A_25 = arith.muli %add3A_23, %mul3A_24 : i32
      %add3A_26 = arith.constant 0 : i32
      %add3A_27 = arith.addi %add3A_26, %mul3A_25 : i32
      "tpu.region"() ({
        %run_scoped3A = tpu.sem_alloc : memref<!tpu.dma_semaphore, #tpu.memory_space<semaphore_mem>>
        %dma_start3A = arith.constant 0 : i32
        %dma_start3A_28 = tpu.memref_slice %arg2[%add3A_27, %dma_start3A] : memref<160000x128xf32, #tpu.memory_space<hbm>> -> memref<128x128xf32, #tpu.memory_space<hbm>>
        %dma_start3A_29 = arith.constant 0 : i32
        %dma_start3A_30 = tpu.memref_slice %arg2[%add3A_27, %dma_start3A_29] : memref<160000x128xf32, #tpu.memory_space<hbm>> -> memref<128x128xf32, #tpu.memory_space<hbm>>
        tpu.enqueue_dma source(%dma_start3A_30 : memref<128x128xf32, #tpu.memory_space<hbm>>) target(%arg6 : memref<128x128xf32, #tpu.memory_space<vmem>>) target_semaphore(%run_scoped3A : memref<!tpu.dma_semaphore, #tpu.memory_space<semaphore_mem>>)
        %dma_wait3A = arith.constant 0 : i32
        %dma_wait3A_31 = tpu.memref_slice %arg2[%add3A_27, %dma_wait3A] : memref<160000x128xf32, #tpu.memory_space<hbm>> -> memref<128x128xf32, #tpu.memory_space<hbm>>
        %dma_wait3A_32 = arith.constant 0 : i32
        %dma_wait3A_33 = tpu.memref_slice %arg2[%add3A_27, %dma_wait3A_32] : memref<160000x128xf32, #tpu.memory_space<hbm>> -> memref<128x128xf32, #tpu.memory_space<hbm>>
        tpu.wait_dma2 semaphore(%run_scoped3A : memref<!tpu.dma_semaphore, #tpu.memory_space<semaphore_mem>>) src(%dma_wait3A_33 : memref<128x128xf32, #tpu.memory_space<hbm>>) dst(%arg6 : memref<128x128xf32, #tpu.memory_space<vmem>>)
        tpu.yield
      }) : () -> ()
      "tpu.region"() ({
        %run_scoped3A = tpu.sem_alloc : memref<!tpu.dma_semaphore, #tpu.memory_space<semaphore_mem>>
        %dma_start3A = arith.constant 0 : i32
        %dma_start3A_28 = tpu.memref_slice %arg7[%while3A_22, %dma_start3A] : memref<40x128xi32, #tpu.memory_space<vmem>> -> memref<1x128xi32, #tpu.memory_space<vmem>>
        %dma_start3A_29 = tpu.memref_squeeze %dma_start3A_28 : memref<1x128xi32, #tpu.memory_space<vmem>> -> memref<128xi32, #tpu.memory_space<vmem>>
        %dma_start3A_30 = arith.constant 0 : i32
        %dma_start3A_31 = arith.constant 0 : i32
        %dma_start3A_32 = tpu.memref_slice %arg8[%dma_start3A_30, %dma_start3A_31] : memref<10000x128xf32, #tpu.memory_space<vmem_shared>> -> memref<10000x128xf32, #tpu.memory_space<vmem_shared>>
        tpu.enqueue_indirect_dma source(%arg6 : memref<128x128xf32, #tpu.memory_space<vmem>>) target(%dma_start3A_32 : memref<10000x128xf32, #tpu.memory_space<vmem_shared>>) offsets(%dma_start3A_29 : memref<128xi32, #tpu.memory_space<vmem>>) semaphore(%run_scoped3A : memref<!tpu.dma_semaphore, #tpu.memory_space<semaphore_mem>>) {add = true}
        %dma_wait3A = arith.constant 0 : i32
        %dma_wait3A_33 = tpu.memref_slice %arg7[%while3A_22, %dma_wait3A] : memref<40x128xi32, #tpu.memory_space<vmem>> -> memref<1x128xi32, #tpu.memory_space<vmem>>
        %dma_wait3A_34 = tpu.memref_squeeze %dma_wait3A_33 : memref<1x128xi32, #tpu.memory_space<vmem>> -> memref<128xi32, #tpu.memory_space<vmem>>
        %dma_wait3A_35 = arith.constant 0 : i32
        %dma_wait3A_36 = arith.constant 0 : i32
        %dma_wait3A_37 = tpu.memref_slice %arg8[%dma_wait3A_35, %dma_wait3A_36] : memref<10000x128xf32, #tpu.memory_space<vmem_shared>> -> memref<10000x128xf32, #tpu.memory_space<vmem_shared>>
        tpu.wait_indirect_dma semaphore(%run_scoped3A : memref<!tpu.dma_semaphore, #tpu.memory_space<semaphore_mem>>) src(%arg6 : memref<128x128xf32, #tpu.memory_space<vmem>>) dst(%dma_wait3A_37 : memref<10000x128xf32, #tpu.memory_space<vmem_shared>>)
        tpu.yield
      }) : () -> ()
    }
    %barrier3A_16 = arith.constant 0 : index
    tpu.barrier barrier_id(%barrier3A_16)
    %eq3A_17 = arith.constant 0 : i32
    %eq3A_18 = arith.cmpi eq, %arg1, %eq3A_17 : i32
    %convert_element_type3A_19 = arith.extui %eq3A_18 : i1 to i32
    %cond3A_20 = arith.constant 0 : i32
    %cond3A_21 = arith.cmpi ne, %convert_element_type3A_19, %cond3A_20 : i32
    scf.if %cond3A_21 {
      %mul3A_22 = arith.constant 10000 : i32
      %mul3A_23 = arith.muli %arg0, %mul3A_22 : i32
      "tpu.region"() ({
        %run_scoped3A = tpu.sem_alloc : memref<!tpu.dma_semaphore, #tpu.memory_space<semaphore_mem>>
        %dma_start3A = arith.constant 0 : i32
        %dma_start3A_24 = tpu.memref_slice %arg5[%mul3A_23, %dma_start3A] : memref<20000x128xf32, #tpu.memory_space<hbm>> -> memref<10000x128xf32, #tpu.memory_space<hbm>>
        tpu.enqueue_dma source(%arg8 : memref<10000x128xf32, #tpu.memory_space<vmem_shared>>) target(%dma_start3A_24 : memref<10000x128xf32, #tpu.memory_space<hbm>>) target_semaphore(%run_scoped3A : memref<!tpu.dma_semaphore, #tpu.memory_space<semaphore_mem>>)
        %dma_wait3A = arith.constant 0 : i32
        %dma_wait3A_25 = tpu.memref_slice %arg5[%mul3A_23, %dma_wait3A] : memref<20000x128xf32, #tpu.memory_space<hbm>> -> memref<10000x128xf32, #tpu.memory_space<hbm>>
        tpu.wait_dma2 semaphore(%run_scoped3A : memref<!tpu.dma_semaphore, #tpu.memory_space<semaphore_mem>>) src(%arg8 : memref<10000x128xf32, #tpu.memory_space<vmem_shared>>) dst(%dma_wait3A_25 : memref<10000x128xf32, #tpu.memory_space<hbm>>)
        tpu.yield
      }) : () -> ()
    } else {
    }
    return
  }
}

#map = affine_map<(d0, d1) -> (0, 0)>
#map1 = affine_map<(d0, d1) -> (0)>
module attributes {stable_mosaic.version = 14 : i64} {
  func.func @gather_k(%arg0: i32, %arg1: i32, %arg2: memref<10000x128xf32, #tpu.memory_space<hbm>>, %arg3: memref<160000xi32, #tpu.memory_space<hbm>>, %arg4: memref<160000x128xf32, #tpu.memory_space<hbm>>, %arg5: memref<5000xi32, #tpu.memory_space<vmem>>, %arg6: memref<128x128xf32, #tpu.memory_space<vmem>>, %arg7: memref<8x128xf32, #tpu.memory_space<vmem>>) attributes {dimension_semantics = [#tpu.dimension_semantics<core_parallel>, #tpu.dimension_semantics<subcore_parallel>], iteration_bounds = array<i64: 2, 16>, scalar_prefetch = 0 : i64, scratch_operands = 3 : i64, tpu.core_type = #tpu.core_type<sc_vector_subcore>, window_params = [{transform_indices = #map}, {transform_indices = #map1}, {transform_indices = #map}]} {
    %mul3A = arith.constant 2 : i32
    %mul3A_0 = arith.muli %arg1, %mul3A : i32
    %add3A = arith.addi %mul3A_0, %arg0 : i32
    %mul3A_1 = arith.constant 5000 : i32
    %mul3A_2 = arith.muli %add3A, %mul3A_1 : i32
    "tpu.region"() ({
      %run_scoped3A = tpu.sem_alloc : memref<!tpu.dma_semaphore, #tpu.memory_space<semaphore_mem>>
      %dma_start3A = tpu.memref_slice %arg3[%mul3A_2] : memref<160000xi32, #tpu.memory_space<hbm>> -> memref<5000xi32, #tpu.memory_space<hbm>>
      %dma_start3A_10 = tpu.memref_slice %arg3[%mul3A_2] : memref<160000xi32, #tpu.memory_space<hbm>> -> memref<5000xi32, #tpu.memory_space<hbm>>
      tpu.enqueue_dma source(%dma_start3A_10 : memref<5000xi32, #tpu.memory_space<hbm>>) target(%arg5 : memref<5000xi32, #tpu.memory_space<vmem>>) target_semaphore(%run_scoped3A : memref<!tpu.dma_semaphore, #tpu.memory_space<semaphore_mem>>)
      %dma_wait3A = tpu.memref_slice %arg3[%mul3A_2] : memref<160000xi32, #tpu.memory_space<hbm>> -> memref<5000xi32, #tpu.memory_space<hbm>>
      %dma_wait3A_11 = tpu.memref_slice %arg3[%mul3A_2] : memref<160000xi32, #tpu.memory_space<hbm>> -> memref<5000xi32, #tpu.memory_space<hbm>>
      tpu.wait_dma2 semaphore(%run_scoped3A : memref<!tpu.dma_semaphore, #tpu.memory_space<semaphore_mem>>) src(%dma_wait3A_11 : memref<5000xi32, #tpu.memory_space<hbm>>) dst(%arg5 : memref<5000xi32, #tpu.memory_space<vmem>>)
      tpu.yield
    }) : () -> ()
    %scan3A = arith.constant 0 : i32
    %scan3A_3 = arith.constant 0 : i32
    %scan3A_4 = arith.constant 39 : i32
    %scan3A_5 = arith.addi %scan3A_3, %scan3A_4 : i32
    %scan3A_6 = arith.constant 1 : i32
    scf.for %scan3A_10 = %scan3A_3 to %scan3A_5 step %scan3A_6  : i32 {
      %mul3A_11 = arith.constant 128 : i32
      %mul3A_12 = arith.muli %scan3A_10, %mul3A_11 : i32
      "tpu.region"() ({
        %run_scoped3A = tpu.sem_alloc : memref<!tpu.dma_semaphore, #tpu.memory_space<semaphore_mem>>
        %dma_start3A = tpu.memref_slice %arg5[%mul3A_12] : memref<5000xi32, #tpu.memory_space<vmem>> -> memref<128xi32, #tpu.memory_space<vmem>>
        %dma_start3A_14 = arith.constant 0 : i32
        %dma_start3A_15 = arith.constant 0 : i32
        %dma_start3A_16 = tpu.memref_slice %arg2[%dma_start3A_14, %dma_start3A_15] : memref<10000x128xf32, #tpu.memory_space<hbm>> -> memref<10000x128xf32, #tpu.memory_space<hbm>>
        tpu.enqueue_indirect_dma source(%dma_start3A_16 : memref<10000x128xf32, #tpu.memory_space<hbm>>) target(%arg6 : memref<128x128xf32, #tpu.memory_space<vmem>>) offsets(%dma_start3A : memref<128xi32, #tpu.memory_space<vmem>>) semaphore(%run_scoped3A : memref<!tpu.dma_semaphore, #tpu.memory_space<semaphore_mem>>)
        %dma_wait3A = tpu.memref_slice %arg5[%mul3A_12] : memref<5000xi32, #tpu.memory_space<vmem>> -> memref<128xi32, #tpu.memory_space<vmem>>
        %dma_wait3A_17 = arith.constant 0 : i32
        %dma_wait3A_18 = arith.constant 0 : i32
        %dma_wait3A_19 = tpu.memref_slice %arg2[%dma_wait3A_17, %dma_wait3A_18] : memref<10000x128xf32, #tpu.memory_space<hbm>> -> memref<10000x128xf32, #tpu.memory_space<hbm>>
        tpu.wait_indirect_dma semaphore(%run_scoped3A : memref<!tpu.dma_semaphore, #tpu.memory_space<semaphore_mem>>) src(%dma_wait3A_19 : memref<10000x128xf32, #tpu.memory_space<hbm>>) dst(%arg6 : memref<128x128xf32, #tpu.memory_space<vmem>>)
        tpu.yield
      }) : () -> ()
      %add3A_13 = arith.addi %mul3A_2, %mul3A_12 : i32
      "tpu.region"() ({
        %run_scoped3A = tpu.sem_alloc : memref<!tpu.dma_semaphore, #tpu.memory_space<semaphore_mem>>
        %dma_start3A = arith.constant 0 : i32
        %dma_start3A_14 = tpu.memref_slice %arg4[%add3A_13, %dma_start3A] : memref<160000x128xf32, #tpu.memory_space<hbm>> -> memref<128x128xf32, #tpu.memory_space<hbm>>
        %dma_start3A_15 = arith.constant 0 : i32
        %dma_start3A_16 = tpu.memref_slice %arg4[%add3A_13, %dma_start3A_15] : memref<160000x128xf32, #tpu.memory_space<hbm>> -> memref<128x128xf32, #tpu.memory_space<hbm>>
        tpu.enqueue_dma source(%arg6 : memref<128x128xf32, #tpu.memory_space<vmem>>) target(%dma_start3A_16 : memref<128x128xf32, #tpu.memory_space<hbm>>) target_semaphore(%run_scoped3A : memref<!tpu.dma_semaphore, #tpu.memory_space<semaphore_mem>>)
        %dma_wait3A = arith.constant 0 : i32
        %dma_wait3A_17 = tpu.memref_slice %arg4[%add3A_13, %dma_wait3A] : memref<160000x128xf32, #tpu.memory_space<hbm>> -> memref<128x128xf32, #tpu.memory_space<hbm>>
        %dma_wait3A_18 = arith.constant 0 : i32
        %dma_wait3A_19 = tpu.memref_slice %arg4[%add3A_13, %dma_wait3A_18] : memref<160000x128xf32, #tpu.memory_space<hbm>> -> memref<128x128xf32, #tpu.memory_space<hbm>>
        tpu.wait_dma2 semaphore(%run_scoped3A : memref<!tpu.dma_semaphore, #tpu.memory_space<semaphore_mem>>) src(%arg6 : memref<128x128xf32, #tpu.memory_space<vmem>>) dst(%dma_wait3A_19 : memref<128x128xf32, #tpu.memory_space<hbm>>)
        tpu.yield
      }) : () -> ()
    }
    %scan3A_7 = arith.constant 39 : i32
    "tpu.region"() ({
      %run_scoped3A = tpu.sem_alloc : memref<!tpu.dma_semaphore, #tpu.memory_space<semaphore_mem>>
      %dma_start3A = arith.constant 4992 : i32
      %dma_start3A_10 = tpu.memref_slice %arg5[%dma_start3A] : memref<5000xi32, #tpu.memory_space<vmem>> -> memref<8xi32, #tpu.memory_space<vmem>>
      %dma_start3A_11 = arith.constant 0 : i32
      %dma_start3A_12 = arith.constant 0 : i32
      %dma_start3A_13 = tpu.memref_slice %arg2[%dma_start3A_11, %dma_start3A_12] : memref<10000x128xf32, #tpu.memory_space<hbm>> -> memref<10000x128xf32, #tpu.memory_space<hbm>>
      tpu.enqueue_indirect_dma source(%dma_start3A_13 : memref<10000x128xf32, #tpu.memory_space<hbm>>) target(%arg7 : memref<8x128xf32, #tpu.memory_space<vmem>>) offsets(%dma_start3A_10 : memref<8xi32, #tpu.memory_space<vmem>>) semaphore(%run_scoped3A : memref<!tpu.dma_semaphore, #tpu.memory_space<semaphore_mem>>)
      %dma_wait3A = arith.constant 4992 : i32
      %dma_wait3A_14 = tpu.memref_slice %arg5[%dma_wait3A] : memref<5000xi32, #tpu.memory_space<vmem>> -> memref<8xi32, #tpu.memory_space<vmem>>
      %dma_wait3A_15 = arith.constant 0 : i32
      %dma_wait3A_16 = arith.constant 0 : i32
      %dma_wait3A_17 = tpu.memref_slice %arg2[%dma_wait3A_15, %dma_wait3A_16] : memref<10000x128xf32, #tpu.memory_space<hbm>> -> memref<10000x128xf32, #tpu.memory_space<hbm>>
      tpu.wait_indirect_dma semaphore(%run_scoped3A : memref<!tpu.dma_semaphore, #tpu.memory_space<semaphore_mem>>) src(%dma_wait3A_17 : memref<10000x128xf32, #tpu.memory_space<hbm>>) dst(%arg7 : memref<8x128xf32, #tpu.memory_space<vmem>>)
      tpu.yield
    }) : () -> ()
    %add3A_8 = arith.constant 4992 : i32
    %add3A_9 = arith.addi %mul3A_2, %add3A_8 : i32
    "tpu.region"() ({
      %run_scoped3A = tpu.sem_alloc : memref<!tpu.dma_semaphore, #tpu.memory_space<semaphore_mem>>
      %dma_start3A = arith.constant 0 : i32
      %dma_start3A_10 = tpu.memref_slice %arg4[%add3A_9, %dma_start3A] : memref<160000x128xf32, #tpu.memory_space<hbm>> -> memref<8x128xf32, #tpu.memory_space<hbm>>
      %dma_start3A_11 = arith.constant 0 : i32
      %dma_start3A_12 = tpu.memref_slice %arg4[%add3A_9, %dma_start3A_11] : memref<160000x128xf32, #tpu.memory_space<hbm>> -> memref<8x128xf32, #tpu.memory_space<hbm>>
      tpu.enqueue_dma source(%arg7 : memref<8x128xf32, #tpu.memory_space<vmem>>) target(%dma_start3A_12 : memref<8x128xf32, #tpu.memory_space<hbm>>) target_semaphore(%run_scoped3A : memref<!tpu.dma_semaphore, #tpu.memory_space<semaphore_mem>>)
      %dma_wait3A = arith.constant 0 : i32
      %dma_wait3A_13 = tpu.memref_slice %arg4[%add3A_9, %dma_wait3A] : memref<160000x128xf32, #tpu.memory_space<hbm>> -> memref<8x128xf32, #tpu.memory_space<hbm>>
      %dma_wait3A_14 = arith.constant 0 : i32
      %dma_wait3A_15 = tpu.memref_slice %arg4[%add3A_9, %dma_wait3A_14] : memref<160000x128xf32, #tpu.memory_space<hbm>> -> memref<8x128xf32, #tpu.memory_space<hbm>>
      tpu.wait_dma2 semaphore(%run_scoped3A : memref<!tpu.dma_semaphore, #tpu.memory_space<semaphore_mem>>) src(%arg7 : memref<8x128xf32, #tpu.memory_space<vmem>>) dst(%dma_wait3A_15 : memref<8x128xf32, #tpu.memory_space<hbm>>)
      tpu.yield
    }) : () -> ()
    return
  }
}

#map = affine_map<(d0, d1) -> (0, 0)>
#map1 = affine_map<(d0, d1) -> (0)>
module attributes {stable_mosaic.version = 14 : i64} {
  func.func @gather_k(%arg0: i32, %arg1: i32, %arg2: memref<10000x128xf32, #tpu.memory_space<hbm>>, %arg3: memref<160000xi32, #tpu.memory_space<hbm>>, %arg4: memref<160000x128xf32, #tpu.memory_space<hbm>>, %arg5: memref<5000xi32, #tpu.memory_space<vmem>>, %arg6: memref<128x128xf32, #tpu.memory_space<vmem>>, %arg7: memref<8x128xf32, #tpu.memory_space<vmem>>) attributes {dimension_semantics = [#tpu.dimension_semantics<core_parallel>, #tpu.dimension_semantics<subcore_parallel>], iteration_bounds = array<i64: 2, 16>, scalar_prefetch = 0 : i64, scratch_operands = 3 : i64, tpu.core_type = #tpu.core_type<sc_vector_subcore>, window_params = [{transform_indices = #map}, {transform_indices = #map1}, {transform_indices = #map}]} {
    %mul3A = arith.constant 2 : i32
    %mul3A_0 = arith.muli %arg1, %mul3A : i32
    %add3A = arith.addi %mul3A_0, %arg0 : i32
    %mul3A_1 = arith.constant 5000 : i32
    %mul3A_2 = arith.muli %add3A, %mul3A_1 : i32
    "tpu.region"() ({
      %run_scoped3A = tpu.sem_alloc : memref<!tpu.dma_semaphore, #tpu.memory_space<semaphore_mem>>
      %dma_start3A = tpu.memref_slice %arg3[%mul3A_2] : memref<160000xi32, #tpu.memory_space<hbm>> -> memref<5000xi32, #tpu.memory_space<hbm>>
      %dma_start3A_10 = tpu.memref_slice %arg3[%mul3A_2] : memref<160000xi32, #tpu.memory_space<hbm>> -> memref<5000xi32, #tpu.memory_space<hbm>>
      tpu.enqueue_dma source(%dma_start3A_10 : memref<5000xi32, #tpu.memory_space<hbm>>) target(%arg5 : memref<5000xi32, #tpu.memory_space<vmem>>) target_semaphore(%run_scoped3A : memref<!tpu.dma_semaphore, #tpu.memory_space<semaphore_mem>>)
      %dma_wait3A = tpu.memref_slice %arg3[%mul3A_2] : memref<160000xi32, #tpu.memory_space<hbm>> -> memref<5000xi32, #tpu.memory_space<hbm>>
      %dma_wait3A_11 = tpu.memref_slice %arg3[%mul3A_2] : memref<160000xi32, #tpu.memory_space<hbm>> -> memref<5000xi32, #tpu.memory_space<hbm>>
      tpu.wait_dma2 semaphore(%run_scoped3A : memref<!tpu.dma_semaphore, #tpu.memory_space<semaphore_mem>>) src(%dma_wait3A_11 : memref<5000xi32, #tpu.memory_space<hbm>>) dst(%arg5 : memref<5000xi32, #tpu.memory_space<vmem>>)
      tpu.yield
    }) : () -> ()
    %scan3A = arith.constant 0 : i32
    %scan3A_3 = arith.constant 0 : i32
    %scan3A_4 = arith.constant 39 : i32
    %scan3A_5 = arith.addi %scan3A_3, %scan3A_4 : i32
    %scan3A_6 = arith.constant 1 : i32
    scf.for %scan3A_10 = %scan3A_3 to %scan3A_5 step %scan3A_6  : i32 {
      %mul3A_11 = arith.constant 128 : i32
      %mul3A_12 = arith.muli %scan3A_10, %mul3A_11 : i32
      "tpu.region"() ({
        %run_scoped3A = tpu.sem_alloc : memref<!tpu.dma_semaphore, #tpu.memory_space<semaphore_mem>>
        %dma_start3A = tpu.memref_slice %arg5[%mul3A_12] : memref<5000xi32, #tpu.memory_space<vmem>> -> memref<128xi32, #tpu.memory_space<vmem>>
        %dma_start3A_14 = arith.constant 0 : i32
        %dma_start3A_15 = arith.constant 0 : i32
        %dma_start3A_16 = tpu.memref_slice %arg2[%dma_start3A_14, %dma_start3A_15] : memref<10000x128xf32, #tpu.memory_space<hbm>> -> memref<10000x128xf32, #tpu.memory_space<hbm>>
        tpu.enqueue_indirect_dma source(%dma_start3A_16 : memref<10000x128xf32, #tpu.memory_space<hbm>>) target(%arg6 : memref<128x128xf32, #tpu.memory_space<vmem>>) offsets(%dma_start3A : memref<128xi32, #tpu.memory_space<vmem>>) semaphore(%run_scoped3A : memref<!tpu.dma_semaphore, #tpu.memory_space<semaphore_mem>>)
        %dma_wait3A = tpu.memref_slice %arg5[%mul3A_12] : memref<5000xi32, #tpu.memory_space<vmem>> -> memref<128xi32, #tpu.memory_space<vmem>>
        %dma_wait3A_17 = arith.constant 0 : i32
        %dma_wait3A_18 = arith.constant 0 : i32
        %dma_wait3A_19 = tpu.memref_slice %arg2[%dma_wait3A_17, %dma_wait3A_18] : memref<10000x128xf32, #tpu.memory_space<hbm>> -> memref<10000x128xf32, #tpu.memory_space<hbm>>
        tpu.wait_indirect_dma semaphore(%run_scoped3A : memref<!tpu.dma_semaphore, #tpu.memory_space<semaphore_mem>>) src(%dma_wait3A_19 : memref<10000x128xf32, #tpu.memory_space<hbm>>) dst(%arg6 : memref<128x128xf32, #tpu.memory_space<vmem>>)
        tpu.yield
      }) : () -> ()
      %add3A_13 = arith.addi %mul3A_2, %mul3A_12 : i32
      "tpu.region"() ({
        %run_scoped3A = tpu.sem_alloc : memref<!tpu.dma_semaphore, #tpu.memory_space<semaphore_mem>>
        %dma_start3A = arith.constant 0 : i32
        %dma_start3A_14 = tpu.memref_slice %arg4[%add3A_13, %dma_start3A] : memref<160000x128xf32, #tpu.memory_space<hbm>> -> memref<128x128xf32, #tpu.memory_space<hbm>>
        %dma_start3A_15 = arith.constant 0 : i32
        %dma_start3A_16 = tpu.memref_slice %arg4[%add3A_13, %dma_start3A_15] : memref<160000x128xf32, #tpu.memory_space<hbm>> -> memref<128x128xf32, #tpu.memory_space<hbm>>
        tpu.enqueue_dma source(%arg6 : memref<128x128xf32, #tpu.memory_space<vmem>>) target(%dma_start3A_16 : memref<128x128xf32, #tpu.memory_space<hbm>>) target_semaphore(%run_scoped3A : memref<!tpu.dma_semaphore, #tpu.memory_space<semaphore_mem>>)
        %dma_wait3A = arith.constant 0 : i32
        %dma_wait3A_17 = tpu.memref_slice %arg4[%add3A_13, %dma_wait3A] : memref<160000x128xf32, #tpu.memory_space<hbm>> -> memref<128x128xf32, #tpu.memory_space<hbm>>
        %dma_wait3A_18 = arith.constant 0 : i32
        %dma_wait3A_19 = tpu.memref_slice %arg4[%add3A_13, %dma_wait3A_18] : memref<160000x128xf32, #tpu.memory_space<hbm>> -> memref<128x128xf32, #tpu.memory_space<hbm>>
        tpu.wait_dma2 semaphore(%run_scoped3A : memref<!tpu.dma_semaphore, #tpu.memory_space<semaphore_mem>>) src(%arg6 : memref<128x128xf32, #tpu.memory_space<vmem>>) dst(%dma_wait3A_19 : memref<128x128xf32, #tpu.memory_space<hbm>>)
        tpu.yield
      }) : () -> ()
    }
    %scan3A_7 = arith.constant 39 : i32
    "tpu.region"() ({
      %run_scoped3A = tpu.sem_alloc : memref<!tpu.dma_semaphore, #tpu.memory_space<semaphore_mem>>
      %dma_start3A = arith.constant 4992 : i32
      %dma_start3A_10 = tpu.memref_slice %arg5[%dma_start3A] : memref<5000xi32, #tpu.memory_space<vmem>> -> memref<8xi32, #tpu.memory_space<vmem>>
      %dma_start3A_11 = arith.constant 0 : i32
      %dma_start3A_12 = arith.constant 0 : i32
      %dma_start3A_13 = tpu.memref_slice %arg2[%dma_start3A_11, %dma_start3A_12] : memref<10000x128xf32, #tpu.memory_space<hbm>> -> memref<10000x128xf32, #tpu.memory_space<hbm>>
      tpu.enqueue_indirect_dma source(%dma_start3A_13 : memref<10000x128xf32, #tpu.memory_space<hbm>>) target(%arg7 : memref<8x128xf32, #tpu.memory_space<vmem>>) offsets(%dma_start3A_10 : memref<8xi32, #tpu.memory_space<vmem>>) semaphore(%run_scoped3A : memref<!tpu.dma_semaphore, #tpu.memory_space<semaphore_mem>>)
      %dma_wait3A = arith.constant 4992 : i32
      %dma_wait3A_14 = tpu.memref_slice %arg5[%dma_wait3A] : memref<5000xi32, #tpu.memory_space<vmem>> -> memref<8xi32, #tpu.memory_space<vmem>>
      %dma_wait3A_15 = arith.constant 0 : i32
      %dma_wait3A_16 = arith.constant 0 : i32
      %dma_wait3A_17 = tpu.memref_slice %arg2[%dma_wait3A_15, %dma_wait3A_16] : memref<10000x128xf32, #tpu.memory_space<hbm>> -> memref<10000x128xf32, #tpu.memory_space<hbm>>
      tpu.wait_indirect_dma semaphore(%run_scoped3A : memref<!tpu.dma_semaphore, #tpu.memory_space<semaphore_mem>>) src(%dma_wait3A_17 : memref<10000x128xf32, #tpu.memory_space<hbm>>) dst(%arg7 : memref<8x128xf32, #tpu.memory_space<vmem>>)
      tpu.yield
    }) : () -> ()
    %add3A_8 = arith.constant 4992 : i32
    %add3A_9 = arith.addi %mul3A_2, %add3A_8 : i32
    "tpu.region"() ({
      %run_scoped3A = tpu.sem_alloc : memref<!tpu.dma_semaphore, #tpu.memory_space<semaphore_mem>>
      %dma_start3A = arith.constant 0 : i32
      %dma_start3A_10 = tpu.memref_slice %arg4[%add3A_9, %dma_start3A] : memref<160000x128xf32, #tpu.memory_space<hbm>> -> memref<8x128xf32, #tpu.memory_space<hbm>>
      %dma_start3A_11 = arith.constant 0 : i32
      %dma_start3A_12 = tpu.memref_slice %arg4[%add3A_9, %dma_start3A_11] : memref<160000x128xf32, #tpu.memory_space<hbm>> -> memref<8x128xf32, #tpu.memory_space<hbm>>
      tpu.enqueue_dma source(%arg7 : memref<8x128xf32, #tpu.memory_space<vmem>>) target(%dma_start3A_12 : memref<8x128xf32, #tpu.memory_space<hbm>>) target_semaphore(%run_scoped3A : memref<!tpu.dma_semaphore, #tpu.memory_space<semaphore_mem>>)
      %dma_wait3A = arith.constant 0 : i32
      %dma_wait3A_13 = tpu.memref_slice %arg4[%add3A_9, %dma_wait3A] : memref<160000x128xf32, #tpu.memory_space<hbm>> -> memref<8x128xf32, #tpu.memory_space<hbm>>
      %dma_wait3A_14 = arith.constant 0 : i32
      %dma_wait3A_15 = tpu.memref_slice %arg4[%add3A_9, %dma_wait3A_14] : memref<160000x128xf32, #tpu.memory_space<hbm>> -> memref<8x128xf32, #tpu.memory_space<hbm>>
      tpu.wait_dma2 semaphore(%run_scoped3A : memref<!tpu.dma_semaphore, #tpu.memory_space<semaphore_mem>>) src(%arg7 : memref<8x128xf32, #tpu.memory_space<vmem>>) dst(%dma_wait3A_15 : memref<8x128xf32, #tpu.memory_space<hbm>>)
      tpu.yield
    }) : () -> ()
    return
  }
}

#map = affine_map<(d0, d1) -> (0, 0)>
#map1 = affine_map<(d0, d1) -> (0)>
module attributes {stable_mosaic.version = 14 : i64} {
  func.func @gather_k(%arg0: i32, %arg1: i32, %arg2: memref<10000x128xf32, #tpu.memory_space<hbm>>, %arg3: memref<160000xi32, #tpu.memory_space<hbm>>, %arg4: memref<160000x128xf32, #tpu.memory_space<hbm>>, %arg5: memref<5000xi32, #tpu.memory_space<vmem>>, %arg6: memref<128x128xf32, #tpu.memory_space<vmem>>, %arg7: memref<8x128xf32, #tpu.memory_space<vmem>>) attributes {dimension_semantics = [#tpu.dimension_semantics<core_parallel>, #tpu.dimension_semantics<subcore_parallel>], iteration_bounds = array<i64: 2, 16>, scalar_prefetch = 0 : i64, scratch_operands = 3 : i64, tpu.core_type = #tpu.core_type<sc_vector_subcore>, window_params = [{transform_indices = #map}, {transform_indices = #map1}, {transform_indices = #map}]} {
    %mul3A = arith.constant 2 : i32
    %mul3A_0 = arith.muli %arg1, %mul3A : i32
    %add3A = arith.addi %mul3A_0, %arg0 : i32
    %mul3A_1 = arith.constant 5000 : i32
    %mul3A_2 = arith.muli %add3A, %mul3A_1 : i32
    "tpu.region"() ({
      %run_scoped3A = tpu.sem_alloc : memref<!tpu.dma_semaphore, #tpu.memory_space<semaphore_mem>>
      %dma_start3A = tpu.memref_slice %arg3[%mul3A_2] : memref<160000xi32, #tpu.memory_space<hbm>> -> memref<5000xi32, #tpu.memory_space<hbm>>
      %dma_start3A_10 = tpu.memref_slice %arg3[%mul3A_2] : memref<160000xi32, #tpu.memory_space<hbm>> -> memref<5000xi32, #tpu.memory_space<hbm>>
      tpu.enqueue_dma source(%dma_start3A_10 : memref<5000xi32, #tpu.memory_space<hbm>>) target(%arg5 : memref<5000xi32, #tpu.memory_space<vmem>>) target_semaphore(%run_scoped3A : memref<!tpu.dma_semaphore, #tpu.memory_space<semaphore_mem>>)
      %dma_wait3A = tpu.memref_slice %arg3[%mul3A_2] : memref<160000xi32, #tpu.memory_space<hbm>> -> memref<5000xi32, #tpu.memory_space<hbm>>
      %dma_wait3A_11 = tpu.memref_slice %arg3[%mul3A_2] : memref<160000xi32, #tpu.memory_space<hbm>> -> memref<5000xi32, #tpu.memory_space<hbm>>
      tpu.wait_dma2 semaphore(%run_scoped3A : memref<!tpu.dma_semaphore, #tpu.memory_space<semaphore_mem>>) src(%dma_wait3A_11 : memref<5000xi32, #tpu.memory_space<hbm>>) dst(%arg5 : memref<5000xi32, #tpu.memory_space<vmem>>)
      tpu.yield
    }) : () -> ()
    %scan3A = arith.constant 0 : i32
    %scan3A_3 = arith.constant 0 : i32
    %scan3A_4 = arith.constant 39 : i32
    %scan3A_5 = arith.addi %scan3A_3, %scan3A_4 : i32
    %scan3A_6 = arith.constant 1 : i32
    scf.for %scan3A_10 = %scan3A_3 to %scan3A_5 step %scan3A_6  : i32 {
      %mul3A_11 = arith.constant 128 : i32
      %mul3A_12 = arith.muli %scan3A_10, %mul3A_11 : i32
      "tpu.region"() ({
        %run_scoped3A = tpu.sem_alloc : memref<!tpu.dma_semaphore, #tpu.memory_space<semaphore_mem>>
        %dma_start3A = tpu.memref_slice %arg5[%mul3A_12] : memref<5000xi32, #tpu.memory_space<vmem>> -> memref<128xi32, #tpu.memory_space<vmem>>
        %dma_start3A_14 = arith.constant 0 : i32
        %dma_start3A_15 = arith.constant 0 : i32
        %dma_start3A_16 = tpu.memref_slice %arg2[%dma_start3A_14, %dma_start3A_15] : memref<10000x128xf32, #tpu.memory_space<hbm>> -> memref<10000x128xf32, #tpu.memory_space<hbm>>
        tpu.enqueue_indirect_dma source(%dma_start3A_16 : memref<10000x128xf32, #tpu.memory_space<hbm>>) target(%arg6 : memref<128x128xf32, #tpu.memory_space<vmem>>) offsets(%dma_start3A : memref<128xi32, #tpu.memory_space<vmem>>) semaphore(%run_scoped3A : memref<!tpu.dma_semaphore, #tpu.memory_space<semaphore_mem>>)
        %dma_wait3A = tpu.memref_slice %arg5[%mul3A_12] : memref<5000xi32, #tpu.memory_space<vmem>> -> memref<128xi32, #tpu.memory_space<vmem>>
        %dma_wait3A_17 = arith.constant 0 : i32
        %dma_wait3A_18 = arith.constant 0 : i32
        %dma_wait3A_19 = tpu.memref_slice %arg2[%dma_wait3A_17, %dma_wait3A_18] : memref<10000x128xf32, #tpu.memory_space<hbm>> -> memref<10000x128xf32, #tpu.memory_space<hbm>>
        tpu.wait_indirect_dma semaphore(%run_scoped3A : memref<!tpu.dma_semaphore, #tpu.memory_space<semaphore_mem>>) src(%dma_wait3A_19 : memref<10000x128xf32, #tpu.memory_space<hbm>>) dst(%arg6 : memref<128x128xf32, #tpu.memory_space<vmem>>)
        tpu.yield
      }) : () -> ()
      %add3A_13 = arith.addi %mul3A_2, %mul3A_12 : i32
      "tpu.region"() ({
        %run_scoped3A = tpu.sem_alloc : memref<!tpu.dma_semaphore, #tpu.memory_space<semaphore_mem>>
        %dma_start3A = arith.constant 0 : i32
        %dma_start3A_14 = tpu.memref_slice %arg4[%add3A_13, %dma_start3A] : memref<160000x128xf32, #tpu.memory_space<hbm>> -> memref<128x128xf32, #tpu.memory_space<hbm>>
        %dma_start3A_15 = arith.constant 0 : i32
        %dma_start3A_16 = tpu.memref_slice %arg4[%add3A_13, %dma_start3A_15] : memref<160000x128xf32, #tpu.memory_space<hbm>> -> memref<128x128xf32, #tpu.memory_space<hbm>>
        tpu.enqueue_dma source(%arg6 : memref<128x128xf32, #tpu.memory_space<vmem>>) target(%dma_start3A_16 : memref<128x128xf32, #tpu.memory_space<hbm>>) target_semaphore(%run_scoped3A : memref<!tpu.dma_semaphore, #tpu.memory_space<semaphore_mem>>)
        %dma_wait3A = arith.constant 0 : i32
        %dma_wait3A_17 = tpu.memref_slice %arg4[%add3A_13, %dma_wait3A] : memref<160000x128xf32, #tpu.memory_space<hbm>> -> memref<128x128xf32, #tpu.memory_space<hbm>>
        %dma_wait3A_18 = arith.constant 0 : i32
        %dma_wait3A_19 = tpu.memref_slice %arg4[%add3A_13, %dma_wait3A_18] : memref<160000x128xf32, #tpu.memory_space<hbm>> -> memref<128x128xf32, #tpu.memory_space<hbm>>
        tpu.wait_dma2 semaphore(%run_scoped3A : memref<!tpu.dma_semaphore, #tpu.memory_space<semaphore_mem>>) src(%arg6 : memref<128x128xf32, #tpu.memory_space<vmem>>) dst(%dma_wait3A_19 : memref<128x128xf32, #tpu.memory_space<hbm>>)
        tpu.yield
      }) : () -> ()
    }
    %scan3A_7 = arith.constant 39 : i32
    "tpu.region"() ({
      %run_scoped3A = tpu.sem_alloc : memref<!tpu.dma_semaphore, #tpu.memory_space<semaphore_mem>>
      %dma_start3A = arith.constant 4992 : i32
      %dma_start3A_10 = tpu.memref_slice %arg5[%dma_start3A] : memref<5000xi32, #tpu.memory_space<vmem>> -> memref<8xi32, #tpu.memory_space<vmem>>
      %dma_start3A_11 = arith.constant 0 : i32
      %dma_start3A_12 = arith.constant 0 : i32
      %dma_start3A_13 = tpu.memref_slice %arg2[%dma_start3A_11, %dma_start3A_12] : memref<10000x128xf32, #tpu.memory_space<hbm>> -> memref<10000x128xf32, #tpu.memory_space<hbm>>
      tpu.enqueue_indirect_dma source(%dma_start3A_13 : memref<10000x128xf32, #tpu.memory_space<hbm>>) target(%arg7 : memref<8x128xf32, #tpu.memory_space<vmem>>) offsets(%dma_start3A_10 : memref<8xi32, #tpu.memory_space<vmem>>) semaphore(%run_scoped3A : memref<!tpu.dma_semaphore, #tpu.memory_space<semaphore_mem>>)
      %dma_wait3A = arith.constant 4992 : i32
      %dma_wait3A_14 = tpu.memref_slice %arg5[%dma_wait3A] : memref<5000xi32, #tpu.memory_space<vmem>> -> memref<8xi32, #tpu.memory_space<vmem>>
      %dma_wait3A_15 = arith.constant 0 : i32
      %dma_wait3A_16 = arith.constant 0 : i32
      %dma_wait3A_17 = tpu.memref_slice %arg2[%dma_wait3A_15, %dma_wait3A_16] : memref<10000x128xf32, #tpu.memory_space<hbm>> -> memref<10000x128xf32, #tpu.memory_space<hbm>>
      tpu.wait_indirect_dma semaphore(%run_scoped3A : memref<!tpu.dma_semaphore, #tpu.memory_space<semaphore_mem>>) src(%dma_wait3A_17 : memref<10000x128xf32, #tpu.memory_space<hbm>>) dst(%arg7 : memref<8x128xf32, #tpu.memory_space<vmem>>)
      tpu.yield
    }) : () -> ()
    %add3A_8 = arith.constant 4992 : i32
    %add3A_9 = arith.addi %mul3A_2, %add3A_8 : i32
    "tpu.region"() ({
      %run_scoped3A = tpu.sem_alloc : memref<!tpu.dma_semaphore, #tpu.memory_space<semaphore_mem>>
      %dma_start3A = arith.constant 0 : i32
      %dma_start3A_10 = tpu.memref_slice %arg4[%add3A_9, %dma_start3A] : memref<160000x128xf32, #tpu.memory_space<hbm>> -> memref<8x128xf32, #tpu.memory_space<hbm>>
      %dma_start3A_11 = arith.constant 0 : i32
      %dma_start3A_12 = tpu.memref_slice %arg4[%add3A_9, %dma_start3A_11] : memref<160000x128xf32, #tpu.memory_space<hbm>> -> memref<8x128xf32, #tpu.memory_space<hbm>>
      tpu.enqueue_dma source(%arg7 : memref<8x128xf32, #tpu.memory_space<vmem>>) target(%dma_start3A_12 : memref<8x128xf32, #tpu.memory_space<hbm>>) target_semaphore(%run_scoped3A : memref<!tpu.dma_semaphore, #tpu.memory_space<semaphore_mem>>)
      %dma_wait3A = arith.constant 0 : i32
      %dma_wait3A_13 = tpu.memref_slice %arg4[%add3A_9, %dma_wait3A] : memref<160000x128xf32, #tpu.memory_space<hbm>> -> memref<8x128xf32, #tpu.memory_space<hbm>>
      %dma_wait3A_14 = arith.constant 0 : i32
      %dma_wait3A_15 = tpu.memref_slice %arg4[%add3A_9, %dma_wait3A_14] : memref<160000x128xf32, #tpu.memory_space<hbm>> -> memref<8x128xf32, #tpu.memory_space<hbm>>
      tpu.wait_dma2 semaphore(%run_scoped3A : memref<!tpu.dma_semaphore, #tpu.memory_space<semaphore_mem>>) src(%arg7 : memref<8x128xf32, #tpu.memory_space<vmem>>) dst(%dma_wait3A_15 : memref<8x128xf32, #tpu.memory_space<hbm>>)
      tpu.yield
    }) : () -> ()
    return
  }
}

#map = affine_map<(d0, d1) -> (0, 0)>
module attributes {stable_mosaic.version = 14 : i64} {
  func.func @scatter_k(%arg0: i32, %arg1: i32, %arg2: memref<320000x128xf32, #tpu.memory_space<hbm>>, %arg3: memref<1280x128xi32, #tpu.memory_space<hbm>>, %arg4: memref<10000x128xf32, #tpu.memory_space<hbm>>, %arg5: memref<20000x128xf32, #tpu.memory_space<hbm>>, %arg6: memref<128x128xf32, #tpu.memory_space<vmem>>, %arg7: memref<80x128xi32, #tpu.memory_space<vmem>>, %arg8: memref<10000x128xf32, #tpu.memory_space<vmem_shared>>) attributes {dimension_semantics = [#tpu.dimension_semantics<core_parallel>, #tpu.dimension_semantics<subcore_parallel>], iteration_bounds = array<i64: 2, 16>, scalar_prefetch = 0 : i64, scratch_operands = 3 : i64, tpu.core_type = #tpu.core_type<sc_vector_subcore>, window_params = [{transform_indices = #map}, {transform_indices = #map}, {transform_indices = #map}, {transform_indices = #map}]} {
    %eq3A = arith.constant 0 : i32
    %eq3A_0 = arith.cmpi eq, %arg1, %eq3A : i32
    %convert_element_type3A = arith.extui %eq3A_0 : i1 to i32
    %cond3A = arith.constant 0 : i32
    %cond3A_1 = arith.cmpi ne, %convert_element_type3A, %cond3A : i32
    scf.if %cond3A_1 {
      "tpu.region"() ({
        %run_scoped3A = tpu.sem_alloc : memref<!tpu.dma_semaphore, #tpu.memory_space<semaphore_mem>>
        tpu.enqueue_dma source(%arg4 : memref<10000x128xf32, #tpu.memory_space<hbm>>) target(%arg8 : memref<10000x128xf32, #tpu.memory_space<vmem_shared>>) target_semaphore(%run_scoped3A : memref<!tpu.dma_semaphore, #tpu.memory_space<semaphore_mem>>)
        tpu.wait_dma2 semaphore(%run_scoped3A : memref<!tpu.dma_semaphore, #tpu.memory_space<semaphore_mem>>) src(%arg4 : memref<10000x128xf32, #tpu.memory_space<hbm>>) dst(%arg8 : memref<10000x128xf32, #tpu.memory_space<vmem_shared>>)
        tpu.yield
      }) : () -> ()
    } else {
    }
    %barrier3A = arith.constant 0 : index
    tpu.barrier barrier_id(%barrier3A)
    %mul3A = arith.constant 80 : i32
    %mul3A_2 = arith.muli %arg1, %mul3A : i32
    %sub3A = arith.constant 1250 : i32
    %sub3A_3 = arith.subi %sub3A, %mul3A_2 : i32
    %min3A = arith.constant 80 : i32
    %min3A_4 = arith.minsi %min3A, %sub3A_3 : i32
    "tpu.region"() ({
      %run_scoped3A = tpu.sem_alloc : memref<!tpu.dma_semaphore, #tpu.memory_space<semaphore_mem>>
      %dma_start3A = arith.constant 0 : i32
      %dma_start3A_22 = tpu.memref_slice %arg3[%mul3A_2, %dma_start3A] : memref<1280x128xi32, #tpu.memory_space<hbm>> -> memref<80x128xi32, #tpu.memory_space<hbm>>
      %dma_start3A_23 = arith.constant 0 : i32
      %dma_start3A_24 = tpu.memref_slice %arg3[%mul3A_2, %dma_start3A_23] : memref<1280x128xi32, #tpu.memory_space<hbm>> -> memref<80x128xi32, #tpu.memory_space<hbm>>
      tpu.enqueue_dma source(%dma_start3A_24 : memref<80x128xi32, #tpu.memory_space<hbm>>) target(%arg7 : memref<80x128xi32, #tpu.memory_space<vmem>>) target_semaphore(%run_scoped3A : memref<!tpu.dma_semaphore, #tpu.memory_space<semaphore_mem>>)
      %dma_wait3A = arith.constant 0 : i32
      %dma_wait3A_25 = tpu.memref_slice %arg3[%mul3A_2, %dma_wait3A] : memref<1280x128xi32, #tpu.memory_space<hbm>> -> memref<80x128xi32, #tpu.memory_space<hbm>>
      %dma_wait3A_26 = arith.constant 0 : i32
      %dma_wait3A_27 = tpu.memref_slice %arg3[%mul3A_2, %dma_wait3A_26] : memref<1280x128xi32, #tpu.memory_space<hbm>> -> memref<80x128xi32, #tpu.memory_space<hbm>>
      tpu.wait_dma2 semaphore(%run_scoped3A : memref<!tpu.dma_semaphore, #tpu.memory_space<semaphore_mem>>) src(%dma_wait3A_27 : memref<80x128xi32, #tpu.memory_space<hbm>>) dst(%arg7 : memref<80x128xi32, #tpu.memory_space<vmem>>)
      tpu.yield
    }) : () -> ()
    %mul3A_5 = arith.constant 160000 : i32
    %mul3A_6 = arith.muli %arg0, %mul3A_5 : i32
    %while3A = arith.constant 0 : i32
    %while3A_7 = arith.constant 0 : i32
    %while3A_8 = arith.subi %min3A_4, %while3A_7 : i32
    %while3A_9 = arith.addi %while3A_7, %while3A_8 : i32
    %while3A_10 = arith.constant 1 : i32
    %while3A_11 = arith.divsi %while3A_8, %while3A_10 : i32
    %while3A_12 = arith.muli %while3A_11, %while3A_10 : i32
    %while3A_13 = arith.addi %while3A_7, %while3A_12 : i32
    %while3A_14 = arith.constant 1 : i32
    scf.for %while3A_22 = %while3A_7 to %while3A_13 step %while3A_14  : i32 {
      %add3A = arith.addi %mul3A_2, %while3A_22 : i32
      %mul3A_23 = arith.constant 128 : i32
      %mul3A_24 = arith.muli %add3A, %mul3A_23 : i32
      %add3A_25 = arith.addi %mul3A_6, %mul3A_24 : i32
      "tpu.region"() ({
        %run_scoped3A = tpu.sem_alloc : memref<!tpu.dma_semaphore, #tpu.memory_space<semaphore_mem>>
        %dma_start3A = arith.constant 0 : i32
        %dma_start3A_26 = tpu.memref_slice %arg2[%add3A_25, %dma_start3A] : memref<320000x128xf32, #tpu.memory_space<hbm>> -> memref<128x128xf32, #tpu.memory_space<hbm>>
        %dma_start3A_27 = arith.constant 0 : i32
        %dma_start3A_28 = tpu.memref_slice %arg2[%add3A_25, %dma_start3A_27] : memref<320000x128xf32, #tpu.memory_space<hbm>> -> memref<128x128xf32, #tpu.memory_space<hbm>>
        tpu.enqueue_dma source(%dma_start3A_28 : memref<128x128xf32, #tpu.memory_space<hbm>>) target(%arg6 : memref<128x128xf32, #tpu.memory_space<vmem>>) target_semaphore(%run_scoped3A : memref<!tpu.dma_semaphore, #tpu.memory_space<semaphore_mem>>)
        %dma_wait3A = arith.constant 0 : i32
        %dma_wait3A_29 = tpu.memref_slice %arg2[%add3A_25, %dma_wait3A] : memref<320000x128xf32, #tpu.memory_space<hbm>> -> memref<128x128xf32, #tpu.memory_space<hbm>>
        %dma_wait3A_30 = arith.constant 0 : i32
        %dma_wait3A_31 = tpu.memref_slice %arg2[%add3A_25, %dma_wait3A_30] : memref<320000x128xf32, #tpu.memory_space<hbm>> -> memref<128x128xf32, #tpu.memory_space<hbm>>
        tpu.wait_dma2 semaphore(%run_scoped3A : memref<!tpu.dma_semaphore, #tpu.memory_space<semaphore_mem>>) src(%dma_wait3A_31 : memref<128x128xf32, #tpu.memory_space<hbm>>) dst(%arg6 : memref<128x128xf32, #tpu.memory_space<vmem>>)
        tpu.yield
      }) : () -> ()
      "tpu.region"() ({
        %run_scoped3A = tpu.sem_alloc : memref<!tpu.dma_semaphore, #tpu.memory_space<semaphore_mem>>
        %dma_start3A = arith.constant 0 : i32
        %dma_start3A_26 = tpu.memref_slice %arg7[%while3A_22, %dma_start3A] : memref<80x128xi32, #tpu.memory_space<vmem>> -> memref<1x128xi32, #tpu.memory_space<vmem>>
        %dma_start3A_27 = tpu.memref_squeeze %dma_start3A_26 : memref<1x128xi32, #tpu.memory_space<vmem>> -> memref<128xi32, #tpu.memory_space<vmem>>
        %dma_start3A_28 = arith.constant 0 : i32
        %dma_start3A_29 = arith.constant 0 : i32
        %dma_start3A_30 = tpu.memref_slice %arg8[%dma_start3A_28, %dma_start3A_29] : memref<10000x128xf32, #tpu.memory_space<vmem_shared>> -> memref<10000x128xf32, #tpu.memory_space<vmem_shared>>
        tpu.enqueue_indirect_dma source(%arg6 : memref<128x128xf32, #tpu.memory_space<vmem>>) target(%dma_start3A_30 : memref<10000x128xf32, #tpu.memory_space<vmem_shared>>) offsets(%dma_start3A_27 : memref<128xi32, #tpu.memory_space<vmem>>) semaphore(%run_scoped3A : memref<!tpu.dma_semaphore, #tpu.memory_space<semaphore_mem>>) {add = true}
        %dma_wait3A = arith.constant 0 : i32
        %dma_wait3A_31 = tpu.memref_slice %arg7[%while3A_22, %dma_wait3A] : memref<80x128xi32, #tpu.memory_space<vmem>> -> memref<1x128xi32, #tpu.memory_space<vmem>>
        %dma_wait3A_32 = tpu.memref_squeeze %dma_wait3A_31 : memref<1x128xi32, #tpu.memory_space<vmem>> -> memref<128xi32, #tpu.memory_space<vmem>>
        %dma_wait3A_33 = arith.constant 0 : i32
        %dma_wait3A_34 = arith.constant 0 : i32
        %dma_wait3A_35 = tpu.memref_slice %arg8[%dma_wait3A_33, %dma_wait3A_34] : memref<10000x128xf32, #tpu.memory_space<vmem_shared>> -> memref<10000x128xf32, #tpu.memory_space<vmem_shared>>
        tpu.wait_indirect_dma semaphore(%run_scoped3A : memref<!tpu.dma_semaphore, #tpu.memory_space<semaphore_mem>>) src(%arg6 : memref<128x128xf32, #tpu.memory_space<vmem>>) dst(%dma_wait3A_35 : memref<10000x128xf32, #tpu.memory_space<vmem_shared>>)
        tpu.yield
      }) : () -> ()
    }
    %while3A_15 = arith.constant 1 : i32
    scf.for %while3A_22 = %while3A_13 to %while3A_9 step %while3A_15  : i32 {
      %add3A = arith.addi %mul3A_2, %while3A_22 : i32
      %mul3A_23 = arith.constant 128 : i32
      %mul3A_24 = arith.muli %add3A, %mul3A_23 : i32
      %add3A_25 = arith.addi %mul3A_6, %mul3A_24 : i32
      "tpu.region"() ({
        %run_scoped3A = tpu.sem_alloc : memref<!tpu.dma_semaphore, #tpu.memory_space<semaphore_mem>>
        %dma_start3A = arith.constant 0 : i32
        %dma_start3A_26 = tpu.memref_slice %arg2[%add3A_25, %dma_start3A] : memref<320000x128xf32, #tpu.memory_space<hbm>> -> memref<128x128xf32, #tpu.memory_space<hbm>>
        %dma_start3A_27 = arith.constant 0 : i32
        %dma_start3A_28 = tpu.memref_slice %arg2[%add3A_25, %dma_start3A_27] : memref<320000x128xf32, #tpu.memory_space<hbm>> -> memref<128x128xf32, #tpu.memory_space<hbm>>
        tpu.enqueue_dma source(%dma_start3A_28 : memref<128x128xf32, #tpu.memory_space<hbm>>) target(%arg6 : memref<128x128xf32, #tpu.memory_space<vmem>>) target_semaphore(%run_scoped3A : memref<!tpu.dma_semaphore, #tpu.memory_space<semaphore_mem>>)
        %dma_wait3A = arith.constant 0 : i32
        %dma_wait3A_29 = tpu.memref_slice %arg2[%add3A_25, %dma_wait3A] : memref<320000x128xf32, #tpu.memory_space<hbm>> -> memref<128x128xf32, #tpu.memory_space<hbm>>
        %dma_wait3A_30 = arith.constant 0 : i32
        %dma_wait3A_31 = tpu.memref_slice %arg2[%add3A_25, %dma_wait3A_30] : memref<320000x128xf32, #tpu.memory_space<hbm>> -> memref<128x128xf32, #tpu.memory_space<hbm>>
        tpu.wait_dma2 semaphore(%run_scoped3A : memref<!tpu.dma_semaphore, #tpu.memory_space<semaphore_mem>>) src(%dma_wait3A_31 : memref<128x128xf32, #tpu.memory_space<hbm>>) dst(%arg6 : memref<128x128xf32, #tpu.memory_space<vmem>>)
        tpu.yield
      }) : () -> ()
      "tpu.region"() ({
        %run_scoped3A = tpu.sem_alloc : memref<!tpu.dma_semaphore, #tpu.memory_space<semaphore_mem>>
        %dma_start3A = arith.constant 0 : i32
        %dma_start3A_26 = tpu.memref_slice %arg7[%while3A_22, %dma_start3A] : memref<80x128xi32, #tpu.memory_space<vmem>> -> memref<1x128xi32, #tpu.memory_space<vmem>>
        %dma_start3A_27 = tpu.memref_squeeze %dma_start3A_26 : memref<1x128xi32, #tpu.memory_space<vmem>> -> memref<128xi32, #tpu.memory_space<vmem>>
        %dma_start3A_28 = arith.constant 0 : i32
        %dma_start3A_29 = arith.constant 0 : i32
        %dma_start3A_30 = tpu.memref_slice %arg8[%dma_start3A_28, %dma_start3A_29] : memref<10000x128xf32, #tpu.memory_space<vmem_shared>> -> memref<10000x128xf32, #tpu.memory_space<vmem_shared>>
        tpu.enqueue_indirect_dma source(%arg6 : memref<128x128xf32, #tpu.memory_space<vmem>>) target(%dma_start3A_30 : memref<10000x128xf32, #tpu.memory_space<vmem_shared>>) offsets(%dma_start3A_27 : memref<128xi32, #tpu.memory_space<vmem>>) semaphore(%run_scoped3A : memref<!tpu.dma_semaphore, #tpu.memory_space<semaphore_mem>>) {add = true}
        %dma_wait3A = arith.constant 0 : i32
        %dma_wait3A_31 = tpu.memref_slice %arg7[%while3A_22, %dma_wait3A] : memref<80x128xi32, #tpu.memory_space<vmem>> -> memref<1x128xi32, #tpu.memory_space<vmem>>
        %dma_wait3A_32 = tpu.memref_squeeze %dma_wait3A_31 : memref<1x128xi32, #tpu.memory_space<vmem>> -> memref<128xi32, #tpu.memory_space<vmem>>
        %dma_wait3A_33 = arith.constant 0 : i32
        %dma_wait3A_34 = arith.constant 0 : i32
        %dma_wait3A_35 = tpu.memref_slice %arg8[%dma_wait3A_33, %dma_wait3A_34] : memref<10000x128xf32, #tpu.memory_space<vmem_shared>> -> memref<10000x128xf32, #tpu.memory_space<vmem_shared>>
        tpu.wait_indirect_dma semaphore(%run_scoped3A : memref<!tpu.dma_semaphore, #tpu.memory_space<semaphore_mem>>) src(%arg6 : memref<128x128xf32, #tpu.memory_space<vmem>>) dst(%dma_wait3A_35 : memref<10000x128xf32, #tpu.memory_space<vmem_shared>>)
        tpu.yield
      }) : () -> ()
    }
    %barrier3A_16 = arith.constant 0 : index
    tpu.barrier barrier_id(%barrier3A_16)
    %eq3A_17 = arith.constant 0 : i32
    %eq3A_18 = arith.cmpi eq, %arg1, %eq3A_17 : i32
    %convert_element_type3A_19 = arith.extui %eq3A_18 : i1 to i32
    %cond3A_20 = arith.constant 0 : i32
    %cond3A_21 = arith.cmpi ne, %convert_element_type3A_19, %cond3A_20 : i32
    scf.if %cond3A_21 {
      %mul3A_22 = arith.constant 10000 : i32
      %mul3A_23 = arith.muli %arg0, %mul3A_22 : i32
      "tpu.region"() ({
        %run_scoped3A = tpu.sem_alloc : memref<!tpu.dma_semaphore, #tpu.memory_space<semaphore_mem>>
        %dma_start3A = arith.constant 0 : i32
        %dma_start3A_24 = tpu.memref_slice %arg5[%mul3A_23, %dma_start3A] : memref<20000x128xf32, #tpu.memory_space<hbm>> -> memref<10000x128xf32, #tpu.memory_space<hbm>>
        tpu.enqueue_dma source(%arg8 : memref<10000x128xf32, #tpu.memory_space<vmem_shared>>) target(%dma_start3A_24 : memref<10000x128xf32, #tpu.memory_space<hbm>>) target_semaphore(%run_scoped3A : memref<!tpu.dma_semaphore, #tpu.memory_space<semaphore_mem>>)
        %dma_wait3A = arith.constant 0 : i32
        %dma_wait3A_25 = tpu.memref_slice %arg5[%mul3A_23, %dma_wait3A] : memref<20000x128xf32, #tpu.memory_space<hbm>> -> memref<10000x128xf32, #tpu.memory_space<hbm>>
        tpu.wait_dma2 semaphore(%run_scoped3A : memref<!tpu.dma_semaphore, #tpu.memory_space<semaphore_mem>>) src(%arg8 : memref<10000x128xf32, #tpu.memory_space<vmem_shared>>) dst(%dma_wait3A_25 : memref<10000x128xf32, #tpu.memory_space<hbm>>)
        tpu.yield
      }) : () -> ()
    } else {
    }
    return
  }
}

#map = affine_map<(d0, d1) -> (0, 0)>
#map1 = affine_map<(d0, d1) -> (0)>
module attributes {stable_mosaic.version = 14 : i64} {
  func.func @gather_k(%arg0: i32, %arg1: i32, %arg2: memref<10000x128xf32, #tpu.memory_space<hbm>>, %arg3: memref<160000xi32, #tpu.memory_space<hbm>>, %arg4: memref<160000x128xf32, #tpu.memory_space<hbm>>, %arg5: memref<5000xi32, #tpu.memory_space<vmem>>, %arg6: memref<128x128xf32, #tpu.memory_space<vmem>>, %arg7: memref<8x128xf32, #tpu.memory_space<vmem>>) attributes {dimension_semantics = [#tpu.dimension_semantics<core_parallel>, #tpu.dimension_semantics<subcore_parallel>], iteration_bounds = array<i64: 2, 16>, scalar_prefetch = 0 : i64, scratch_operands = 3 : i64, tpu.core_type = #tpu.core_type<sc_vector_subcore>, window_params = [{transform_indices = #map}, {transform_indices = #map1}, {transform_indices = #map}]} {
    %mul3A = arith.constant 2 : i32
    %mul3A_0 = arith.muli %arg1, %mul3A : i32
    %add3A = arith.addi %mul3A_0, %arg0 : i32
    %mul3A_1 = arith.constant 5000 : i32
    %mul3A_2 = arith.muli %add3A, %mul3A_1 : i32
    "tpu.region"() ({
      %run_scoped3A = tpu.sem_alloc : memref<!tpu.dma_semaphore, #tpu.memory_space<semaphore_mem>>
      %dma_start3A = tpu.memref_slice %arg3[%mul3A_2] : memref<160000xi32, #tpu.memory_space<hbm>> -> memref<5000xi32, #tpu.memory_space<hbm>>
      %dma_start3A_10 = tpu.memref_slice %arg3[%mul3A_2] : memref<160000xi32, #tpu.memory_space<hbm>> -> memref<5000xi32, #tpu.memory_space<hbm>>
      tpu.enqueue_dma source(%dma_start3A_10 : memref<5000xi32, #tpu.memory_space<hbm>>) target(%arg5 : memref<5000xi32, #tpu.memory_space<vmem>>) target_semaphore(%run_scoped3A : memref<!tpu.dma_semaphore, #tpu.memory_space<semaphore_mem>>)
      %dma_wait3A = tpu.memref_slice %arg3[%mul3A_2] : memref<160000xi32, #tpu.memory_space<hbm>> -> memref<5000xi32, #tpu.memory_space<hbm>>
      %dma_wait3A_11 = tpu.memref_slice %arg3[%mul3A_2] : memref<160000xi32, #tpu.memory_space<hbm>> -> memref<5000xi32, #tpu.memory_space<hbm>>
      tpu.wait_dma2 semaphore(%run_scoped3A : memref<!tpu.dma_semaphore, #tpu.memory_space<semaphore_mem>>) src(%dma_wait3A_11 : memref<5000xi32, #tpu.memory_space<hbm>>) dst(%arg5 : memref<5000xi32, #tpu.memory_space<vmem>>)
      tpu.yield
    }) : () -> ()
    %scan3A = arith.constant 0 : i32
    %scan3A_3 = arith.constant 0 : i32
    %scan3A_4 = arith.constant 39 : i32
    %scan3A_5 = arith.addi %scan3A_3, %scan3A_4 : i32
    %scan3A_6 = arith.constant 1 : i32
    scf.for %scan3A_10 = %scan3A_3 to %scan3A_5 step %scan3A_6  : i32 {
      %mul3A_11 = arith.constant 128 : i32
      %mul3A_12 = arith.muli %scan3A_10, %mul3A_11 : i32
      "tpu.region"() ({
        %run_scoped3A = tpu.sem_alloc : memref<!tpu.dma_semaphore, #tpu.memory_space<semaphore_mem>>
        %dma_start3A = tpu.memref_slice %arg5[%mul3A_12] : memref<5000xi32, #tpu.memory_space<vmem>> -> memref<128xi32, #tpu.memory_space<vmem>>
        %dma_start3A_14 = arith.constant 0 : i32
        %dma_start3A_15 = arith.constant 0 : i32
        %dma_start3A_16 = tpu.memref_slice %arg2[%dma_start3A_14, %dma_start3A_15] : memref<10000x128xf32, #tpu.memory_space<hbm>> -> memref<10000x128xf32, #tpu.memory_space<hbm>>
        tpu.enqueue_indirect_dma source(%dma_start3A_16 : memref<10000x128xf32, #tpu.memory_space<hbm>>) target(%arg6 : memref<128x128xf32, #tpu.memory_space<vmem>>) offsets(%dma_start3A : memref<128xi32, #tpu.memory_space<vmem>>) semaphore(%run_scoped3A : memref<!tpu.dma_semaphore, #tpu.memory_space<semaphore_mem>>)
        %dma_wait3A = tpu.memref_slice %arg5[%mul3A_12] : memref<5000xi32, #tpu.memory_space<vmem>> -> memref<128xi32, #tpu.memory_space<vmem>>
        %dma_wait3A_17 = arith.constant 0 : i32
        %dma_wait3A_18 = arith.constant 0 : i32
        %dma_wait3A_19 = tpu.memref_slice %arg2[%dma_wait3A_17, %dma_wait3A_18] : memref<10000x128xf32, #tpu.memory_space<hbm>> -> memref<10000x128xf32, #tpu.memory_space<hbm>>
        tpu.wait_indirect_dma semaphore(%run_scoped3A : memref<!tpu.dma_semaphore, #tpu.memory_space<semaphore_mem>>) src(%dma_wait3A_19 : memref<10000x128xf32, #tpu.memory_space<hbm>>) dst(%arg6 : memref<128x128xf32, #tpu.memory_space<vmem>>)
        tpu.yield
      }) : () -> ()
      %add3A_13 = arith.addi %mul3A_2, %mul3A_12 : i32
      "tpu.region"() ({
        %run_scoped3A = tpu.sem_alloc : memref<!tpu.dma_semaphore, #tpu.memory_space<semaphore_mem>>
        %dma_start3A = arith.constant 0 : i32
        %dma_start3A_14 = tpu.memref_slice %arg4[%add3A_13, %dma_start3A] : memref<160000x128xf32, #tpu.memory_space<hbm>> -> memref<128x128xf32, #tpu.memory_space<hbm>>
        %dma_start3A_15 = arith.constant 0 : i32
        %dma_start3A_16 = tpu.memref_slice %arg4[%add3A_13, %dma_start3A_15] : memref<160000x128xf32, #tpu.memory_space<hbm>> -> memref<128x128xf32, #tpu.memory_space<hbm>>
        tpu.enqueue_dma source(%arg6 : memref<128x128xf32, #tpu.memory_space<vmem>>) target(%dma_start3A_16 : memref<128x128xf32, #tpu.memory_space<hbm>>) target_semaphore(%run_scoped3A : memref<!tpu.dma_semaphore, #tpu.memory_space<semaphore_mem>>)
        %dma_wait3A = arith.constant 0 : i32
        %dma_wait3A_17 = tpu.memref_slice %arg4[%add3A_13, %dma_wait3A] : memref<160000x128xf32, #tpu.memory_space<hbm>> -> memref<128x128xf32, #tpu.memory_space<hbm>>
        %dma_wait3A_18 = arith.constant 0 : i32
        %dma_wait3A_19 = tpu.memref_slice %arg4[%add3A_13, %dma_wait3A_18] : memref<160000x128xf32, #tpu.memory_space<hbm>> -> memref<128x128xf32, #tpu.memory_space<hbm>>
        tpu.wait_dma2 semaphore(%run_scoped3A : memref<!tpu.dma_semaphore, #tpu.memory_space<semaphore_mem>>) src(%arg6 : memref<128x128xf32, #tpu.memory_space<vmem>>) dst(%dma_wait3A_19 : memref<128x128xf32, #tpu.memory_space<hbm>>)
        tpu.yield
      }) : () -> ()
    }
    %scan3A_7 = arith.constant 39 : i32
    "tpu.region"() ({
      %run_scoped3A = tpu.sem_alloc : memref<!tpu.dma_semaphore, #tpu.memory_space<semaphore_mem>>
      %dma_start3A = arith.constant 4992 : i32
      %dma_start3A_10 = tpu.memref_slice %arg5[%dma_start3A] : memref<5000xi32, #tpu.memory_space<vmem>> -> memref<8xi32, #tpu.memory_space<vmem>>
      %dma_start3A_11 = arith.constant 0 : i32
      %dma_start3A_12 = arith.constant 0 : i32
      %dma_start3A_13 = tpu.memref_slice %arg2[%dma_start3A_11, %dma_start3A_12] : memref<10000x128xf32, #tpu.memory_space<hbm>> -> memref<10000x128xf32, #tpu.memory_space<hbm>>
      tpu.enqueue_indirect_dma source(%dma_start3A_13 : memref<10000x128xf32, #tpu.memory_space<hbm>>) target(%arg7 : memref<8x128xf32, #tpu.memory_space<vmem>>) offsets(%dma_start3A_10 : memref<8xi32, #tpu.memory_space<vmem>>) semaphore(%run_scoped3A : memref<!tpu.dma_semaphore, #tpu.memory_space<semaphore_mem>>)
      %dma_wait3A = arith.constant 4992 : i32
      %dma_wait3A_14 = tpu.memref_slice %arg5[%dma_wait3A] : memref<5000xi32, #tpu.memory_space<vmem>> -> memref<8xi32, #tpu.memory_space<vmem>>
      %dma_wait3A_15 = arith.constant 0 : i32
      %dma_wait3A_16 = arith.constant 0 : i32
      %dma_wait3A_17 = tpu.memref_slice %arg2[%dma_wait3A_15, %dma_wait3A_16] : memref<10000x128xf32, #tpu.memory_space<hbm>> -> memref<10000x128xf32, #tpu.memory_space<hbm>>
      tpu.wait_indirect_dma semaphore(%run_scoped3A : memref<!tpu.dma_semaphore, #tpu.memory_space<semaphore_mem>>) src(%dma_wait3A_17 : memref<10000x128xf32, #tpu.memory_space<hbm>>) dst(%arg7 : memref<8x128xf32, #tpu.memory_space<vmem>>)
      tpu.yield
    }) : () -> ()
    %add3A_8 = arith.constant 4992 : i32
    %add3A_9 = arith.addi %mul3A_2, %add3A_8 : i32
    "tpu.region"() ({
      %run_scoped3A = tpu.sem_alloc : memref<!tpu.dma_semaphore, #tpu.memory_space<semaphore_mem>>
      %dma_start3A = arith.constant 0 : i32
      %dma_start3A_10 = tpu.memref_slice %arg4[%add3A_9, %dma_start3A] : memref<160000x128xf32, #tpu.memory_space<hbm>> -> memref<8x128xf32, #tpu.memory_space<hbm>>
      %dma_start3A_11 = arith.constant 0 : i32
      %dma_start3A_12 = tpu.memref_slice %arg4[%add3A_9, %dma_start3A_11] : memref<160000x128xf32, #tpu.memory_space<hbm>> -> memref<8x128xf32, #tpu.memory_space<hbm>>
      tpu.enqueue_dma source(%arg7 : memref<8x128xf32, #tpu.memory_space<vmem>>) target(%dma_start3A_12 : memref<8x128xf32, #tpu.memory_space<hbm>>) target_semaphore(%run_scoped3A : memref<!tpu.dma_semaphore, #tpu.memory_space<semaphore_mem>>)
      %dma_wait3A = arith.constant 0 : i32
      %dma_wait3A_13 = tpu.memref_slice %arg4[%add3A_9, %dma_wait3A] : memref<160000x128xf32, #tpu.memory_space<hbm>> -> memref<8x128xf32, #tpu.memory_space<hbm>>
      %dma_wait3A_14 = arith.constant 0 : i32
      %dma_wait3A_15 = tpu.memref_slice %arg4[%add3A_9, %dma_wait3A_14] : memref<160000x128xf32, #tpu.memory_space<hbm>> -> memref<8x128xf32, #tpu.memory_space<hbm>>
      tpu.wait_dma2 semaphore(%run_scoped3A : memref<!tpu.dma_semaphore, #tpu.memory_space<semaphore_mem>>) src(%arg7 : memref<8x128xf32, #tpu.memory_space<vmem>>) dst(%dma_wait3A_15 : memref<8x128xf32, #tpu.memory_space<hbm>>)
      tpu.yield
    }) : () -> ()
    return
  }
}

#map = affine_map<(d0, d1) -> (0, 0)>
module attributes {stable_mosaic.version = 14 : i64} {
  func.func @scatter_k(%arg0: i32, %arg1: i32, %arg2: memref<160000x128xf32, #tpu.memory_space<hbm>>, %arg3: memref<1280x128xi32, #tpu.memory_space<hbm>>, %arg4: memref<10000x128xf32, #tpu.memory_space<hbm>>, %arg5: memref<20000x128xf32, #tpu.memory_space<hbm>>, %arg6: memref<128x128xf32, #tpu.memory_space<vmem>>, %arg7: memref<40x128xi32, #tpu.memory_space<vmem>>, %arg8: memref<10000x128xf32, #tpu.memory_space<vmem_shared>>) attributes {dimension_semantics = [#tpu.dimension_semantics<core_parallel>, #tpu.dimension_semantics<subcore_parallel>], iteration_bounds = array<i64: 2, 16>, scalar_prefetch = 0 : i64, scratch_operands = 3 : i64, tpu.core_type = #tpu.core_type<sc_vector_subcore>, window_params = [{transform_indices = #map}, {transform_indices = #map}, {transform_indices = #map}, {transform_indices = #map}]} {
    %eq3A = arith.constant 0 : i32
    %eq3A_0 = arith.cmpi eq, %arg1, %eq3A : i32
    %convert_element_type3A = arith.extui %eq3A_0 : i1 to i32
    %cond3A = arith.constant 0 : i32
    %cond3A_1 = arith.cmpi ne, %convert_element_type3A, %cond3A : i32
    scf.if %cond3A_1 {
      "tpu.region"() ({
        %run_scoped3A = tpu.sem_alloc : memref<!tpu.dma_semaphore, #tpu.memory_space<semaphore_mem>>
        tpu.enqueue_dma source(%arg4 : memref<10000x128xf32, #tpu.memory_space<hbm>>) target(%arg8 : memref<10000x128xf32, #tpu.memory_space<vmem_shared>>) target_semaphore(%run_scoped3A : memref<!tpu.dma_semaphore, #tpu.memory_space<semaphore_mem>>)
        tpu.wait_dma2 semaphore(%run_scoped3A : memref<!tpu.dma_semaphore, #tpu.memory_space<semaphore_mem>>) src(%arg4 : memref<10000x128xf32, #tpu.memory_space<hbm>>) dst(%arg8 : memref<10000x128xf32, #tpu.memory_space<vmem_shared>>)
        tpu.yield
      }) : () -> ()
    } else {
    }
    %barrier3A = arith.constant 0 : index
    tpu.barrier barrier_id(%barrier3A)
    %mul3A = arith.constant 16 : i32
    %mul3A_2 = arith.muli %arg0, %mul3A : i32
    %add3A = arith.addi %mul3A_2, %arg1 : i32
    %mul3A_3 = arith.constant 40 : i32
    %mul3A_4 = arith.muli %add3A, %mul3A_3 : i32
    %sub3A = arith.constant 1250 : i32
    %sub3A_5 = arith.subi %sub3A, %mul3A_4 : i32
    %min3A = arith.constant 40 : i32
    %min3A_6 = arith.minsi %min3A, %sub3A_5 : i32
    "tpu.region"() ({
      %run_scoped3A = tpu.sem_alloc : memref<!tpu.dma_semaphore, #tpu.memory_space<semaphore_mem>>
      %dma_start3A = arith.constant 0 : i32
      %dma_start3A_22 = tpu.memref_slice %arg3[%mul3A_4, %dma_start3A] : memref<1280x128xi32, #tpu.memory_space<hbm>> -> memref<40x128xi32, #tpu.memory_space<hbm>>
      %dma_start3A_23 = arith.constant 0 : i32
      %dma_start3A_24 = tpu.memref_slice %arg3[%mul3A_4, %dma_start3A_23] : memref<1280x128xi32, #tpu.memory_space<hbm>> -> memref<40x128xi32, #tpu.memory_space<hbm>>
      tpu.enqueue_dma source(%dma_start3A_24 : memref<40x128xi32, #tpu.memory_space<hbm>>) target(%arg7 : memref<40x128xi32, #tpu.memory_space<vmem>>) target_semaphore(%run_scoped3A : memref<!tpu.dma_semaphore, #tpu.memory_space<semaphore_mem>>)
      %dma_wait3A = arith.constant 0 : i32
      %dma_wait3A_25 = tpu.memref_slice %arg3[%mul3A_4, %dma_wait3A] : memref<1280x128xi32, #tpu.memory_space<hbm>> -> memref<40x128xi32, #tpu.memory_space<hbm>>
      %dma_wait3A_26 = arith.constant 0 : i32
      %dma_wait3A_27 = tpu.memref_slice %arg3[%mul3A_4, %dma_wait3A_26] : memref<1280x128xi32, #tpu.memory_space<hbm>> -> memref<40x128xi32, #tpu.memory_space<hbm>>
      tpu.wait_dma2 semaphore(%run_scoped3A : memref<!tpu.dma_semaphore, #tpu.memory_space<semaphore_mem>>) src(%dma_wait3A_27 : memref<40x128xi32, #tpu.memory_space<hbm>>) dst(%arg7 : memref<40x128xi32, #tpu.memory_space<vmem>>)
      tpu.yield
    }) : () -> ()
    %while3A = arith.constant 0 : i32
    %while3A_7 = arith.constant 0 : i32
    %while3A_8 = arith.subi %min3A_6, %while3A_7 : i32
    %while3A_9 = arith.addi %while3A_7, %while3A_8 : i32
    %while3A_10 = arith.constant 1 : i32
    %while3A_11 = arith.divsi %while3A_8, %while3A_10 : i32
    %while3A_12 = arith.muli %while3A_11, %while3A_10 : i32
    %while3A_13 = arith.addi %while3A_7, %while3A_12 : i32
    %while3A_14 = arith.constant 1 : i32
    scf.for %while3A_22 = %while3A_7 to %while3A_13 step %while3A_14  : i32 {
      %add3A_23 = arith.addi %mul3A_4, %while3A_22 : i32
      %mul3A_24 = arith.constant 128 : i32
      %mul3A_25 = arith.muli %add3A_23, %mul3A_24 : i32
      %add3A_26 = arith.constant 0 : i32
      %add3A_27 = arith.addi %add3A_26, %mul3A_25 : i32
      "tpu.region"() ({
        %run_scoped3A = tpu.sem_alloc : memref<!tpu.dma_semaphore, #tpu.memory_space<semaphore_mem>>
        %dma_start3A = arith.constant 0 : i32
        %dma_start3A_28 = tpu.memref_slice %arg2[%add3A_27, %dma_start3A] : memref<160000x128xf32, #tpu.memory_space<hbm>> -> memref<128x128xf32, #tpu.memory_space<hbm>>
        %dma_start3A_29 = arith.constant 0 : i32
        %dma_start3A_30 = tpu.memref_slice %arg2[%add3A_27, %dma_start3A_29] : memref<160000x128xf32, #tpu.memory_space<hbm>> -> memref<128x128xf32, #tpu.memory_space<hbm>>
        tpu.enqueue_dma source(%dma_start3A_30 : memref<128x128xf32, #tpu.memory_space<hbm>>) target(%arg6 : memref<128x128xf32, #tpu.memory_space<vmem>>) target_semaphore(%run_scoped3A : memref<!tpu.dma_semaphore, #tpu.memory_space<semaphore_mem>>)
        %dma_wait3A = arith.constant 0 : i32
        %dma_wait3A_31 = tpu.memref_slice %arg2[%add3A_27, %dma_wait3A] : memref<160000x128xf32, #tpu.memory_space<hbm>> -> memref<128x128xf32, #tpu.memory_space<hbm>>
        %dma_wait3A_32 = arith.constant 0 : i32
        %dma_wait3A_33 = tpu.memref_slice %arg2[%add3A_27, %dma_wait3A_32] : memref<160000x128xf32, #tpu.memory_space<hbm>> -> memref<128x128xf32, #tpu.memory_space<hbm>>
        tpu.wait_dma2 semaphore(%run_scoped3A : memref<!tpu.dma_semaphore, #tpu.memory_space<semaphore_mem>>) src(%dma_wait3A_33 : memref<128x128xf32, #tpu.memory_space<hbm>>) dst(%arg6 : memref<128x128xf32, #tpu.memory_space<vmem>>)
        tpu.yield
      }) : () -> ()
      "tpu.region"() ({
        %run_scoped3A = tpu.sem_alloc : memref<!tpu.dma_semaphore, #tpu.memory_space<semaphore_mem>>
        %dma_start3A = arith.constant 0 : i32
        %dma_start3A_28 = tpu.memref_slice %arg7[%while3A_22, %dma_start3A] : memref<40x128xi32, #tpu.memory_space<vmem>> -> memref<1x128xi32, #tpu.memory_space<vmem>>
        %dma_start3A_29 = tpu.memref_squeeze %dma_start3A_28 : memref<1x128xi32, #tpu.memory_space<vmem>> -> memref<128xi32, #tpu.memory_space<vmem>>
        %dma_start3A_30 = arith.constant 0 : i32
        %dma_start3A_31 = arith.constant 0 : i32
        %dma_start3A_32 = tpu.memref_slice %arg8[%dma_start3A_30, %dma_start3A_31] : memref<10000x128xf32, #tpu.memory_space<vmem_shared>> -> memref<10000x128xf32, #tpu.memory_space<vmem_shared>>
        tpu.enqueue_indirect_dma source(%arg6 : memref<128x128xf32, #tpu.memory_space<vmem>>) target(%dma_start3A_32 : memref<10000x128xf32, #tpu.memory_space<vmem_shared>>) offsets(%dma_start3A_29 : memref<128xi32, #tpu.memory_space<vmem>>) semaphore(%run_scoped3A : memref<!tpu.dma_semaphore, #tpu.memory_space<semaphore_mem>>) {add = true}
        %dma_wait3A = arith.constant 0 : i32
        %dma_wait3A_33 = tpu.memref_slice %arg7[%while3A_22, %dma_wait3A] : memref<40x128xi32, #tpu.memory_space<vmem>> -> memref<1x128xi32, #tpu.memory_space<vmem>>
        %dma_wait3A_34 = tpu.memref_squeeze %dma_wait3A_33 : memref<1x128xi32, #tpu.memory_space<vmem>> -> memref<128xi32, #tpu.memory_space<vmem>>
        %dma_wait3A_35 = arith.constant 0 : i32
        %dma_wait3A_36 = arith.constant 0 : i32
        %dma_wait3A_37 = tpu.memref_slice %arg8[%dma_wait3A_35, %dma_wait3A_36] : memref<10000x128xf32, #tpu.memory_space<vmem_shared>> -> memref<10000x128xf32, #tpu.memory_space<vmem_shared>>
        tpu.wait_indirect_dma semaphore(%run_scoped3A : memref<!tpu.dma_semaphore, #tpu.memory_space<semaphore_mem>>) src(%arg6 : memref<128x128xf32, #tpu.memory_space<vmem>>) dst(%dma_wait3A_37 : memref<10000x128xf32, #tpu.memory_space<vmem_shared>>)
        tpu.yield
      }) : () -> ()
    }
    %while3A_15 = arith.constant 1 : i32
    scf.for %while3A_22 = %while3A_13 to %while3A_9 step %while3A_15  : i32 {
      %add3A_23 = arith.addi %mul3A_4, %while3A_22 : i32
      %mul3A_24 = arith.constant 128 : i32
      %mul3A_25 = arith.muli %add3A_23, %mul3A_24 : i32
      %add3A_26 = arith.constant 0 : i32
      %add3A_27 = arith.addi %add3A_26, %mul3A_25 : i32
      "tpu.region"() ({
        %run_scoped3A = tpu.sem_alloc : memref<!tpu.dma_semaphore, #tpu.memory_space<semaphore_mem>>
        %dma_start3A = arith.constant 0 : i32
        %dma_start3A_28 = tpu.memref_slice %arg2[%add3A_27, %dma_start3A] : memref<160000x128xf32, #tpu.memory_space<hbm>> -> memref<128x128xf32, #tpu.memory_space<hbm>>
        %dma_start3A_29 = arith.constant 0 : i32
        %dma_start3A_30 = tpu.memref_slice %arg2[%add3A_27, %dma_start3A_29] : memref<160000x128xf32, #tpu.memory_space<hbm>> -> memref<128x128xf32, #tpu.memory_space<hbm>>
        tpu.enqueue_dma source(%dma_start3A_30 : memref<128x128xf32, #tpu.memory_space<hbm>>) target(%arg6 : memref<128x128xf32, #tpu.memory_space<vmem>>) target_semaphore(%run_scoped3A : memref<!tpu.dma_semaphore, #tpu.memory_space<semaphore_mem>>)
        %dma_wait3A = arith.constant 0 : i32
        %dma_wait3A_31 = tpu.memref_slice %arg2[%add3A_27, %dma_wait3A] : memref<160000x128xf32, #tpu.memory_space<hbm>> -> memref<128x128xf32, #tpu.memory_space<hbm>>
        %dma_wait3A_32 = arith.constant 0 : i32
        %dma_wait3A_33 = tpu.memref_slice %arg2[%add3A_27, %dma_wait3A_32] : memref<160000x128xf32, #tpu.memory_space<hbm>> -> memref<128x128xf32, #tpu.memory_space<hbm>>
        tpu.wait_dma2 semaphore(%run_scoped3A : memref<!tpu.dma_semaphore, #tpu.memory_space<semaphore_mem>>) src(%dma_wait3A_33 : memref<128x128xf32, #tpu.memory_space<hbm>>) dst(%arg6 : memref<128x128xf32, #tpu.memory_space<vmem>>)
        tpu.yield
      }) : () -> ()
      "tpu.region"() ({
        %run_scoped3A = tpu.sem_alloc : memref<!tpu.dma_semaphore, #tpu.memory_space<semaphore_mem>>
        %dma_start3A = arith.constant 0 : i32
        %dma_start3A_28 = tpu.memref_slice %arg7[%while3A_22, %dma_start3A] : memref<40x128xi32, #tpu.memory_space<vmem>> -> memref<1x128xi32, #tpu.memory_space<vmem>>
        %dma_start3A_29 = tpu.memref_squeeze %dma_start3A_28 : memref<1x128xi32, #tpu.memory_space<vmem>> -> memref<128xi32, #tpu.memory_space<vmem>>
        %dma_start3A_30 = arith.constant 0 : i32
        %dma_start3A_31 = arith.constant 0 : i32
        %dma_start3A_32 = tpu.memref_slice %arg8[%dma_start3A_30, %dma_start3A_31] : memref<10000x128xf32, #tpu.memory_space<vmem_shared>> -> memref<10000x128xf32, #tpu.memory_space<vmem_shared>>
        tpu.enqueue_indirect_dma source(%arg6 : memref<128x128xf32, #tpu.memory_space<vmem>>) target(%dma_start3A_32 : memref<10000x128xf32, #tpu.memory_space<vmem_shared>>) offsets(%dma_start3A_29 : memref<128xi32, #tpu.memory_space<vmem>>) semaphore(%run_scoped3A : memref<!tpu.dma_semaphore, #tpu.memory_space<semaphore_mem>>) {add = true}
        %dma_wait3A = arith.constant 0 : i32
        %dma_wait3A_33 = tpu.memref_slice %arg7[%while3A_22, %dma_wait3A] : memref<40x128xi32, #tpu.memory_space<vmem>> -> memref<1x128xi32, #tpu.memory_space<vmem>>
        %dma_wait3A_34 = tpu.memref_squeeze %dma_wait3A_33 : memref<1x128xi32, #tpu.memory_space<vmem>> -> memref<128xi32, #tpu.memory_space<vmem>>
        %dma_wait3A_35 = arith.constant 0 : i32
        %dma_wait3A_36 = arith.constant 0 : i32
        %dma_wait3A_37 = tpu.memref_slice %arg8[%dma_wait3A_35, %dma_wait3A_36] : memref<10000x128xf32, #tpu.memory_space<vmem_shared>> -> memref<10000x128xf32, #tpu.memory_space<vmem_shared>>
        tpu.wait_indirect_dma semaphore(%run_scoped3A : memref<!tpu.dma_semaphore, #tpu.memory_space<semaphore_mem>>) src(%arg6 : memref<128x128xf32, #tpu.memory_space<vmem>>) dst(%dma_wait3A_37 : memref<10000x128xf32, #tpu.memory_space<vmem_shared>>)
        tpu.yield
      }) : () -> ()
    }
    %barrier3A_16 = arith.constant 0 : index
    tpu.barrier barrier_id(%barrier3A_16)
    %eq3A_17 = arith.constant 0 : i32
    %eq3A_18 = arith.cmpi eq, %arg1, %eq3A_17 : i32
    %convert_element_type3A_19 = arith.extui %eq3A_18 : i1 to i32
    %cond3A_20 = arith.constant 0 : i32
    %cond3A_21 = arith.cmpi ne, %convert_element_type3A_19, %cond3A_20 : i32
    scf.if %cond3A_21 {
      %mul3A_22 = arith.constant 10000 : i32
      %mul3A_23 = arith.muli %arg0, %mul3A_22 : i32
      "tpu.region"() ({
        %run_scoped3A = tpu.sem_alloc : memref<!tpu.dma_semaphore, #tpu.memory_space<semaphore_mem>>
        %dma_start3A = arith.constant 0 : i32
        %dma_start3A_24 = tpu.memref_slice %arg5[%mul3A_23, %dma_start3A] : memref<20000x128xf32, #tpu.memory_space<hbm>> -> memref<10000x128xf32, #tpu.memory_space<hbm>>
        tpu.enqueue_dma source(%arg8 : memref<10000x128xf32, #tpu.memory_space<vmem_shared>>) target(%dma_start3A_24 : memref<10000x128xf32, #tpu.memory_space<hbm>>) target_semaphore(%run_scoped3A : memref<!tpu.dma_semaphore, #tpu.memory_space<semaphore_mem>>)
        %dma_wait3A = arith.constant 0 : i32
        %dma_wait3A_25 = tpu.memref_slice %arg5[%mul3A_23, %dma_wait3A] : memref<20000x128xf32, #tpu.memory_space<hbm>> -> memref<10000x128xf32, #tpu.memory_space<hbm>>
        tpu.wait_dma2 semaphore(%run_scoped3A : memref<!tpu.dma_semaphore, #tpu.memory_space<semaphore_mem>>) src(%arg8 : memref<10000x128xf32, #tpu.memory_space<vmem_shared>>) dst(%dma_wait3A_25 : memref<10000x128xf32, #tpu.memory_space<hbm>>)
        tpu.yield
      }) : () -> ()
    } else {
    }
    return
  }
}

module attributes {stable_mosaic.version = 14 : i64} {
  func.func @_disinv_body(%arg0: memref<2x10000xf32, #tpu.memory_space<vmem>>, %arg1: memref<2x10000xf32, #tpu.memory_space<vmem>>) attributes {dimension_semantics = [], scalar_prefetch = 0 : i64, scratch_operands = 0 : i64, tpu.core_type = #tpu.core_type<tc>} {
    %get3A = arith.constant 0 : index
    %get3A_0 = arith.constant 0 : index
    %get3A_1 = vector.load %arg0[%get3A, %get3A_0] : memref<2x10000xf32, #tpu.memory_space<vmem>>, vector<1x10000xf32>
    %get3A_2 = arith.constant 1 : index
    %get3A_3 = arith.constant 0 : index
    %get3A_4 = vector.load %arg0[%get3A_2, %get3A_3] : memref<2x10000xf32, #tpu.memory_space<vmem>>, vector<1x10000xf32>
    %add3A = arith.addf %get3A_1, %get3A_4 : vector<1x10000xf32>
    %gt3A = arith.constant 0.000000e+00 : f32
    %gt3A_5 = vector.broadcast %gt3A : f32 to vector<1x10000xf32>
    %gt3A_6 = arith.cmpf ogt, %add3A, %gt3A_5 : vector<1x10000xf32>
    %max3A = arith.constant 9.99999996E-13 : f32
    %max3A_7 = vector.broadcast %max3A : f32 to vector<1x10000xf32>
    %max3A_8 = arith.maximumf %add3A, %max3A_7 : vector<1x10000xf32>
    %rsqrt3A = math.rsqrt %max3A_8 : vector<1x10000xf32>
    %jit3A = arith.constant 0.000000e+00 : f32
    %broadcast_in_dim3A = vector.broadcast %jit3A : f32 to vector<1x10000xf32>
    %select_n3A = arith.select %gt3A_6, %rsqrt3A, %broadcast_in_dim3A : vector<1x10000xi1>, vector<1x10000xf32>
    %max3A_9 = arith.constant 1.000000e+00 : f32
    %max3A_10 = vector.broadcast %max3A_9 : f32 to vector<1x10000xf32>
    %max3A_11 = arith.maximumf %add3A, %max3A_10 : vector<1x10000xf32>
    %div3A = arith.constant 1.000000e+00 : f32
    %div3A_12 = vector.broadcast %div3A : f32 to vector<1x10000xf32>
    %div3A_13 = arith.divf %div3A_12, %max3A_11 : vector<1x10000xf32>
    %concatenate3A = tpu.concatenate %select_n3A, %div3A_13 in 0 : vector<1x10000xf32>, vector<1x10000xf32> -> vector<2x10000xf32>
    %swap3A = arith.constant 0 : index
    %swap3A_14 = arith.constant 0 : index
    %swap3A_15 = vector.load %arg1[%swap3A, %swap3A_14] : memref<2x10000xf32, #tpu.memory_space<vmem>>, vector<2x10000xf32>
    tpu.vector_store %arg1[%swap3A, %swap3A_14], %concatenate3A {strides = array<i32>} : memref<2x10000xf32, #tpu.memory_space<vmem>>, vector<2x10000xf32>,
    return
  }
}

module attributes {stable_mosaic.version = 14 : i64} {
  func.func @_dense_body(%arg0: i32, %arg1: memref<400x256xf32, #tpu.memory_space<vmem>>, %arg2: memref<256x256xf32, #tpu.memory_space<vmem>>, %arg3: memref<1x256xf32, #tpu.memory_space<vmem>>, %arg4: memref<256x160xf32, #tpu.memory_space<vmem>>, %arg5: memref<40x4xf32, #tpu.memory_space<vmem>>, %arg6: memref<1x1x400xi32, #tpu.memory_space<vmem>>, %arg7: memref<1x1x400xf32, #tpu.memory_space<vmem>>, %arg8: memref<400x256xf32, #tpu.memory_space<vmem>>, %arg9: memref<400x128xf32, #tpu.memory_space<vmem>>) attributes {dimension_semantics = [#tpu.dimension_semantics<arbitrary>], iteration_bounds = array<i64: 25>, scalar_prefetch = 0 : i64, scratch_operands = 0 : i64, tpu.core_type = #tpu.core_type<tc>, window_params = [{transform_indices = @transform_0, window_bounds = array<i64: 400, 256>}, {pipeline_mode = #tpu.pipeline_mode<synchronous>, transform_indices = @transform_1, window_bounds = array<i64: 256, 256>}, {pipeline_mode = #tpu.pipeline_mode<synchronous>, transform_indices = @transform_2, window_bounds = array<i64: 1, 256>}, {pipeline_mode = #tpu.pipeline_mode<synchronous>, transform_indices = @transform_3, window_bounds = array<i64: 256, 160>}, {pipeline_mode = #tpu.pipeline_mode<synchronous>, transform_indices = @transform_4, window_bounds = array<i64: 40, 4>}, {transform_indices = @transform_5, window_bounds = array<i64: 1, 1, 400>}, {transform_indices = @transform_6, window_bounds = array<i64: 1, 1, 400>}, {transform_indices = @transform_7, window_bounds = array<i64: 400, 256>}, {transform_indices = @transform_8, window_bounds = array<i64: 400, 128>}]} {
    %get3A = arith.constant 0 : index
    %get3A_0 = arith.constant 0 : index
    %get3A_1 = vector.load %arg1[%get3A, %get3A_0] : memref<400x256xf32, #tpu.memory_space<vmem>>, vector<400x256xf32>
    %get3A_2 = arith.constant 0 : index
    %get3A_3 = arith.constant 0 : index
    %get3A_4 = vector.load %arg2[%get3A_2, %get3A_3] : memref<256x256xf32, #tpu.memory_space<vmem>>, vector<256x256xf32>
    %dot_general3A = arith.constant dense<0.000000e+00> : vector<400x256xf32>
    %dot_general3A_5 = tpu.matmul %get3A_1, %get3A_4, %dot_general3A {dimension_numbers = #tpu.dot_dimension_numbers<[1], [0], [0], [1], [0, 0, 1, 1], [], []>, transpose_lhs_hint = false} : vector<400x256xf32>, vector<256x256xf32>, vector<400x256xf32> -> vector<400x256xf32>
    %get3A_6 = arith.constant 0 : index
    %get3A_7 = arith.constant 0 : index
    %get3A_8 = vector.load %arg3[%get3A_6, %get3A_7] : memref<1x256xf32, #tpu.memory_space<vmem>>, vector<1x256xf32>
    %add3A = vector.broadcast %get3A_8 : vector<1x256xf32> to vector<400x256xf32>
    %add3A_9 = arith.addf %dot_general3A_5, %add3A : vector<400x256xf32>
    %get3A_10 = arith.constant 0 : index
    %get3A_11 = arith.constant 0 : index
    %get3A_12 = vector.load %arg4[%get3A_10, %get3A_11] : memref<256x160xf32, #tpu.memory_space<vmem>>, vector<256x160xf32>
    %dot_general3A_13 = arith.constant dense<0.000000e+00> : vector<400x160xf32>
    %dot_general3A_14 = tpu.matmul %add3A_9, %get3A_12, %dot_general3A_13 {dimension_numbers = #tpu.dot_dimension_numbers<[1], [0], [0], [1], [0, 0, 1, 1], [], []>, transpose_lhs_hint = false} : vector<400x256xf32>, vector<256x160xf32>, vector<400x160xf32> -> vector<400x160xf32>
    %get3A_15 = arith.constant 0 : index
    %get3A_16 = arith.constant 0 : index
    %get3A_17 = arith.constant 0 : index
    %get3A_18 = vector.load %arg6[%get3A_15, %get3A_16, %get3A_17] : memref<1x1x400xi32, #tpu.memory_space<vmem>>, vector<1x1x400xi32>
    %get3A_19 = vector.shape_cast %get3A_18 : vector<1x1x400xi32> to vector<400xi32>
    %iota3A = tpu.iota {dimensions = array<i32: 1>} : vector<400x160xi32>
    %jit3A = arith.constant 4 : i32
    %div3A = vector.broadcast %jit3A : i32 to vector<400x160xi32>
    %div3A_20 = arith.divsi %iota3A, %div3A : vector<400x160xi32>
    %sign3A = arith.constant 0 : i32
    %sign3A_21 = vector.broadcast %sign3A : i32 to vector<400x160xi32>
    %sign3A_22 = arith.cmpi sgt, %iota3A, %sign3A_21 : vector<400x160xi32>
    %sign3A_23 = arith.extui %sign3A_22 : vector<400x160xi1> to vector<400x160xi32>
    %sign3A_24 = arith.constant 0 : i32
    %sign3A_25 = vector.broadcast %sign3A_24 : i32 to vector<400x160xi32>
    %sign3A_26 = arith.cmpi slt, %iota3A, %sign3A_25 : vector<400x160xi32>
    %sign3A_27 = arith.extui %sign3A_26 : vector<400x160xi1> to vector<400x160xi32>
    %sign3A_28 = arith.subi %sign3A_23, %sign3A_27 : vector<400x160xi32>
    %sign3A_29 = arith.constant 0 : i32
    %sign3A_30 = arith.cmpi sgt, %jit3A, %sign3A_29 : i32
    %sign3A_31 = arith.extui %sign3A_30 : i1 to i32
    %sign3A_32 = arith.constant 0 : i32
    %sign3A_33 = arith.cmpi slt, %jit3A, %sign3A_32 : i32
    %sign3A_34 = arith.extui %sign3A_33 : i1 to i32
    %sign3A_35 = arith.subi %sign3A_31, %sign3A_34 : i32
    %ne3A = vector.broadcast %sign3A_35 : i32 to vector<400x160xi32>
    %ne3A_36 = arith.cmpi ne, %sign3A_28, %ne3A : vector<400x160xi32>
    %rem3A = vector.broadcast %jit3A : i32 to vector<400x160xi32>
    %rem3A_37 = arith.remsi %iota3A, %rem3A : vector<400x160xi32>
    %ne3A_38 = arith.constant 0 : i32
    %ne3A_39 = vector.broadcast %ne3A_38 : i32 to vector<400x160xi32>
    %ne3A_40 = arith.cmpi ne, %rem3A_37, %ne3A_39 : vector<400x160xi32>
    %and3A = arith.andi %ne3A_36, %ne3A_40 : vector<400x160xi1>
    %sub3A = arith.constant 1 : i32
    %sub3A_41 = vector.broadcast %sub3A : i32 to vector<400x160xi32>
    %sub3A_42 = arith.subi %div3A_20, %sub3A_41 : vector<400x160xi32>
    %select_n3A = arith.select %and3A, %sub3A_42, %div3A_20 : vector<400x160xi1>, vector<400x160xi32>
    %broadcast_in_dim3A = vector.shape_cast %get3A_19 : vector<400xi32> to vector<400x1xi32>
    %eq3A = vector.broadcast %broadcast_in_dim3A : vector<400x1xi32> to vector<400x160xi32>
    %eq3A_43 = arith.cmpi eq, %select_n3A, %eq3A : vector<400x160xi32>
    %convert_element_type3A = arith.extui %eq3A_43 : vector<400x160xi1> to vector<400x160xi32>
    %convert_element_type3A_44 = arith.sitofp %convert_element_type3A : vector<400x160xi32> to vector<400x160xf32>
    %iota3A_45 = tpu.iota {dimensions = array<i32: 0>} : vector<160x4xi32>
    %jit3A_46 = arith.constant 4 : i32
    %eq3A_47 = arith.constant 0 : i32
    %eq3A_48 = arith.cmpi eq, %jit3A_46, %eq3A_47 : i32
    %jit3A_49 = arith.constant 1 : i32
    %select_n3A_50 = arith.select %eq3A_48, %jit3A_49, %jit3A_46 : i32
    %rem3A_51 = vector.broadcast %select_n3A_50 : i32 to vector<160x4xi32>
    %rem3A_52 = arith.remsi %iota3A_45, %rem3A_51 : vector<160x4xi32>
    %ne3A_53 = arith.constant 0 : i32
    %ne3A_54 = vector.broadcast %ne3A_53 : i32 to vector<160x4xi32>
    %ne3A_55 = arith.cmpi ne, %rem3A_52, %ne3A_54 : vector<160x4xi32>
    %lt3A = arith.constant 0 : i32
    %lt3A_56 = vector.broadcast %lt3A : i32 to vector<160x4xi32>
    %lt3A_57 = arith.cmpi slt, %rem3A_52, %lt3A_56 : vector<160x4xi32>
    %lt3A_58 = arith.constant 0 : i32
    %lt3A_59 = arith.cmpi slt, %select_n3A_50, %lt3A_58 : i32
    %ne3A_60 = vector.broadcast %lt3A_59 : i1 to vector<160x4xi1>
    %ne3A_61 = vector.broadcast %ne3A_60 : vector<160x4xi1> to vector<160x4xi1>
    %ne3A_62 = arith.xori %lt3A_57, %ne3A_61 : vector<160x4xi1>
    %and3A_63 = arith.andi %ne3A_62, %ne3A_55 : vector<160x4xi1>
    %add3A_64 = vector.broadcast %select_n3A_50 : i32 to vector<160x4xi32>
    %add3A_65 = arith.addi %rem3A_52, %add3A_64 : vector<160x4xi32>
    %select_n3A_66 = arith.select %and3A_63, %add3A_65, %rem3A_52 : vector<160x4xi1>, vector<160x4xi32>
    %iota3A_67 = tpu.iota {dimensions = array<i32: 1>} : vector<160x4xi32>
    %eq3A_68 = arith.cmpi eq, %select_n3A_66, %iota3A_67 : vector<160x4xi32>
    %convert_element_type3A_69 = arith.extui %eq3A_68 : vector<160x4xi1> to vector<160x4xi32>
    %convert_element_type3A_70 = arith.sitofp %convert_element_type3A_69 : vector<160x4xi32> to vector<160x4xf32>
    %broadcast_in_dim3A_71 = vector.shape_cast %get3A_19 : vector<400xi32> to vector<400x1xi32>
    %iota3A_72 = tpu.iota {dimensions = array<i32: 1>} : vector<400x40xi32>
    %eq3A_73 = vector.broadcast %broadcast_in_dim3A_71 : vector<400x1xi32> to vector<400x40xi32>
    %eq3A_74 = arith.cmpi eq, %eq3A_73, %iota3A_72 : vector<400x40xi32>
    %convert_element_type3A_75 = arith.extui %eq3A_74 : vector<400x40xi1> to vector<400x40xi32>
    %convert_element_type3A_76 = arith.sitofp %convert_element_type3A_75 : vector<400x40xi32> to vector<400x40xf32>
    %mul3A = arith.mulf %dot_general3A_14, %convert_element_type3A_44 : vector<400x160xf32>
    %dot_general3A_77 = arith.constant dense<0.000000e+00> : vector<400x4xf32>
    %dot_general3A_78 = tpu.matmul %mul3A, %convert_element_type3A_70, %dot_general3A_77 {dimension_numbers = #tpu.dot_dimension_numbers<[1], [0], [0], [1], [0, 0, 1, 1], [], []>, transpose_lhs_hint = false} : vector<400x160xf32>, vector<160x4xf32>, vector<400x4xf32> -> vector<400x4xf32>
    %get3A_79 = arith.constant 0 : index
    %get3A_80 = arith.constant 0 : index
    %get3A_81 = vector.load %arg5[%get3A_79, %get3A_80] : memref<40x4xf32, #tpu.memory_space<vmem>>, vector<40x4xf32>
    %dot_general3A_82 = arith.constant dense<0.000000e+00> : vector<400x4xf32>
    %dot_general3A_83 = tpu.matmul %convert_element_type3A_76, %get3A_81, %dot_general3A_82 {dimension_numbers = #tpu.dot_dimension_numbers<[1], [0], [0], [1], [0, 0, 1, 1], [], []>, transpose_lhs_hint = false} : vector<400x40xf32>, vector<40x4xf32>, vector<400x4xf32> -> vector<400x4xf32>
    %add3A_84 = arith.addf %dot_general3A_78, %dot_general3A_83 : vector<400x4xf32>
    %broadcast_in_dim3A_85 = arith.constant 0.000000e+00 : f32
    %broadcast_in_dim3A_86 = vector.broadcast %broadcast_in_dim3A_85 : f32 to vector<400x128xf32>
    %swap3A = arith.constant 0 : index
    %swap3A_87 = arith.constant 0 : index
    %swap3A_88 = vector.load %arg9[%swap3A, %swap3A_87] : memref<400x128xf32, #tpu.memory_space<vmem>>, vector<400x128xf32>
    tpu.vector_store %arg9[%swap3A, %swap3A_87], %broadcast_in_dim3A_86 {strides = array<i32>} : memref<400x128xf32, #tpu.memory_space<vmem>>, vector<400x128xf32>,
    %max3A = arith.constant 0.000000e+00 : f32
    %max3A_89 = vector.broadcast %max3A : f32 to vector<400x4xf32>
    %max3A_90 = arith.maximumf %add3A_84, %max3A_89 : vector<400x4xf32>
    %get3A_91 = arith.constant 0 : index
    %get3A_92 = arith.constant 0 : index
    %get3A_93 = arith.constant 0 : index
    %get3A_94 = vector.load %arg7[%get3A_91, %get3A_92, %get3A_93] : memref<1x1x400xf32, #tpu.memory_space<vmem>>, vector<1x1x400xf32>
    %get3A_95 = vector.shape_cast %get3A_94 : vector<1x1x400xf32> to vector<400xf32>
    %broadcast_in_dim3A_96 = vector.shape_cast %get3A_95 : vector<400xf32> to vector<400x1xf32>
    %mul3A_97 = vector.broadcast %broadcast_in_dim3A_96 : vector<400x1xf32> to vector<400x4xf32>
    %mul3A_98 = arith.mulf %max3A_90, %mul3A_97 : vector<400x4xf32>
    %swap3A_99 = arith.constant 0 : index
    %swap3A_100 = arith.constant 0 : index
    %swap3A_101 = vector.load %arg9[%swap3A_99, %swap3A_100] : memref<400x128xf32, #tpu.memory_space<vmem>>, vector<400x4xf32>
    tpu.vector_store %arg9[%swap3A_99, %swap3A_100], %mul3A_98 {strides = array<i32>} : memref<400x128xf32, #tpu.memory_space<vmem>>, vector<400x4xf32>,
    %swap3A_102 = arith.constant 0 : index
    %swap3A_103 = arith.constant 0 : index
    %swap3A_104 = vector.load %arg8[%swap3A_102, %swap3A_103] : memref<400x256xf32, #tpu.memory_space<vmem>>, vector<400x256xf32>
    tpu.vector_store %arg8[%swap3A_102, %swap3A_103], %add3A_9 {strides = array<i32>} : memref<400x256xf32, #tpu.memory_space<vmem>>, vector<400x256xf32>,
    return
  }
  func.func @transform_0(%arg0: i32) -> (i32, i32) {
    %c0_i32 = arith.constant 0 : i32
    %c0_i32_0 = arith.constant 0 : i32
    return %arg0, %c0_i32 : i32, i32
  }
  func.func @transform_1(%arg0: i32) -> (i32, i32) {
    %c0_i32 = arith.constant 0 : i32
    %c0_i32_0 = arith.constant 0 : i32
    %c0_i32_1 = arith.constant 0 : i32
    return %c0_i32, %c0_i32_0 : i32, i32
  }
  func.func @transform_2(%arg0: i32) -> (i32, i32) {
    %c0_i32 = arith.constant 0 : i32
    %c0_i32_0 = arith.constant 0 : i32
    %c0_i32_1 = arith.constant 0 : i32
    return %c0_i32, %c0_i32_0 : i32, i32
  }
  func.func @transform_3(%arg0: i32) -> (i32, i32) {
    %c0_i32 = arith.constant 0 : i32
    %c0_i32_0 = arith.constant 0 : i32
    %c0_i32_1 = arith.constant 0 : i32
    return %c0_i32, %c0_i32_0 : i32, i32
  }
  func.func @transform_4(%arg0: i32) -> (i32, i32) {
    %c0_i32 = arith.constant 0 : i32
    %c0_i32_0 = arith.constant 0 : i32
    %c0_i32_1 = arith.constant 0 : i32
    return %c0_i32, %c0_i32_0 : i32, i32
  }
  func.func @transform_5(%arg0: i32) -> (i32, i32, i32) {
    %c0_i32 = arith.constant 0 : i32
    %c0_i32_0 = arith.constant 0 : i32
    %c0_i32_1 = arith.constant 0 : i32
    return %arg0, %c0_i32, %c0_i32_0 : i32, i32, i32
  }
  func.func @transform_6(%arg0: i32) -> (i32, i32, i32) {
    %c0_i32 = arith.constant 0 : i32
    %c0_i32_0 = arith.constant 0 : i32
    %c0_i32_1 = arith.constant 0 : i32
    return %arg0, %c0_i32, %c0_i32_0 : i32, i32, i32
  }
  func.func @transform_7(%arg0: i32) -> (i32, i32) {
    %c0_i32 = arith.constant 0 : i32
    %c0_i32_0 = arith.constant 0 : i32
    return %arg0, %c0_i32 : i32, i32
  }
  func.func @transform_8(%arg0: i32) -> (i32, i32) {
    %c0_i32 = arith.constant 0 : i32
    %c0_i32_0 = arith.constant 0 : i32
    return %arg0, %c0_i32 : i32, i32
  }
}

module attributes {stable_mosaic.version = 14 : i64} {
  func.func @_dec_body(%arg0: i32, %arg1: memref<640x128xf32, #tpu.memory_space<vmem>>, %arg2: memref<1x1x640xi32, #tpu.memory_space<vmem>>, %arg3: memref<1x1x640xf32, #tpu.memory_space<vmem>>, %arg4: memref<4x40x256xf32, #tpu.memory_space<vmem>>, %arg5: memref<40x256xf32, #tpu.memory_space<vmem>>, %arg6: memref<2x640x128xf32, #tpu.memory_space<vmem>>) attributes {dimension_semantics = [#tpu.dimension_semantics<arbitrary>], iteration_bounds = array<i64: 250>, scalar_prefetch = 0 : i64, scratch_operands = 0 : i64, tpu.core_type = #tpu.core_type<tc>, window_params = [{transform_indices = @transform_0, window_bounds = array<i64: 640, 128>}, {transform_indices = @transform_1, window_bounds = array<i64: 1, 1, 640>}, {transform_indices = @transform_2, window_bounds = array<i64: 1, 1, 640>}, {pipeline_mode = #tpu.pipeline_mode<synchronous>, transform_indices = @transform_3, window_bounds = array<i64: 4, 40, 256>}, {pipeline_mode = #tpu.pipeline_mode<synchronous>, transform_indices = @transform_4, window_bounds = array<i64: 40, 256>}, {transform_indices = @transform_5, window_bounds = array<i64: 2, 640, 128>}]} {
    %get3A = arith.constant 0 : index
    %get3A_0 = arith.constant 0 : index
    %get3A_1 = arith.constant 0 : index
    %get3A_2 = vector.load %arg2[%get3A, %get3A_0, %get3A_1] : memref<1x1x640xi32, #tpu.memory_space<vmem>>, vector<1x1x640xi32>
    %get3A_3 = vector.shape_cast %get3A_2 : vector<1x1x640xi32> to vector<640xi32>
    %broadcast_in_dim3A = vector.shape_cast %get3A_3 : vector<640xi32> to vector<640x1xi32>
    %iota3A = tpu.iota {dimensions = array<i32: 1>} : vector<640x40xi32>
    %eq3A = vector.broadcast %broadcast_in_dim3A : vector<640x1xi32> to vector<640x40xi32>
    %eq3A_4 = arith.cmpi eq, %eq3A, %iota3A : vector<640x40xi32>
    %convert_element_type3A = arith.extui %eq3A_4 : vector<640x40xi1> to vector<640x40xi32>
    %convert_element_type3A_5 = arith.sitofp %convert_element_type3A : vector<640x40xi32> to vector<640x40xf32>
    %get3A_6 = arith.constant 0 : index
    %get3A_7 = arith.constant 0 : index
    %get3A_8 = vector.load %arg5[%get3A_6, %get3A_7] : memref<40x256xf32, #tpu.memory_space<vmem>>, vector<40x256xf32>
    %dot_general3A = arith.constant dense<0.000000e+00> : vector<640x256xf32>
    %dot_general3A_9 = tpu.matmul %convert_element_type3A_5, %get3A_8, %dot_general3A {dimension_numbers = #tpu.dot_dimension_numbers<[1], [0], [0], [1], [0, 0, 1, 1], [], []>, transpose_lhs_hint = false} : vector<640x40xf32>, vector<40x256xf32>, vector<640x256xf32> -> vector<640x256xf32>
    %get3A_10 = arith.constant 0 : index
    %get3A_11 = arith.constant 0 : index
    %get3A_12 = vector.load %arg1[%get3A_10, %get3A_11] : memref<640x128xf32, #tpu.memory_space<vmem>>, vector<640x4xf32>
    %get3A_13 = arith.constant 0 : index
    %get3A_14 = arith.constant 0 : index
    %get3A_15 = arith.constant 0 : index
    %get3A_16 = vector.load %arg3[%get3A_13, %get3A_14, %get3A_15] : memref<1x1x640xf32, #tpu.memory_space<vmem>>, vector<1x1x640xf32>
    %get3A_17 = vector.shape_cast %get3A_16 : vector<1x1x640xf32> to vector<640xf32>
    %broadcast_in_dim3A_18 = vector.shape_cast %get3A_17 : vector<640xf32> to vector<640x1xf32>
    %mul3A = vector.broadcast %broadcast_in_dim3A_18 : vector<640x1xf32> to vector<640x4xf32>
    %mul3A_19 = arith.mulf %get3A_12, %mul3A : vector<640x4xf32>
    %slice3A = vector.extract_strided_slice %mul3A_19 {offsets = [0, 0], sizes = [640, 1], strides = [1, 1]} : vector<640x4xf32> to vector<640x1xf32>
    %squeeze3A = vector.shape_cast %slice3A : vector<640x1xf32> to vector<640xf32>
    %broadcast_in_dim3A_20 = vector.shape_cast %squeeze3A : vector<640xf32> to vector<640x1xf32>
    %mul3A_21 = vector.broadcast %broadcast_in_dim3A_20 : vector<640x1xf32> to vector<640x40xf32>
    %mul3A_22 = arith.mulf %convert_element_type3A_5, %mul3A_21 : vector<640x40xf32>
    %get3A_23 = arith.constant 0 : index
    %get3A_24 = arith.constant 0 : index
    %get3A_25 = arith.constant 0 : index
    %get3A_26 = vector.load %arg4[%get3A_23, %get3A_24, %get3A_25] : memref<4x40x256xf32, #tpu.memory_space<vmem>>, vector<1x40x256xf32>
    %get3A_27 = vector.shape_cast %get3A_26 : vector<1x40x256xf32> to vector<40x256xf32>
    %dot_general3A_28 = arith.constant dense<0.000000e+00> : vector<640x256xf32>
    %dot_general3A_29 = tpu.matmul %mul3A_22, %get3A_27, %dot_general3A_28 {dimension_numbers = #tpu.dot_dimension_numbers<[1], [0], [0], [1], [0, 0, 1, 1], [], []>, transpose_lhs_hint = false} : vector<640x40xf32>, vector<40x256xf32>, vector<640x256xf32> -> vector<640x256xf32>
    %add3A = arith.addf %dot_general3A_9, %dot_general3A_29 : vector<640x256xf32>
    %slice3A_30 = vector.extract_strided_slice %mul3A_19 {offsets = [0, 1], sizes = [640, 1], strides = [1, 1]} : vector<640x4xf32> to vector<640x1xf32>
    %squeeze3A_31 = vector.shape_cast %slice3A_30 : vector<640x1xf32> to vector<640xf32>
    %broadcast_in_dim3A_32 = vector.shape_cast %squeeze3A_31 : vector<640xf32> to vector<640x1xf32>
    %mul3A_33 = vector.broadcast %broadcast_in_dim3A_32 : vector<640x1xf32> to vector<640x40xf32>
    %mul3A_34 = arith.mulf %convert_element_type3A_5, %mul3A_33 : vector<640x40xf32>
    %get3A_35 = arith.constant 1 : index
    %get3A_36 = arith.constant 0 : index
    %get3A_37 = arith.constant 0 : index
    %get3A_38 = vector.load %arg4[%get3A_35, %get3A_36, %get3A_37] : memref<4x40x256xf32, #tpu.memory_space<vmem>>, vector<1x40x256xf32>
    %get3A_39 = vector.shape_cast %get3A_38 : vector<1x40x256xf32> to vector<40x256xf32>
    %dot_general3A_40 = arith.constant dense<0.000000e+00> : vector<640x256xf32>
    %dot_general3A_41 = tpu.matmul %mul3A_34, %get3A_39, %dot_general3A_40 {dimension_numbers = #tpu.dot_dimension_numbers<[1], [0], [0], [1], [0, 0, 1, 1], [], []>, transpose_lhs_hint = false} : vector<640x40xf32>, vector<40x256xf32>, vector<640x256xf32> -> vector<640x256xf32>
    %add3A_42 = arith.addf %add3A, %dot_general3A_41 : vector<640x256xf32>
    %slice3A_43 = vector.extract_strided_slice %mul3A_19 {offsets = [0, 2], sizes = [640, 1], strides = [1, 1]} : vector<640x4xf32> to vector<640x1xf32>
    %squeeze3A_44 = vector.shape_cast %slice3A_43 : vector<640x1xf32> to vector<640xf32>
    %broadcast_in_dim3A_45 = vector.shape_cast %squeeze3A_44 : vector<640xf32> to vector<640x1xf32>
    %mul3A_46 = vector.broadcast %broadcast_in_dim3A_45 : vector<640x1xf32> to vector<640x40xf32>
    %mul3A_47 = arith.mulf %convert_element_type3A_5, %mul3A_46 : vector<640x40xf32>
    %get3A_48 = arith.constant 2 : index
    %get3A_49 = arith.constant 0 : index
    %get3A_50 = arith.constant 0 : index
    %get3A_51 = vector.load %arg4[%get3A_48, %get3A_49, %get3A_50] : memref<4x40x256xf32, #tpu.memory_space<vmem>>, vector<1x40x256xf32>
    %get3A_52 = vector.shape_cast %get3A_51 : vector<1x40x256xf32> to vector<40x256xf32>
    %dot_general3A_53 = arith.constant dense<0.000000e+00> : vector<640x256xf32>
    %dot_general3A_54 = tpu.matmul %mul3A_47, %get3A_52, %dot_general3A_53 {dimension_numbers = #tpu.dot_dimension_numbers<[1], [0], [0], [1], [0, 0, 1, 1], [], []>, transpose_lhs_hint = false} : vector<640x40xf32>, vector<40x256xf32>, vector<640x256xf32> -> vector<640x256xf32>
    %add3A_55 = arith.addf %add3A_42, %dot_general3A_54 : vector<640x256xf32>
    %slice3A_56 = vector.extract_strided_slice %mul3A_19 {offsets = [0, 3], sizes = [640, 1], strides = [1, 1]} : vector<640x4xf32> to vector<640x1xf32>
    %squeeze3A_57 = vector.shape_cast %slice3A_56 : vector<640x1xf32> to vector<640xf32>
    %broadcast_in_dim3A_58 = vector.shape_cast %squeeze3A_57 : vector<640xf32> to vector<640x1xf32>
    %mul3A_59 = vector.broadcast %broadcast_in_dim3A_58 : vector<640x1xf32> to vector<640x40xf32>
    %mul3A_60 = arith.mulf %convert_element_type3A_5, %mul3A_59 : vector<640x40xf32>
    %get3A_61 = arith.constant 3 : index
    %get3A_62 = arith.constant 0 : index
    %get3A_63 = arith.constant 0 : index
    %get3A_64 = vector.load %arg4[%get3A_61, %get3A_62, %get3A_63] : memref<4x40x256xf32, #tpu.memory_space<vmem>>, vector<1x40x256xf32>
    %get3A_65 = vector.shape_cast %get3A_64 : vector<1x40x256xf32> to vector<40x256xf32>
    %dot_general3A_66 = arith.constant dense<0.000000e+00> : vector<640x256xf32>
    %dot_general3A_67 = tpu.matmul %mul3A_60, %get3A_65, %dot_general3A_66 {dimension_numbers = #tpu.dot_dimension_numbers<[1], [0], [0], [1], [0, 0, 1, 1], [], []>, transpose_lhs_hint = false} : vector<640x40xf32>, vector<40x256xf32>, vector<640x256xf32> -> vector<640x256xf32>
    %add3A_68 = arith.addf %add3A_55, %dot_general3A_67 : vector<640x256xf32>
    %max3A = arith.constant 0.000000e+00 : f32
    %max3A_69 = vector.broadcast %max3A : f32 to vector<640x256xf32>
    %max3A_70 = arith.maximumf %add3A_68, %max3A_69 : vector<640x256xf32>
    %slice3A_71 = vector.extract_strided_slice %max3A_70 {offsets = [0, 0], sizes = [640, 128], strides = [1, 1]} : vector<640x256xf32> to vector<640x128xf32>
    %swap3A = arith.constant 0 : index
    %swap3A_72 = arith.constant 0 : index
    %swap3A_73 = arith.constant 0 : index
    %swap3A_74 = vector.load %arg6[%swap3A, %swap3A_72, %swap3A_73] : memref<2x640x128xf32, #tpu.memory_space<vmem>>, vector<1x640x128xf32>
    %swap3A_75 = vector.shape_cast %swap3A_74 : vector<1x640x128xf32> to vector<640x128xf32>
    %swap3A_76 = vector.shape_cast %slice3A_71 : vector<640x128xf32> to vector<1x640x128xf32>
    tpu.vector_store %arg6[%swap3A, %swap3A_72, %swap3A_73], %swap3A_76 {strides = array<i32>} : memref<2x640x128xf32, #tpu.memory_space<vmem>>, vector<1x640x128xf32>,
    %slice3A_77 = vector.extract_strided_slice %max3A_70 {offsets = [0, 128], sizes = [640, 128], strides = [1, 1]} : vector<640x256xf32> to vector<640x128xf32>
    %swap3A_78 = arith.constant 1 : index
    %swap3A_79 = arith.constant 0 : index
    %swap3A_80 = arith.constant 0 : index
    %swap3A_81 = vector.load %arg6[%swap3A_78, %swap3A_79, %swap3A_80] : memref<2x640x128xf32, #tpu.memory_space<vmem>>, vector<1x640x128xf32>
    %swap3A_82 = vector.shape_cast %swap3A_81 : vector<1x640x128xf32> to vector<640x128xf32>
    %swap3A_83 = vector.shape_cast %slice3A_77 : vector<640x128xf32> to vector<1x640x128xf32>
    tpu.vector_store %arg6[%swap3A_78, %swap3A_79, %swap3A_80], %swap3A_83 {strides = array<i32>} : memref<2x640x128xf32, #tpu.memory_space<vmem>>, vector<1x640x128xf32>,
    return
  }
  func.func @transform_0(%arg0: i32) -> (i32, i32) {
    %c0_i32 = arith.constant 0 : i32
    %c0_i32_0 = arith.constant 0 : i32
    return %arg0, %c0_i32 : i32, i32
  }
  func.func @transform_1(%arg0: i32) -> (i32, i32, i32) {
    %c0_i32 = arith.constant 0 : i32
    %c0_i32_0 = arith.constant 0 : i32
    %c0_i32_1 = arith.constant 0 : i32
    return %arg0, %c0_i32, %c0_i32_0 : i32, i32, i32
  }
  func.func @transform_2(%arg0: i32) -> (i32, i32, i32) {
    %c0_i32 = arith.constant 0 : i32
    %c0_i32_0 = arith.constant 0 : i32
    %c0_i32_1 = arith.constant 0 : i32
    return %arg0, %c0_i32, %c0_i32_0 : i32, i32, i32
  }
  func.func @transform_3(%arg0: i32) -> (i32, i32, i32) {
    %c0_i32 = arith.constant 0 : i32
    %c0_i32_0 = arith.constant 0 : i32
    %c0_i32_1 = arith.constant 0 : i32
    %c0_i32_2 = arith.constant 0 : i32
    return %c0_i32, %c0_i32_0, %c0_i32_1 : i32, i32, i32
  }
  func.func @transform_4(%arg0: i32) -> (i32, i32) {
    %c0_i32 = arith.constant 0 : i32
    %c0_i32_0 = arith.constant 0 : i32
    %c0_i32_1 = arith.constant 0 : i32
    return %c0_i32, %c0_i32_0 : i32, i32
  }
  func.func @transform_5(%arg0: i32) -> (i32, i32, i32) {
    %c0_i32 = arith.constant 0 : i32
    %c0_i32_0 = arith.constant 0 : i32
    %c0_i32_1 = arith.constant 0 : i32
    return %c0_i32, %arg0, %c0_i32_0 : i32, i32, i32
  }
}

module attributes {stable_mosaic.version = 14 : i64} {
  func.func @_dense_body(%arg0: i32, %arg1: memref<400x256xf32, #tpu.memory_space<vmem>>, %arg2: memref<2x400x128xf32, #tpu.memory_space<vmem>>, %arg3: memref<1x1x400xf32, #tpu.memory_space<vmem>>, %arg4: memref<256x256xf32, #tpu.memory_space<vmem>>, %arg5: memref<1x256xf32, #tpu.memory_space<vmem>>, %arg6: memref<256x160xf32, #tpu.memory_space<vmem>>, %arg7: memref<40x4xf32, #tpu.memory_space<vmem>>, %arg8: memref<1x1x400xi32, #tpu.memory_space<vmem>>, %arg9: memref<1x1x400xf32, #tpu.memory_space<vmem>>, %arg10: memref<400x256xf32, #tpu.memory_space<vmem>>, %arg11: memref<400x128xf32, #tpu.memory_space<vmem>>) attributes {dimension_semantics = [#tpu.dimension_semantics<arbitrary>], iteration_bounds = array<i64: 25>, scalar_prefetch = 0 : i64, scratch_operands = 0 : i64, tpu.core_type = #tpu.core_type<tc>, window_params = [{transform_indices = @transform_0, window_bounds = array<i64: 400, 256>}, {transform_indices = @transform_1, window_bounds = array<i64: 2, 400, 128>}, {transform_indices = @transform_2, window_bounds = array<i64: 1, 1, 400>}, {pipeline_mode = #tpu.pipeline_mode<synchronous>, transform_indices = @transform_3, window_bounds = array<i64: 256, 256>}, {pipeline_mode = #tpu.pipeline_mode<synchronous>, transform_indices = @transform_4, window_bounds = array<i64: 1, 256>}, {pipeline_mode = #tpu.pipeline_mode<synchronous>, transform_indices = @transform_5, window_bounds = array<i64: 256, 160>}, {pipeline_mode = #tpu.pipeline_mode<synchronous>, transform_indices = @transform_6, window_bounds = array<i64: 40, 4>}, {transform_indices = @transform_7, window_bounds = array<i64: 1, 1, 400>}, {transform_indices = @transform_8, window_bounds = array<i64: 1, 1, 400>}, {transform_indices = @transform_9, window_bounds = array<i64: 400, 256>}, {transform_indices = @transform_10, window_bounds = array<i64: 400, 128>}]} {
    %get3A = arith.constant 0 : index
    %get3A_0 = arith.constant 0 : index
    %get3A_1 = arith.constant 0 : index
    %get3A_2 = vector.load %arg2[%get3A, %get3A_0, %get3A_1] : memref<2x400x128xf32, #tpu.memory_space<vmem>>, vector<1x400x128xf32>
    %get3A_3 = vector.shape_cast %get3A_2 : vector<1x400x128xf32> to vector<400x128xf32>
    %get3A_4 = arith.constant 1 : index
    %get3A_5 = arith.constant 0 : index
    %get3A_6 = arith.constant 0 : index
    %get3A_7 = vector.load %arg2[%get3A_4, %get3A_5, %get3A_6] : memref<2x400x128xf32, #tpu.memory_space<vmem>>, vector<1x400x128xf32>
    %get3A_8 = vector.shape_cast %get3A_7 : vector<1x400x128xf32> to vector<400x128xf32>
    %concatenate3A = tpu.concatenate %get3A_3, %get3A_8 in 1 : vector<400x128xf32>, vector<400x128xf32> -> vector<400x256xf32>
    %get3A_9 = arith.constant 0 : index
    %get3A_10 = arith.constant 0 : index
    %get3A_11 = vector.load %arg1[%get3A_9, %get3A_10] : memref<400x256xf32, #tpu.memory_space<vmem>>, vector<400x256xf32>
    %get3A_12 = arith.constant 0 : index
    %get3A_13 = arith.constant 0 : index
    %get3A_14 = arith.constant 0 : index
    %get3A_15 = vector.load %arg3[%get3A_12, %get3A_13, %get3A_14] : memref<1x1x400xf32, #tpu.memory_space<vmem>>, vector<1x1x400xf32>
    %get3A_16 = vector.shape_cast %get3A_15 : vector<1x1x400xf32> to vector<400xf32>
    %broadcast_in_dim3A = vector.shape_cast %get3A_16 : vector<400xf32> to vector<400x1xf32>
    %mul3A = vector.broadcast %broadcast_in_dim3A : vector<400x1xf32> to vector<400x256xf32>
    %mul3A_17 = arith.mulf %concatenate3A, %mul3A : vector<400x256xf32>
    %add3A = arith.addf %get3A_11, %mul3A_17 : vector<400x256xf32>
    %max3A = arith.constant 0.000000e+00 : f32
    %max3A_18 = vector.broadcast %max3A : f32 to vector<400x256xf32>
    %max3A_19 = arith.maximumf %add3A, %max3A_18 : vector<400x256xf32>
    %get3A_20 = arith.constant 0 : index
    %get3A_21 = arith.constant 0 : index
    %get3A_22 = vector.load %arg4[%get3A_20, %get3A_21] : memref<256x256xf32, #tpu.memory_space<vmem>>, vector<256x256xf32>
    %dot_general3A = arith.constant dense<0.000000e+00> : vector<400x256xf32>
    %dot_general3A_23 = tpu.matmul %max3A_19, %get3A_22, %dot_general3A {dimension_numbers = #tpu.dot_dimension_numbers<[1], [0], [0], [1], [0, 0, 1, 1], [], []>, transpose_lhs_hint = false} : vector<400x256xf32>, vector<256x256xf32>, vector<400x256xf32> -> vector<400x256xf32>
    %get3A_24 = arith.constant 0 : index
    %get3A_25 = arith.constant 0 : index
    %get3A_26 = vector.load %arg5[%get3A_24, %get3A_25] : memref<1x256xf32, #tpu.memory_space<vmem>>, vector<1x256xf32>
    %add3A_27 = vector.broadcast %get3A_26 : vector<1x256xf32> to vector<400x256xf32>
    %add3A_28 = arith.addf %dot_general3A_23, %add3A_27 : vector<400x256xf32>
    %get3A_29 = arith.constant 0 : index
    %get3A_30 = arith.constant 0 : index
    %get3A_31 = vector.load %arg6[%get3A_29, %get3A_30] : memref<256x160xf32, #tpu.memory_space<vmem>>, vector<256x160xf32>
    %dot_general3A_32 = arith.constant dense<0.000000e+00> : vector<400x160xf32>
    %dot_general3A_33 = tpu.matmul %add3A_28, %get3A_31, %dot_general3A_32 {dimension_numbers = #tpu.dot_dimension_numbers<[1], [0], [0], [1], [0, 0, 1, 1], [], []>, transpose_lhs_hint = false} : vector<400x256xf32>, vector<256x160xf32>, vector<400x160xf32> -> vector<400x160xf32>
    %get3A_34 = arith.constant 0 : index
    %get3A_35 = arith.constant 0 : index
    %get3A_36 = arith.constant 0 : index
    %get3A_37 = vector.load %arg8[%get3A_34, %get3A_35, %get3A_36] : memref<1x1x400xi32, #tpu.memory_space<vmem>>, vector<1x1x400xi32>
    %get3A_38 = vector.shape_cast %get3A_37 : vector<1x1x400xi32> to vector<400xi32>
    %iota3A = tpu.iota {dimensions = array<i32: 1>} : vector<400x160xi32>
    %jit3A = arith.constant 4 : i32
    %div3A = vector.broadcast %jit3A : i32 to vector<400x160xi32>
    %div3A_39 = arith.divsi %iota3A, %div3A : vector<400x160xi32>
    %sign3A = arith.constant 0 : i32
    %sign3A_40 = vector.broadcast %sign3A : i32 to vector<400x160xi32>
    %sign3A_41 = arith.cmpi sgt, %iota3A, %sign3A_40 : vector<400x160xi32>
    %sign3A_42 = arith.extui %sign3A_41 : vector<400x160xi1> to vector<400x160xi32>
    %sign3A_43 = arith.constant 0 : i32
    %sign3A_44 = vector.broadcast %sign3A_43 : i32 to vector<400x160xi32>
    %sign3A_45 = arith.cmpi slt, %iota3A, %sign3A_44 : vector<400x160xi32>
    %sign3A_46 = arith.extui %sign3A_45 : vector<400x160xi1> to vector<400x160xi32>
    %sign3A_47 = arith.subi %sign3A_42, %sign3A_46 : vector<400x160xi32>
    %sign3A_48 = arith.constant 0 : i32
    %sign3A_49 = arith.cmpi sgt, %jit3A, %sign3A_48 : i32
    %sign3A_50 = arith.extui %sign3A_49 : i1 to i32
    %sign3A_51 = arith.constant 0 : i32
    %sign3A_52 = arith.cmpi slt, %jit3A, %sign3A_51 : i32
    %sign3A_53 = arith.extui %sign3A_52 : i1 to i32
    %sign3A_54 = arith.subi %sign3A_50, %sign3A_53 : i32
    %ne3A = vector.broadcast %sign3A_54 : i32 to vector<400x160xi32>
    %ne3A_55 = arith.cmpi ne, %sign3A_47, %ne3A : vector<400x160xi32>
    %rem3A = vector.broadcast %jit3A : i32 to vector<400x160xi32>
    %rem3A_56 = arith.remsi %iota3A, %rem3A : vector<400x160xi32>
    %ne3A_57 = arith.constant 0 : i32
    %ne3A_58 = vector.broadcast %ne3A_57 : i32 to vector<400x160xi32>
    %ne3A_59 = arith.cmpi ne, %rem3A_56, %ne3A_58 : vector<400x160xi32>
    %and3A = arith.andi %ne3A_55, %ne3A_59 : vector<400x160xi1>
    %sub3A = arith.constant 1 : i32
    %sub3A_60 = vector.broadcast %sub3A : i32 to vector<400x160xi32>
    %sub3A_61 = arith.subi %div3A_39, %sub3A_60 : vector<400x160xi32>
    %select_n3A = arith.select %and3A, %sub3A_61, %div3A_39 : vector<400x160xi1>, vector<400x160xi32>
    %broadcast_in_dim3A_62 = vector.shape_cast %get3A_38 : vector<400xi32> to vector<400x1xi32>
    %eq3A = vector.broadcast %broadcast_in_dim3A_62 : vector<400x1xi32> to vector<400x160xi32>
    %eq3A_63 = arith.cmpi eq, %select_n3A, %eq3A : vector<400x160xi32>
    %convert_element_type3A = arith.extui %eq3A_63 : vector<400x160xi1> to vector<400x160xi32>
    %convert_element_type3A_64 = arith.sitofp %convert_element_type3A : vector<400x160xi32> to vector<400x160xf32>
    %iota3A_65 = tpu.iota {dimensions = array<i32: 0>} : vector<160x4xi32>
    %jit3A_66 = arith.constant 4 : i32
    %eq3A_67 = arith.constant 0 : i32
    %eq3A_68 = arith.cmpi eq, %jit3A_66, %eq3A_67 : i32
    %jit3A_69 = arith.constant 1 : i32
    %select_n3A_70 = arith.select %eq3A_68, %jit3A_69, %jit3A_66 : i32
    %rem3A_71 = vector.broadcast %select_n3A_70 : i32 to vector<160x4xi32>
    %rem3A_72 = arith.remsi %iota3A_65, %rem3A_71 : vector<160x4xi32>
    %ne3A_73 = arith.constant 0 : i32
    %ne3A_74 = vector.broadcast %ne3A_73 : i32 to vector<160x4xi32>
    %ne3A_75 = arith.cmpi ne, %rem3A_72, %ne3A_74 : vector<160x4xi32>
    %lt3A = arith.constant 0 : i32
    %lt3A_76 = vector.broadcast %lt3A : i32 to vector<160x4xi32>
    %lt3A_77 = arith.cmpi slt, %rem3A_72, %lt3A_76 : vector<160x4xi32>
    %lt3A_78 = arith.constant 0 : i32
    %lt3A_79 = arith.cmpi slt, %select_n3A_70, %lt3A_78 : i32
    %ne3A_80 = vector.broadcast %lt3A_79 : i1 to vector<160x4xi1>
    %ne3A_81 = vector.broadcast %ne3A_80 : vector<160x4xi1> to vector<160x4xi1>
    %ne3A_82 = arith.xori %lt3A_77, %ne3A_81 : vector<160x4xi1>
    %and3A_83 = arith.andi %ne3A_82, %ne3A_75 : vector<160x4xi1>
    %add3A_84 = vector.broadcast %select_n3A_70 : i32 to vector<160x4xi32>
    %add3A_85 = arith.addi %rem3A_72, %add3A_84 : vector<160x4xi32>
    %select_n3A_86 = arith.select %and3A_83, %add3A_85, %rem3A_72 : vector<160x4xi1>, vector<160x4xi32>
    %iota3A_87 = tpu.iota {dimensions = array<i32: 1>} : vector<160x4xi32>
    %eq3A_88 = arith.cmpi eq, %select_n3A_86, %iota3A_87 : vector<160x4xi32>
    %convert_element_type3A_89 = arith.extui %eq3A_88 : vector<160x4xi1> to vector<160x4xi32>
    %convert_element_type3A_90 = arith.sitofp %convert_element_type3A_89 : vector<160x4xi32> to vector<160x4xf32>
    %broadcast_in_dim3A_91 = vector.shape_cast %get3A_38 : vector<400xi32> to vector<400x1xi32>
    %iota3A_92 = tpu.iota {dimensions = array<i32: 1>} : vector<400x40xi32>
    %eq3A_93 = vector.broadcast %broadcast_in_dim3A_91 : vector<400x1xi32> to vector<400x40xi32>
    %eq3A_94 = arith.cmpi eq, %eq3A_93, %iota3A_92 : vector<400x40xi32>
    %convert_element_type3A_95 = arith.extui %eq3A_94 : vector<400x40xi1> to vector<400x40xi32>
    %convert_element_type3A_96 = arith.sitofp %convert_element_type3A_95 : vector<400x40xi32> to vector<400x40xf32>
    %mul3A_97 = arith.mulf %dot_general3A_33, %convert_element_type3A_64 : vector<400x160xf32>
    %dot_general3A_98 = arith.constant dense<0.000000e+00> : vector<400x4xf32>
    %dot_general3A_99 = tpu.matmul %mul3A_97, %convert_element_type3A_90, %dot_general3A_98 {dimension_numbers = #tpu.dot_dimension_numbers<[1], [0], [0], [1], [0, 0, 1, 1], [], []>, transpose_lhs_hint = false} : vector<400x160xf32>, vector<160x4xf32>, vector<400x4xf32> -> vector<400x4xf32>
    %get3A_100 = arith.constant 0 : index
    %get3A_101 = arith.constant 0 : index
    %get3A_102 = vector.load %arg7[%get3A_100, %get3A_101] : memref<40x4xf32, #tpu.memory_space<vmem>>, vector<40x4xf32>
    %dot_general3A_103 = arith.constant dense<0.000000e+00> : vector<400x4xf32>
    %dot_general3A_104 = tpu.matmul %convert_element_type3A_96, %get3A_102, %dot_general3A_103 {dimension_numbers = #tpu.dot_dimension_numbers<[1], [0], [0], [1], [0, 0, 1, 1], [], []>, transpose_lhs_hint = false} : vector<400x40xf32>, vector<40x4xf32>, vector<400x4xf32> -> vector<400x4xf32>
    %add3A_105 = arith.addf %dot_general3A_99, %dot_general3A_104 : vector<400x4xf32>
    %broadcast_in_dim3A_106 = arith.constant 0.000000e+00 : f32
    %broadcast_in_dim3A_107 = vector.broadcast %broadcast_in_dim3A_106 : f32 to vector<400x128xf32>
    %swap3A = arith.constant 0 : index
    %swap3A_108 = arith.constant 0 : index
    %swap3A_109 = vector.load %arg11[%swap3A, %swap3A_108] : memref<400x128xf32, #tpu.memory_space<vmem>>, vector<400x128xf32>
    tpu.vector_store %arg11[%swap3A, %swap3A_108], %broadcast_in_dim3A_107 {strides = array<i32>} : memref<400x128xf32, #tpu.memory_space<vmem>>, vector<400x128xf32>,
    %max3A_110 = arith.constant 0.000000e+00 : f32
    %max3A_111 = vector.broadcast %max3A_110 : f32 to vector<400x4xf32>
    %max3A_112 = arith.maximumf %add3A_105, %max3A_111 : vector<400x4xf32>
    %get3A_113 = arith.constant 0 : index
    %get3A_114 = arith.constant 0 : index
    %get3A_115 = arith.constant 0 : index
    %get3A_116 = vector.load %arg9[%get3A_113, %get3A_114, %get3A_115] : memref<1x1x400xf32, #tpu.memory_space<vmem>>, vector<1x1x400xf32>
    %get3A_117 = vector.shape_cast %get3A_116 : vector<1x1x400xf32> to vector<400xf32>
    %broadcast_in_dim3A_118 = vector.shape_cast %get3A_117 : vector<400xf32> to vector<400x1xf32>
    %mul3A_119 = vector.broadcast %broadcast_in_dim3A_118 : vector<400x1xf32> to vector<400x4xf32>
    %mul3A_120 = arith.mulf %max3A_112, %mul3A_119 : vector<400x4xf32>
    %swap3A_121 = arith.constant 0 : index
    %swap3A_122 = arith.constant 0 : index
    %swap3A_123 = vector.load %arg11[%swap3A_121, %swap3A_122] : memref<400x128xf32, #tpu.memory_space<vmem>>, vector<400x4xf32>
    tpu.vector_store %arg11[%swap3A_121, %swap3A_122], %mul3A_120 {strides = array<i32>} : memref<400x128xf32, #tpu.memory_space<vmem>>, vector<400x4xf32>,
    %swap3A_124 = arith.constant 0 : index
    %swap3A_125 = arith.constant 0 : index
    %swap3A_126 = vector.load %arg10[%swap3A_124, %swap3A_125] : memref<400x256xf32, #tpu.memory_space<vmem>>, vector<400x256xf32>
    tpu.vector_store %arg10[%swap3A_124, %swap3A_125], %add3A_28 {strides = array<i32>} : memref<400x256xf32, #tpu.memory_space<vmem>>, vector<400x256xf32>,
    return
  }
  func.func @transform_0(%arg0: i32) -> (i32, i32) {
    %c0_i32 = arith.constant 0 : i32
    %c0_i32_0 = arith.constant 0 : i32
    return %arg0, %c0_i32 : i32, i32
  }
  func.func @transform_1(%arg0: i32) -> (i32, i32, i32) {
    %c0_i32 = arith.constant 0 : i32
    %c0_i32_0 = arith.constant 0 : i32
    %c0_i32_1 = arith.constant 0 : i32
    return %c0_i32, %arg0, %c0_i32_0 : i32, i32, i32
  }
  func.func @transform_2(%arg0: i32) -> (i32, i32, i32) {
    %c0_i32 = arith.constant 0 : i32
    %c0_i32_0 = arith.constant 0 : i32
    %c0_i32_1 = arith.constant 0 : i32
    return %arg0, %c0_i32, %c0_i32_0 : i32, i32, i32
  }
  func.func @transform_3(%arg0: i32) -> (i32, i32) {
    %c0_i32 = arith.constant 0 : i32
    %c0_i32_0 = arith.constant 0 : i32
    %c0_i32_1 = arith.constant 0 : i32
    return %c0_i32, %c0_i32_0 : i32, i32
  }
  func.func @transform_4(%arg0: i32) -> (i32, i32) {
    %c0_i32 = arith.constant 0 : i32
    %c0_i32_0 = arith.constant 0 : i32
    %c0_i32_1 = arith.constant 0 : i32
    return %c0_i32, %c0_i32_0 : i32, i32
  }
  func.func @transform_5(%arg0: i32) -> (i32, i32) {
    %c0_i32 = arith.constant 0 : i32
    %c0_i32_0 = arith.constant 0 : i32
    %c0_i32_1 = arith.constant 0 : i32
    return %c0_i32, %c0_i32_0 : i32, i32
  }
  func.func @transform_6(%arg0: i32) -> (i32, i32) {
    %c0_i32 = arith.constant 0 : i32
    %c0_i32_0 = arith.constant 0 : i32
    %c0_i32_1 = arith.constant 0 : i32
    return %c0_i32, %c0_i32_0 : i32, i32
  }
  func.func @transform_7(%arg0: i32) -> (i32, i32, i32) {
    %c0_i32 = arith.constant 0 : i32
    %c0_i32_0 = arith.constant 0 : i32
    %c0_i32_1 = arith.constant 0 : i32
    return %arg0, %c0_i32, %c0_i32_0 : i32, i32, i32
  }
  func.func @transform_8(%arg0: i32) -> (i32, i32, i32) {
    %c0_i32 = arith.constant 0 : i32
    %c0_i32_0 = arith.constant 0 : i32
    %c0_i32_1 = arith.constant 0 : i32
    return %arg0, %c0_i32, %c0_i32_0 : i32, i32, i32
  }
  func.func @transform_9(%arg0: i32) -> (i32, i32) {
    %c0_i32 = arith.constant 0 : i32
    %c0_i32_0 = arith.constant 0 : i32
    return %arg0, %c0_i32 : i32, i32
  }
  func.func @transform_10(%arg0: i32) -> (i32, i32) {
    %c0_i32 = arith.constant 0 : i32
    %c0_i32_0 = arith.constant 0 : i32
    return %arg0, %c0_i32 : i32, i32
  }
}

module attributes {stable_mosaic.version = 14 : i64} {
  func.func @_dense_body(%arg0: i32, %arg1: memref<400x256xf32, #tpu.memory_space<vmem>>, %arg2: memref<2x400x128xf32, #tpu.memory_space<vmem>>, %arg3: memref<1x1x400xf32, #tpu.memory_space<vmem>>, %arg4: memref<256x40xf32, #tpu.memory_space<vmem>>, %arg5: memref<1x40xf32, #tpu.memory_space<vmem>>, %arg6: memref<40x160xf32, #tpu.memory_space<vmem>>, %arg7: memref<40x4xf32, #tpu.memory_space<vmem>>, %arg8: memref<1x1x400xi32, #tpu.memory_space<vmem>>, %arg9: memref<1x1x400xf32, #tpu.memory_space<vmem>>, %arg10: memref<400x40xf32, #tpu.memory_space<vmem>>, %arg11: memref<400x128xf32, #tpu.memory_space<vmem>>) attributes {dimension_semantics = [#tpu.dimension_semantics<arbitrary>], iteration_bounds = array<i64: 25>, scalar_prefetch = 0 : i64, scratch_operands = 0 : i64, tpu.core_type = #tpu.core_type<tc>, window_params = [{transform_indices = @transform_0, window_bounds = array<i64: 400, 256>}, {transform_indices = @transform_1, window_bounds = array<i64: 2, 400, 128>}, {transform_indices = @transform_2, window_bounds = array<i64: 1, 1, 400>}, {pipeline_mode = #tpu.pipeline_mode<synchronous>, transform_indices = @transform_3, window_bounds = array<i64: 256, 40>}, {pipeline_mode = #tpu.pipeline_mode<synchronous>, transform_indices = @transform_4, window_bounds = array<i64: 1, 40>}, {pipeline_mode = #tpu.pipeline_mode<synchronous>, transform_indices = @transform_5, window_bounds = array<i64: 40, 160>}, {pipeline_mode = #tpu.pipeline_mode<synchronous>, transform_indices = @transform_6, window_bounds = array<i64: 40, 4>}, {transform_indices = @transform_7, window_bounds = array<i64: 1, 1, 400>}, {transform_indices = @transform_8, window_bounds = array<i64: 1, 1, 400>}, {transform_indices = @transform_9, window_bounds = array<i64: 400, 40>}, {transform_indices = @transform_10, window_bounds = array<i64: 400, 128>}]} {
    %get3A = arith.constant 0 : index
    %get3A_0 = arith.constant 0 : index
    %get3A_1 = arith.constant 0 : index
    %get3A_2 = vector.load %arg2[%get3A, %get3A_0, %get3A_1] : memref<2x400x128xf32, #tpu.memory_space<vmem>>, vector<1x400x128xf32>
    %get3A_3 = vector.shape_cast %get3A_2 : vector<1x400x128xf32> to vector<400x128xf32>
    %get3A_4 = arith.constant 1 : index
    %get3A_5 = arith.constant 0 : index
    %get3A_6 = arith.constant 0 : index
    %get3A_7 = vector.load %arg2[%get3A_4, %get3A_5, %get3A_6] : memref<2x400x128xf32, #tpu.memory_space<vmem>>, vector<1x400x128xf32>
    %get3A_8 = vector.shape_cast %get3A_7 : vector<1x400x128xf32> to vector<400x128xf32>
    %concatenate3A = tpu.concatenate %get3A_3, %get3A_8 in 1 : vector<400x128xf32>, vector<400x128xf32> -> vector<400x256xf32>
    %get3A_9 = arith.constant 0 : index
    %get3A_10 = arith.constant 0 : index
    %get3A_11 = vector.load %arg1[%get3A_9, %get3A_10] : memref<400x256xf32, #tpu.memory_space<vmem>>, vector<400x256xf32>
    %get3A_12 = arith.constant 0 : index
    %get3A_13 = arith.constant 0 : index
    %get3A_14 = arith.constant 0 : index
    %get3A_15 = vector.load %arg3[%get3A_12, %get3A_13, %get3A_14] : memref<1x1x400xf32, #tpu.memory_space<vmem>>, vector<1x1x400xf32>
    %get3A_16 = vector.shape_cast %get3A_15 : vector<1x1x400xf32> to vector<400xf32>
    %broadcast_in_dim3A = vector.shape_cast %get3A_16 : vector<400xf32> to vector<400x1xf32>
    %mul3A = vector.broadcast %broadcast_in_dim3A : vector<400x1xf32> to vector<400x256xf32>
    %mul3A_17 = arith.mulf %concatenate3A, %mul3A : vector<400x256xf32>
    %add3A = arith.addf %get3A_11, %mul3A_17 : vector<400x256xf32>
    %max3A = arith.constant 0.000000e+00 : f32
    %max3A_18 = vector.broadcast %max3A : f32 to vector<400x256xf32>
    %max3A_19 = arith.maximumf %add3A, %max3A_18 : vector<400x256xf32>
    %get3A_20 = arith.constant 0 : index
    %get3A_21 = arith.constant 0 : index
    %get3A_22 = vector.load %arg4[%get3A_20, %get3A_21] : memref<256x40xf32, #tpu.memory_space<vmem>>, vector<256x40xf32>
    %dot_general3A = arith.constant dense<0.000000e+00> : vector<400x40xf32>
    %dot_general3A_23 = tpu.matmul %max3A_19, %get3A_22, %dot_general3A {dimension_numbers = #tpu.dot_dimension_numbers<[1], [0], [0], [1], [0, 0, 1, 1], [], []>, transpose_lhs_hint = false} : vector<400x256xf32>, vector<256x40xf32>, vector<400x40xf32> -> vector<400x40xf32>
    %get3A_24 = arith.constant 0 : index
    %get3A_25 = arith.constant 0 : index
    %get3A_26 = vector.load %arg5[%get3A_24, %get3A_25] : memref<1x40xf32, #tpu.memory_space<vmem>>, vector<1x40xf32>
    %add3A_27 = vector.broadcast %get3A_26 : vector<1x40xf32> to vector<400x40xf32>
    %add3A_28 = arith.addf %dot_general3A_23, %add3A_27 : vector<400x40xf32>
    %get3A_29 = arith.constant 0 : index
    %get3A_30 = arith.constant 0 : index
    %get3A_31 = vector.load %arg6[%get3A_29, %get3A_30] : memref<40x160xf32, #tpu.memory_space<vmem>>, vector<40x160xf32>
    %dot_general3A_32 = arith.constant dense<0.000000e+00> : vector<400x160xf32>
    %dot_general3A_33 = tpu.matmul %add3A_28, %get3A_31, %dot_general3A_32 {dimension_numbers = #tpu.dot_dimension_numbers<[1], [0], [0], [1], [0, 0, 1, 1], [], []>, transpose_lhs_hint = false} : vector<400x40xf32>, vector<40x160xf32>, vector<400x160xf32> -> vector<400x160xf32>
    %get3A_34 = arith.constant 0 : index
    %get3A_35 = arith.constant 0 : index
    %get3A_36 = arith.constant 0 : index
    %get3A_37 = vector.load %arg8[%get3A_34, %get3A_35, %get3A_36] : memref<1x1x400xi32, #tpu.memory_space<vmem>>, vector<1x1x400xi32>
    %get3A_38 = vector.shape_cast %get3A_37 : vector<1x1x400xi32> to vector<400xi32>
    %iota3A = tpu.iota {dimensions = array<i32: 1>} : vector<400x160xi32>
    %jit3A = arith.constant 4 : i32
    %div3A = vector.broadcast %jit3A : i32 to vector<400x160xi32>
    %div3A_39 = arith.divsi %iota3A, %div3A : vector<400x160xi32>
    %sign3A = arith.constant 0 : i32
    %sign3A_40 = vector.broadcast %sign3A : i32 to vector<400x160xi32>
    %sign3A_41 = arith.cmpi sgt, %iota3A, %sign3A_40 : vector<400x160xi32>
    %sign3A_42 = arith.extui %sign3A_41 : vector<400x160xi1> to vector<400x160xi32>
    %sign3A_43 = arith.constant 0 : i32
    %sign3A_44 = vector.broadcast %sign3A_43 : i32 to vector<400x160xi32>
    %sign3A_45 = arith.cmpi slt, %iota3A, %sign3A_44 : vector<400x160xi32>
    %sign3A_46 = arith.extui %sign3A_45 : vector<400x160xi1> to vector<400x160xi32>
    %sign3A_47 = arith.subi %sign3A_42, %sign3A_46 : vector<400x160xi32>
    %sign3A_48 = arith.constant 0 : i32
    %sign3A_49 = arith.cmpi sgt, %jit3A, %sign3A_48 : i32
    %sign3A_50 = arith.extui %sign3A_49 : i1 to i32
    %sign3A_51 = arith.constant 0 : i32
    %sign3A_52 = arith.cmpi slt, %jit3A, %sign3A_51 : i32
    %sign3A_53 = arith.extui %sign3A_52 : i1 to i32
    %sign3A_54 = arith.subi %sign3A_50, %sign3A_53 : i32
    %ne3A = vector.broadcast %sign3A_54 : i32 to vector<400x160xi32>
    %ne3A_55 = arith.cmpi ne, %sign3A_47, %ne3A : vector<400x160xi32>
    %rem3A = vector.broadcast %jit3A : i32 to vector<400x160xi32>
    %rem3A_56 = arith.remsi %iota3A, %rem3A : vector<400x160xi32>
    %ne3A_57 = arith.constant 0 : i32
    %ne3A_58 = vector.broadcast %ne3A_57 : i32 to vector<400x160xi32>
    %ne3A_59 = arith.cmpi ne, %rem3A_56, %ne3A_58 : vector<400x160xi32>
    %and3A = arith.andi %ne3A_55, %ne3A_59 : vector<400x160xi1>
    %sub3A = arith.constant 1 : i32
    %sub3A_60 = vector.broadcast %sub3A : i32 to vector<400x160xi32>
    %sub3A_61 = arith.subi %div3A_39, %sub3A_60 : vector<400x160xi32>
    %select_n3A = arith.select %and3A, %sub3A_61, %div3A_39 : vector<400x160xi1>, vector<400x160xi32>
    %broadcast_in_dim3A_62 = vector.shape_cast %get3A_38 : vector<400xi32> to vector<400x1xi32>
    %eq3A = vector.broadcast %broadcast_in_dim3A_62 : vector<400x1xi32> to vector<400x160xi32>
    %eq3A_63 = arith.cmpi eq, %select_n3A, %eq3A : vector<400x160xi32>
    %convert_element_type3A = arith.extui %eq3A_63 : vector<400x160xi1> to vector<400x160xi32>
    %convert_element_type3A_64 = arith.sitofp %convert_element_type3A : vector<400x160xi32> to vector<400x160xf32>
    %iota3A_65 = tpu.iota {dimensions = array<i32: 0>} : vector<160x4xi32>
    %jit3A_66 = arith.constant 4 : i32
    %eq3A_67 = arith.constant 0 : i32
    %eq3A_68 = arith.cmpi eq, %jit3A_66, %eq3A_67 : i32
    %jit3A_69 = arith.constant 1 : i32
    %select_n3A_70 = arith.select %eq3A_68, %jit3A_69, %jit3A_66 : i32
    %rem3A_71 = vector.broadcast %select_n3A_70 : i32 to vector<160x4xi32>
    %rem3A_72 = arith.remsi %iota3A_65, %rem3A_71 : vector<160x4xi32>
    %ne3A_73 = arith.constant 0 : i32
    %ne3A_74 = vector.broadcast %ne3A_73 : i32 to vector<160x4xi32>
    %ne3A_75 = arith.cmpi ne, %rem3A_72, %ne3A_74 : vector<160x4xi32>
    %lt3A = arith.constant 0 : i32
    %lt3A_76 = vector.broadcast %lt3A : i32 to vector<160x4xi32>
    %lt3A_77 = arith.cmpi slt, %rem3A_72, %lt3A_76 : vector<160x4xi32>
    %lt3A_78 = arith.constant 0 : i32
    %lt3A_79 = arith.cmpi slt, %select_n3A_70, %lt3A_78 : i32
    %ne3A_80 = vector.broadcast %lt3A_79 : i1 to vector<160x4xi1>
    %ne3A_81 = vector.broadcast %ne3A_80 : vector<160x4xi1> to vector<160x4xi1>
    %ne3A_82 = arith.xori %lt3A_77, %ne3A_81 : vector<160x4xi1>
    %and3A_83 = arith.andi %ne3A_82, %ne3A_75 : vector<160x4xi1>
    %add3A_84 = vector.broadcast %select_n3A_70 : i32 to vector<160x4xi32>
    %add3A_85 = arith.addi %rem3A_72, %add3A_84 : vector<160x4xi32>
    %select_n3A_86 = arith.select %and3A_83, %add3A_85, %rem3A_72 : vector<160x4xi1>, vector<160x4xi32>
    %iota3A_87 = tpu.iota {dimensions = array<i32: 1>} : vector<160x4xi32>
    %eq3A_88 = arith.cmpi eq, %select_n3A_86, %iota3A_87 : vector<160x4xi32>
    %convert_element_type3A_89 = arith.extui %eq3A_88 : vector<160x4xi1> to vector<160x4xi32>
    %convert_element_type3A_90 = arith.sitofp %convert_element_type3A_89 : vector<160x4xi32> to vector<160x4xf32>
    %broadcast_in_dim3A_91 = vector.shape_cast %get3A_38 : vector<400xi32> to vector<400x1xi32>
    %iota3A_92 = tpu.iota {dimensions = array<i32: 1>} : vector<400x40xi32>
    %eq3A_93 = vector.broadcast %broadcast_in_dim3A_91 : vector<400x1xi32> to vector<400x40xi32>
    %eq3A_94 = arith.cmpi eq, %eq3A_93, %iota3A_92 : vector<400x40xi32>
    %convert_element_type3A_95 = arith.extui %eq3A_94 : vector<400x40xi1> to vector<400x40xi32>
    %convert_element_type3A_96 = arith.sitofp %convert_element_type3A_95 : vector<400x40xi32> to vector<400x40xf32>
    %mul3A_97 = arith.mulf %dot_general3A_33, %convert_element_type3A_64 : vector<400x160xf32>
    %dot_general3A_98 = arith.constant dense<0.000000e+00> : vector<400x4xf32>
    %dot_general3A_99 = tpu.matmul %mul3A_97, %convert_element_type3A_90, %dot_general3A_98 {dimension_numbers = #tpu.dot_dimension_numbers<[1], [0], [0], [1], [0, 0, 1, 1], [], []>, transpose_lhs_hint = false} : vector<400x160xf32>, vector<160x4xf32>, vector<400x4xf32> -> vector<400x4xf32>
    %get3A_100 = arith.constant 0 : index
    %get3A_101 = arith.constant 0 : index
    %get3A_102 = vector.load %arg7[%get3A_100, %get3A_101] : memref<40x4xf32, #tpu.memory_space<vmem>>, vector<40x4xf32>
    %dot_general3A_103 = arith.constant dense<0.000000e+00> : vector<400x4xf32>
    %dot_general3A_104 = tpu.matmul %convert_element_type3A_96, %get3A_102, %dot_general3A_103 {dimension_numbers = #tpu.dot_dimension_numbers<[1], [0], [0], [1], [0, 0, 1, 1], [], []>, transpose_lhs_hint = false} : vector<400x40xf32>, vector<40x4xf32>, vector<400x4xf32> -> vector<400x4xf32>
    %add3A_105 = arith.addf %dot_general3A_99, %dot_general3A_104 : vector<400x4xf32>
    %broadcast_in_dim3A_106 = arith.constant 0.000000e+00 : f32
    %broadcast_in_dim3A_107 = vector.broadcast %broadcast_in_dim3A_106 : f32 to vector<400x128xf32>
    %swap3A = arith.constant 0 : index
    %swap3A_108 = arith.constant 0 : index
    %swap3A_109 = vector.load %arg11[%swap3A, %swap3A_108] : memref<400x128xf32, #tpu.memory_space<vmem>>, vector<400x128xf32>
    tpu.vector_store %arg11[%swap3A, %swap3A_108], %broadcast_in_dim3A_107 {strides = array<i32>} : memref<400x128xf32, #tpu.memory_space<vmem>>, vector<400x128xf32>,
    %max3A_110 = arith.constant 0.000000e+00 : f32
    %max3A_111 = vector.broadcast %max3A_110 : f32 to vector<400x4xf32>
    %max3A_112 = arith.maximumf %add3A_105, %max3A_111 : vector<400x4xf32>
    %get3A_113 = arith.constant 0 : index
    %get3A_114 = arith.constant 0 : index
    %get3A_115 = arith.constant 0 : index
    %get3A_116 = vector.load %arg9[%get3A_113, %get3A_114, %get3A_115] : memref<1x1x400xf32, #tpu.memory_space<vmem>>, vector<1x1x400xf32>
    %get3A_117 = vector.shape_cast %get3A_116 : vector<1x1x400xf32> to vector<400xf32>
    %broadcast_in_dim3A_118 = vector.shape_cast %get3A_117 : vector<400xf32> to vector<400x1xf32>
    %mul3A_119 = vector.broadcast %broadcast_in_dim3A_118 : vector<400x1xf32> to vector<400x4xf32>
    %mul3A_120 = arith.mulf %max3A_112, %mul3A_119 : vector<400x4xf32>
    %swap3A_121 = arith.constant 0 : index
    %swap3A_122 = arith.constant 0 : index
    %swap3A_123 = vector.load %arg11[%swap3A_121, %swap3A_122] : memref<400x128xf32, #tpu.memory_space<vmem>>, vector<400x4xf32>
    tpu.vector_store %arg11[%swap3A_121, %swap3A_122], %mul3A_120 {strides = array<i32>} : memref<400x128xf32, #tpu.memory_space<vmem>>, vector<400x4xf32>,
    %swap3A_124 = arith.constant 0 : index
    %swap3A_125 = arith.constant 0 : index
    %swap3A_126 = vector.load %arg10[%swap3A_124, %swap3A_125] : memref<400x40xf32, #tpu.memory_space<vmem>>, vector<400x40xf32>
    tpu.vector_store %arg10[%swap3A_124, %swap3A_125], %add3A_28 {strides = array<i32>} : memref<400x40xf32, #tpu.memory_space<vmem>>, vector<400x40xf32>,
    return
  }
  func.func @transform_0(%arg0: i32) -> (i32, i32) {
    %c0_i32 = arith.constant 0 : i32
    %c0_i32_0 = arith.constant 0 : i32
    return %arg0, %c0_i32 : i32, i32
  }
  func.func @transform_1(%arg0: i32) -> (i32, i32, i32) {
    %c0_i32 = arith.constant 0 : i32
    %c0_i32_0 = arith.constant 0 : i32
    %c0_i32_1 = arith.constant 0 : i32
    return %c0_i32, %arg0, %c0_i32_0 : i32, i32, i32
  }
  func.func @transform_2(%arg0: i32) -> (i32, i32, i32) {
    %c0_i32 = arith.constant 0 : i32
    %c0_i32_0 = arith.constant 0 : i32
    %c0_i32_1 = arith.constant 0 : i32
    return %arg0, %c0_i32, %c0_i32_0 : i32, i32, i32
  }
  func.func @transform_3(%arg0: i32) -> (i32, i32) {
    %c0_i32 = arith.constant 0 : i32
    %c0_i32_0 = arith.constant 0 : i32
    %c0_i32_1 = arith.constant 0 : i32
    return %c0_i32, %c0_i32_0 : i32, i32
  }
  func.func @transform_4(%arg0: i32) -> (i32, i32) {
    %c0_i32 = arith.constant 0 : i32
    %c0_i32_0 = arith.constant 0 : i32
    %c0_i32_1 = arith.constant 0 : i32
    return %c0_i32, %c0_i32_0 : i32, i32
  }
  func.func @transform_5(%arg0: i32) -> (i32, i32) {
    %c0_i32 = arith.constant 0 : i32
    %c0_i32_0 = arith.constant 0 : i32
    %c0_i32_1 = arith.constant 0 : i32
    return %c0_i32, %c0_i32_0 : i32, i32
  }
  func.func @transform_6(%arg0: i32) -> (i32, i32) {
    %c0_i32 = arith.constant 0 : i32
    %c0_i32_0 = arith.constant 0 : i32
    %c0_i32_1 = arith.constant 0 : i32
    return %c0_i32, %c0_i32_0 : i32, i32
  }
  func.func @transform_7(%arg0: i32) -> (i32, i32, i32) {
    %c0_i32 = arith.constant 0 : i32
    %c0_i32_0 = arith.constant 0 : i32
    %c0_i32_1 = arith.constant 0 : i32
    return %arg0, %c0_i32, %c0_i32_0 : i32, i32, i32
  }
  func.func @transform_8(%arg0: i32) -> (i32, i32, i32) {
    %c0_i32 = arith.constant 0 : i32
    %c0_i32_0 = arith.constant 0 : i32
    %c0_i32_1 = arith.constant 0 : i32
    return %arg0, %c0_i32, %c0_i32_0 : i32, i32, i32
  }
  func.func @transform_9(%arg0: i32) -> (i32, i32) {
    %c0_i32 = arith.constant 0 : i32
    %c0_i32_0 = arith.constant 0 : i32
    return %arg0, %c0_i32 : i32, i32
  }
  func.func @transform_10(%arg0: i32) -> (i32, i32) {
    %c0_i32 = arith.constant 0 : i32
    %c0_i32_0 = arith.constant 0 : i32
    return %arg0, %c0_i32 : i32, i32
  }
}

module attributes {stable_mosaic.version = 14 : i64} {
  func.func @_dec_body(%arg0: i32, %arg1: memref<640x128xf32, #tpu.memory_space<vmem>>, %arg2: memref<1x1x640xi32, #tpu.memory_space<vmem>>, %arg3: memref<1x1x640xf32, #tpu.memory_space<vmem>>, %arg4: memref<4x40x128xf32, #tpu.memory_space<vmem>>, %arg5: memref<40x128xf32, #tpu.memory_space<vmem>>, %arg6: memref<640x128xf32, #tpu.memory_space<vmem>>) attributes {dimension_semantics = [#tpu.dimension_semantics<arbitrary>], iteration_bounds = array<i64: 250>, scalar_prefetch = 0 : i64, scratch_operands = 0 : i64, tpu.core_type = #tpu.core_type<tc>, window_params = [{transform_indices = @transform_0, window_bounds = array<i64: 640, 128>}, {transform_indices = @transform_1, window_bounds = array<i64: 1, 1, 640>}, {transform_indices = @transform_2, window_bounds = array<i64: 1, 1, 640>}, {pipeline_mode = #tpu.pipeline_mode<synchronous>, transform_indices = @transform_3, window_bounds = array<i64: 4, 40, 128>}, {pipeline_mode = #tpu.pipeline_mode<synchronous>, transform_indices = @transform_4, window_bounds = array<i64: 40, 128>}, {transform_indices = @transform_5, window_bounds = array<i64: 640, 128>}]} {
    %get3A = arith.constant 0 : index
    %get3A_0 = arith.constant 0 : index
    %get3A_1 = arith.constant 0 : index
    %get3A_2 = vector.load %arg2[%get3A, %get3A_0, %get3A_1] : memref<1x1x640xi32, #tpu.memory_space<vmem>>, vector<1x1x640xi32>
    %get3A_3 = vector.shape_cast %get3A_2 : vector<1x1x640xi32> to vector<640xi32>
    %broadcast_in_dim3A = vector.shape_cast %get3A_3 : vector<640xi32> to vector<640x1xi32>
    %iota3A = tpu.iota {dimensions = array<i32: 1>} : vector<640x40xi32>
    %eq3A = vector.broadcast %broadcast_in_dim3A : vector<640x1xi32> to vector<640x40xi32>
    %eq3A_4 = arith.cmpi eq, %eq3A, %iota3A : vector<640x40xi32>
    %convert_element_type3A = arith.extui %eq3A_4 : vector<640x40xi1> to vector<640x40xi32>
    %convert_element_type3A_5 = arith.sitofp %convert_element_type3A : vector<640x40xi32> to vector<640x40xf32>
    %get3A_6 = arith.constant 0 : index
    %get3A_7 = arith.constant 0 : index
    %get3A_8 = vector.load %arg5[%get3A_6, %get3A_7] : memref<40x128xf32, #tpu.memory_space<vmem>>, vector<40x128xf32>
    %dot_general3A = arith.constant dense<0.000000e+00> : vector<640x128xf32>
    %dot_general3A_9 = tpu.matmul %convert_element_type3A_5, %get3A_8, %dot_general3A {dimension_numbers = #tpu.dot_dimension_numbers<[1], [0], [0], [1], [0, 0, 1, 1], [], []>, transpose_lhs_hint = false} : vector<640x40xf32>, vector<40x128xf32>, vector<640x128xf32> -> vector<640x128xf32>
    %get3A_10 = arith.constant 0 : index
    %get3A_11 = arith.constant 0 : index
    %get3A_12 = vector.load %arg1[%get3A_10, %get3A_11] : memref<640x128xf32, #tpu.memory_space<vmem>>, vector<640x4xf32>
    %get3A_13 = arith.constant 0 : index
    %get3A_14 = arith.constant 0 : index
    %get3A_15 = arith.constant 0 : index
    %get3A_16 = vector.load %arg3[%get3A_13, %get3A_14, %get3A_15] : memref<1x1x640xf32, #tpu.memory_space<vmem>>, vector<1x1x640xf32>
    %get3A_17 = vector.shape_cast %get3A_16 : vector<1x1x640xf32> to vector<640xf32>
    %broadcast_in_dim3A_18 = vector.shape_cast %get3A_17 : vector<640xf32> to vector<640x1xf32>
    %mul3A = vector.broadcast %broadcast_in_dim3A_18 : vector<640x1xf32> to vector<640x4xf32>
    %mul3A_19 = arith.mulf %get3A_12, %mul3A : vector<640x4xf32>
    %slice3A = vector.extract_strided_slice %mul3A_19 {offsets = [0, 0], sizes = [640, 1], strides = [1, 1]} : vector<640x4xf32> to vector<640x1xf32>
    %squeeze3A = vector.shape_cast %slice3A : vector<640x1xf32> to vector<640xf32>
    %broadcast_in_dim3A_20 = vector.shape_cast %squeeze3A : vector<640xf32> to vector<640x1xf32>
    %mul3A_21 = vector.broadcast %broadcast_in_dim3A_20 : vector<640x1xf32> to vector<640x40xf32>
    %mul3A_22 = arith.mulf %convert_element_type3A_5, %mul3A_21 : vector<640x40xf32>
    %get3A_23 = arith.constant 0 : index
    %get3A_24 = arith.constant 0 : index
    %get3A_25 = arith.constant 0 : index
    %get3A_26 = vector.load %arg4[%get3A_23, %get3A_24, %get3A_25] : memref<4x40x128xf32, #tpu.memory_space<vmem>>, vector<1x40x128xf32>
    %get3A_27 = vector.shape_cast %get3A_26 : vector<1x40x128xf32> to vector<40x128xf32>
    %dot_general3A_28 = arith.constant dense<0.000000e+00> : vector<640x128xf32>
    %dot_general3A_29 = tpu.matmul %mul3A_22, %get3A_27, %dot_general3A_28 {dimension_numbers = #tpu.dot_dimension_numbers<[1], [0], [0], [1], [0, 0, 1, 1], [], []>, transpose_lhs_hint = false} : vector<640x40xf32>, vector<40x128xf32>, vector<640x128xf32> -> vector<640x128xf32>
    %add3A = arith.addf %dot_general3A_9, %dot_general3A_29 : vector<640x128xf32>
    %slice3A_30 = vector.extract_strided_slice %mul3A_19 {offsets = [0, 1], sizes = [640, 1], strides = [1, 1]} : vector<640x4xf32> to vector<640x1xf32>
    %squeeze3A_31 = vector.shape_cast %slice3A_30 : vector<640x1xf32> to vector<640xf32>
    %broadcast_in_dim3A_32 = vector.shape_cast %squeeze3A_31 : vector<640xf32> to vector<640x1xf32>
    %mul3A_33 = vector.broadcast %broadcast_in_dim3A_32 : vector<640x1xf32> to vector<640x40xf32>
    %mul3A_34 = arith.mulf %convert_element_type3A_5, %mul3A_33 : vector<640x40xf32>
    %get3A_35 = arith.constant 1 : index
    %get3A_36 = arith.constant 0 : index
    %get3A_37 = arith.constant 0 : index
    %get3A_38 = vector.load %arg4[%get3A_35, %get3A_36, %get3A_37] : memref<4x40x128xf32, #tpu.memory_space<vmem>>, vector<1x40x128xf32>
    %get3A_39 = vector.shape_cast %get3A_38 : vector<1x40x128xf32> to vector<40x128xf32>
    %dot_general3A_40 = arith.constant dense<0.000000e+00> : vector<640x128xf32>
    %dot_general3A_41 = tpu.matmul %mul3A_34, %get3A_39, %dot_general3A_40 {dimension_numbers = #tpu.dot_dimension_numbers<[1], [0], [0], [1], [0, 0, 1, 1], [], []>, transpose_lhs_hint = false} : vector<640x40xf32>, vector<40x128xf32>, vector<640x128xf32> -> vector<640x128xf32>
    %add3A_42 = arith.addf %add3A, %dot_general3A_41 : vector<640x128xf32>
    %slice3A_43 = vector.extract_strided_slice %mul3A_19 {offsets = [0, 2], sizes = [640, 1], strides = [1, 1]} : vector<640x4xf32> to vector<640x1xf32>
    %squeeze3A_44 = vector.shape_cast %slice3A_43 : vector<640x1xf32> to vector<640xf32>
    %broadcast_in_dim3A_45 = vector.shape_cast %squeeze3A_44 : vector<640xf32> to vector<640x1xf32>
    %mul3A_46 = vector.broadcast %broadcast_in_dim3A_45 : vector<640x1xf32> to vector<640x40xf32>
    %mul3A_47 = arith.mulf %convert_element_type3A_5, %mul3A_46 : vector<640x40xf32>
    %get3A_48 = arith.constant 2 : index
    %get3A_49 = arith.constant 0 : index
    %get3A_50 = arith.constant 0 : index
    %get3A_51 = vector.load %arg4[%get3A_48, %get3A_49, %get3A_50] : memref<4x40x128xf32, #tpu.memory_space<vmem>>, vector<1x40x128xf32>
    %get3A_52 = vector.shape_cast %get3A_51 : vector<1x40x128xf32> to vector<40x128xf32>
    %dot_general3A_53 = arith.constant dense<0.000000e+00> : vector<640x128xf32>
    %dot_general3A_54 = tpu.matmul %mul3A_47, %get3A_52, %dot_general3A_53 {dimension_numbers = #tpu.dot_dimension_numbers<[1], [0], [0], [1], [0, 0, 1, 1], [], []>, transpose_lhs_hint = false} : vector<640x40xf32>, vector<40x128xf32>, vector<640x128xf32> -> vector<640x128xf32>
    %add3A_55 = arith.addf %add3A_42, %dot_general3A_54 : vector<640x128xf32>
    %slice3A_56 = vector.extract_strided_slice %mul3A_19 {offsets = [0, 3], sizes = [640, 1], strides = [1, 1]} : vector<640x4xf32> to vector<640x1xf32>
    %squeeze3A_57 = vector.shape_cast %slice3A_56 : vector<640x1xf32> to vector<640xf32>
    %broadcast_in_dim3A_58 = vector.shape_cast %squeeze3A_57 : vector<640xf32> to vector<640x1xf32>
    %mul3A_59 = vector.broadcast %broadcast_in_dim3A_58 : vector<640x1xf32> to vector<640x40xf32>
    %mul3A_60 = arith.mulf %convert_element_type3A_5, %mul3A_59 : vector<640x40xf32>
    %get3A_61 = arith.constant 3 : index
    %get3A_62 = arith.constant 0 : index
    %get3A_63 = arith.constant 0 : index
    %get3A_64 = vector.load %arg4[%get3A_61, %get3A_62, %get3A_63] : memref<4x40x128xf32, #tpu.memory_space<vmem>>, vector<1x40x128xf32>
    %get3A_65 = vector.shape_cast %get3A_64 : vector<1x40x128xf32> to vector<40x128xf32>
    %dot_general3A_66 = arith.constant dense<0.000000e+00> : vector<640x128xf32>
    %dot_general3A_67 = tpu.matmul %mul3A_60, %get3A_65, %dot_general3A_66 {dimension_numbers = #tpu.dot_dimension_numbers<[1], [0], [0], [1], [0, 0, 1, 1], [], []>, transpose_lhs_hint = false} : vector<640x40xf32>, vector<40x128xf32>, vector<640x128xf32> -> vector<640x128xf32>
    %add3A_68 = arith.addf %add3A_55, %dot_general3A_67 : vector<640x128xf32>
    %max3A = arith.constant 0.000000e+00 : f32
    %max3A_69 = vector.broadcast %max3A : f32 to vector<640x128xf32>
    %max3A_70 = arith.maximumf %add3A_68, %max3A_69 : vector<640x128xf32>
    %swap3A = arith.constant 0 : index
    %swap3A_71 = arith.constant 0 : index
    %swap3A_72 = vector.load %arg6[%swap3A, %swap3A_71] : memref<640x128xf32, #tpu.memory_space<vmem>>, vector<640x128xf32>
    tpu.vector_store %arg6[%swap3A, %swap3A_71], %max3A_70 {strides = array<i32>} : memref<640x128xf32, #tpu.memory_space<vmem>>, vector<640x128xf32>,
    return
  }
  func.func @transform_0(%arg0: i32) -> (i32, i32) {
    %c0_i32 = arith.constant 0 : i32
    %c0_i32_0 = arith.constant 0 : i32
    return %arg0, %c0_i32 : i32, i32
  }
  func.func @transform_1(%arg0: i32) -> (i32, i32, i32) {
    %c0_i32 = arith.constant 0 : i32
    %c0_i32_0 = arith.constant 0 : i32
    %c0_i32_1 = arith.constant 0 : i32
    return %arg0, %c0_i32, %c0_i32_0 : i32, i32, i32
  }
  func.func @transform_2(%arg0: i32) -> (i32, i32, i32) {
    %c0_i32 = arith.constant 0 : i32
    %c0_i32_0 = arith.constant 0 : i32
    %c0_i32_1 = arith.constant 0 : i32
    return %arg0, %c0_i32, %c0_i32_0 : i32, i32, i32
  }
  func.func @transform_3(%arg0: i32) -> (i32, i32, i32) {
    %c0_i32 = arith.constant 0 : i32
    %c0_i32_0 = arith.constant 0 : i32
    %c0_i32_1 = arith.constant 0 : i32
    %c0_i32_2 = arith.constant 0 : i32
    return %c0_i32, %c0_i32_0, %c0_i32_1 : i32, i32, i32
  }
  func.func @transform_4(%arg0: i32) -> (i32, i32) {
    %c0_i32 = arith.constant 0 : i32
    %c0_i32_0 = arith.constant 0 : i32
    %c0_i32_1 = arith.constant 0 : i32
    return %c0_i32, %c0_i32_0 : i32, i32
  }
  func.func @transform_5(%arg0: i32) -> (i32, i32) {
    %c0_i32 = arith.constant 0 : i32
    %c0_i32_0 = arith.constant 0 : i32
    return %arg0, %c0_i32 : i32, i32
  }
}

module attributes {stable_mosaic.version = 14 : i64} {
  func.func @_final_body(%arg0: i32, %arg1: memref<400x40xf32, #tpu.memory_space<vmem>>, %arg2: memref<2x400x128xf32, #tpu.memory_space<vmem>>, %arg3: memref<1x1x400xf32, #tpu.memory_space<vmem>>, %arg4: memref<400x40xf32, #tpu.memory_space<vmem>>) attributes {dimension_semantics = [#tpu.dimension_semantics<arbitrary>], iteration_bounds = array<i64: 25>, scalar_prefetch = 0 : i64, scratch_operands = 0 : i64, tpu.core_type = #tpu.core_type<tc>, window_params = [{transform_indices = @transform_0, window_bounds = array<i64: 400, 40>}, {transform_indices = @transform_1, window_bounds = array<i64: 2, 400, 128>}, {transform_indices = @transform_2, window_bounds = array<i64: 1, 1, 400>}, {transform_indices = @transform_3, window_bounds = array<i64: 400, 40>}]} {
    %get3A = arith.constant 0 : index
    %get3A_0 = arith.constant 0 : index
    %get3A_1 = arith.constant 0 : index
    %get3A_2 = vector.load %arg2[%get3A, %get3A_0, %get3A_1] : memref<2x400x128xf32, #tpu.memory_space<vmem>>, vector<1x400x40xf32>
    %get3A_3 = vector.shape_cast %get3A_2 : vector<1x400x40xf32> to vector<400x40xf32>
    %get3A_4 = arith.constant 1 : index
    %get3A_5 = arith.constant 0 : index
    %get3A_6 = arith.constant 0 : index
    %get3A_7 = vector.load %arg2[%get3A_4, %get3A_5, %get3A_6] : memref<2x400x128xf32, #tpu.memory_space<vmem>>, vector<1x400x40xf32>
    %get3A_8 = vector.shape_cast %get3A_7 : vector<1x400x40xf32> to vector<400x40xf32>
    %add3A = arith.addf %get3A_3, %get3A_8 : vector<400x40xf32>
    %get3A_9 = arith.constant 0 : index
    %get3A_10 = arith.constant 0 : index
    %get3A_11 = arith.constant 0 : index
    %get3A_12 = vector.load %arg3[%get3A_9, %get3A_10, %get3A_11] : memref<1x1x400xf32, #tpu.memory_space<vmem>>, vector<1x1x400xf32>
    %get3A_13 = vector.shape_cast %get3A_12 : vector<1x1x400xf32> to vector<400xf32>
    %broadcast_in_dim3A = vector.shape_cast %get3A_13 : vector<400xf32> to vector<400x1xf32>
    %mul3A = vector.broadcast %broadcast_in_dim3A : vector<400x1xf32> to vector<400x40xf32>
    %mul3A_14 = arith.mulf %add3A, %mul3A : vector<400x40xf32>
    %get3A_15 = arith.constant 0 : index
    %get3A_16 = arith.constant 0 : index
    %get3A_17 = vector.load %arg1[%get3A_15, %get3A_16] : memref<400x40xf32, #tpu.memory_space<vmem>>, vector<400x40xf32>
    %add3A_18 = arith.addf %get3A_17, %mul3A_14 : vector<400x40xf32>
    %max3A = arith.constant 0.000000e+00 : f32
    %max3A_19 = vector.broadcast %max3A : f32 to vector<400x40xf32>
    %max3A_20 = arith.maximumf %add3A_18, %max3A_19 : vector<400x40xf32>
    %swap3A = arith.constant 0 : index
    %swap3A_21 = arith.constant 0 : index
    %swap3A_22 = vector.load %arg4[%swap3A, %swap3A_21] : memref<400x40xf32, #tpu.memory_space<vmem>>, vector<400x40xf32>
    tpu.vector_store %arg4[%swap3A, %swap3A_21], %max3A_20 {strides = array<i32>} : memref<400x40xf32, #tpu.memory_space<vmem>>, vector<400x40xf32>,
    return
  }
  func.func @transform_0(%arg0: i32) -> (i32, i32) {
    %c0_i32 = arith.constant 0 : i32
    %c0_i32_0 = arith.constant 0 : i32
    return %arg0, %c0_i32 : i32, i32
  }
  func.func @transform_1(%arg0: i32) -> (i32, i32, i32) {
    %c0_i32 = arith.constant 0 : i32
    %c0_i32_0 = arith.constant 0 : i32
    %c0_i32_1 = arith.constant 0 : i32
    return %c0_i32, %arg0, %c0_i32_0 : i32, i32, i32
  }
  func.func @transform_2(%arg0: i32) -> (i32, i32, i32) {
    %c0_i32 = arith.constant 0 : i32
    %c0_i32_0 = arith.constant 0 : i32
    %c0_i32_1 = arith.constant 0 : i32
    return %arg0, %c0_i32, %c0_i32_0 : i32, i32, i32
  }
  func.func @transform_3(%arg0: i32) -> (i32, i32) {
    %c0_i32 = arith.constant 0 : i32
    %c0_i32_0 = arith.constant 0 : i32
    return %arg0, %c0_i32 : i32, i32
  }
}

</mosaic_0001>

<sc_bundles>
// kernel: kernel.18.cloned.1.call-start
scs
__scs_entry_jumppad:
0x0: {  	(pc) =	sbr.rel $0x88, $3  }
0x1: {  	(tag) =	ssettag $0x0;
	lr =	simm.s32 $0x1  }
0x2: {  	[smem:$0x3F8C] =	sst lr;
	_ =	strace $0xD0000000  }
0x3: {  	_ = 	snop  }
0x4: {  	_ = 	snop  }
0x5: {  	_ = 	snop  }
0x6: {  	_ = 	snop  }
0x7: {  	_ = 	snop  }
__scs_overlays_trampoline_lowered:
0x8: {  	[smem:$0x3F9B] =	sst s0  }
0x9: {  	[smem:$0x3F9C] =	sst s1  }
0xa: {  	[smem:$0x3F9D] =	sst s2  }
0xb: {  	[smem:$0x3F9E] =	sst s3  }
0xc: {  	[smem:$0x3F9F] =	sst s4  }
0xd: {  	[smem:$0x3FA0] =	sst s5  }
0xe: {  	[smem:$0x3FA1] =	sst s6  }
0xf: {  	[smem:$0x3FA2] =	sst s7  }
0x10: {  	[smem:$0x3FA3] =	sst s8  }
0x11: {  	[smem:$0x3FA4] =	sst s9;
	s0 =	simm.s32 @!p0 $0x0  }
0x12: {  	s1 =	sld [smem:$0x3F8A];
	s0 =	simm.s32 @p0 $0x1  }
0x13: {  	[smem:$0x3FA5] =	sst s0;
	s0 =	simm.s32 @!p1 $0x0  }
0x14: {  	s2 =	sld [smem:$0x3F89];
	s0 =	simm.s32 @p1 $0x1  }
0x15: {  	[smem:$0x3FA6] =	sst s0;
	s0 =	simm.s32 @!p2 $0x0  }
0x16: {  	s3 =	sld [smem:$0x3FDB];
	s0 =	simm.s32 @p2 $0x1  }
0x17: {  	s4 =	simm.s32 $0x1BF5;
	[smem:$0x3FA8] =	sst s0  }
0x18: {  	s0 =	sld [smem:$0x3F8B];
	_ =	swait.ge [sflag:s4], $0x0  }
0x19: {  	s7 =	sld [smem:$0x3F8C]  }
0x1a: {  	s8 =	sadd.s32 $0xFFFFE003, lr  }
0x1b: {  	s9 =	sadd.s32 $0xFFFFFEF7, lr;
	s5 =	simm.s32 $0xFFFFFFFF;
	p2 =	slt.u32 s8, $0xFFFFF086  }
0x1c: {  	p1 =	slt.u32 s9, $0xF7A;
	s5 =	simm.s32 @!p2 $0x0  }
0x1d: {  	s5 =	simm.s32 @p1 $0x1;
	p0 =	seq.s32 s7, s2  }
0x1e: {  	s7 =	smul.u32 @!p0 $0xF7A, s2;
	p2 =	seq.s32 @!p0 s5, $0x0  }
0x1f: {  	s9 =	smul.u32 $0xF7A, s1;
	s8 =	simm.s32 @!p0 $0x1BF5;
	p2 =	por !p2, p0  }
0x20: {  	[sflag:s8] =	ssyncset.s32 @!p0 $0xFFFFF086;
	s6 =	sadd.s32 @!p0 s3, s7;
	s7 =	simm.s32 @!p0 $0x108  }
0x21: {  	s3 =	sadd.s32 s3, s9;
	s6 =	sadd.s32 @!p0 $0x88, s6;
	s7 =	simm.s32 @p2 $0x1082  }
0x22: {  	[simem:s7], [sflag:s8] =	dma.local @!p0 [hbm:s6], $0xF7A  }
0x23: {  	s9 =	sor.u32 $0xD0000000, s2;
	s6 =	simm.s32 $0x108;
	_ =	swait.ge @!p0 [sflag:s8], $0x0  }
0x24: {  	s3 =	sadd.s32 $0x88, s3;
	s6 =	simm.s32 @!p1 $0x1082;
	[sflag:s4] =	ssyncset.s32 $0xFFFFF086  }
0x25: {  	[simem:s6], [sflag:s4] =	dma.local [hbm:s3], $0xF7A  }
0x26: {  	[smem:$0x3F8C] =	sst s1;
	(tag) =	ssettag s2;
	_ =	strace s9  }
0x27: {  	s1 =	sld [smem:$0x3F9C]  }
0x28: {  	s2 =	sld [smem:$0x3F9D]  }
0x29: {  	s4 =	sld [smem:$0x3F9F]  }
0x2a: {  	p0 =	seq.s32 s5, $0x0;
	s5 =	sld [smem:$0x3FA0]  }
0x2b: {  	s6 =	sld [smem:$0x3FA1]  }
0x2c: {  	s7 =	sld [smem:$0x3FA2]  }
0x2d: {  	s3 =	simm.s32 $0x108;
	s8 =	sld [smem:$0x3FA3]  }
0x2e: {  	s3 =	simm.s32 @!p0 $0x1082;
	s9 =	sld [smem:$0x3FA4]  }
0x2f: {  	lr =	sadd.s32 s0, s3;
	s0 =	sld [smem:$0x3F9B]  }
0x30: {  	s3 =	sld [smem:$0x3F9E]  }
0x31: {  	[smem:$0x3FA7] =	sst s10  }
0x32: {  	s10 =	sld [smem:$0x3FA5];
	_ =	sdelay $0x3  }
0x33: {  	p0 =	seq.s32 s10, $0x1;
	s10 =	sld [smem:$0x3FA7];
	_ =	sdelay $0x3  }
0x34: {  	[smem:$0x3FA7] =	sst s10  }
0x35: {  	s10 =	sld [smem:$0x3FA6];
	_ =	sdelay $0x3  }
0x36: {  	p1 =	seq.s32 s10, $0x1;
	s10 =	sld [smem:$0x3FA7];
	_ =	sdelay $0x3  }
0x37: {  	[smem:$0x3FA7] =	sst s10  }
0x38: {  	s10 =	sld [smem:$0x3FA8]  }
0x39: {  	_ = 	snop;
	(pc) =	sbr.ind lr, $3  }
0x3a: {  	_ = 	snop  }
0x3b: {  	_ = 	snop  }
0x3c: {  	p2 =	seq.s32 s10, $0x1;
	s10 =	sld [smem:$0x3FA7]  }
0x3d: {  	_ =	shalt  }
0x3e: {  	_ =	shalt  }
0x3f: {  	_ =	shalt  }
0x40: {  	_ =	shalt  }
0x41: {  	_ =	shalt  }
0x42: {  	_ =	shalt  }
0x43: {  	_ =	shalt  }
0x44: {  	_ =	shalt  }
0x45: {  	_ =	shalt  }
0x46: {  	_ =	shalt  }
0x47: {  	_ =	shalt  }
0x48: {  	_ =	shalt  }
0x49: {  	_ =	shalt  }
0x4a: {  	_ =	shalt  }
0x4b: {  	_ =	shalt  }
0x4c: {  	_ =	shalt  }
0x4d: {  	_ =	shalt  }
0x4e: {  	_ =	shalt  }
0x4f: {  	_ =	shalt  }
0x50: {  	_ =	shalt  }
0x51: {  	_ =	shalt  }
0x52: {  	_ =	shalt  }
0x53: {  	_ =	shalt  }
0x54: {  	_ =	shalt  }
0x55: {  	_ =	shalt  }
0x56: {  	_ =	shalt  }
0x57: {  	_ =	shalt  }
0x58: {  	_ =	shalt  }
0x59: {  	_ =	shalt  }
0x5a: {  	_ =	shalt  }
0x5b: {  	_ =	shalt  }
0x5c: {  	_ =	shalt  }
0x5d: {  	_ =	shalt  }
0x5e: {  	_ =	shalt  }
0x5f: {  	_ =	shalt  }
0x60: {  	_ =	shalt  }
0x61: {  	_ =	shalt  }
0x62: {  	_ =	shalt  }
0x63: {  	_ =	shalt  }
0x64: {  	_ =	shalt  }
0x65: {  	_ =	shalt  }
0x66: {  	_ =	shalt  }
0x67: {  	_ =	shalt  }
0x68: {  	_ =	shalt  }
0x69: {  	_ =	shalt  }
0x6a: {  	_ =	shalt  }
0x6b: {  	_ =	shalt  }
0x6c: {  	_ =	shalt  }
0x6d: {  	_ =	shalt  }
0x6e: {  	_ =	shalt  }
0x6f: {  	_ =	shalt  }
0x70: {  	_ =	shalt  }
0x71: {  	_ =	shalt  }
0x72: {  	_ =	shalt  }
0x73: {  	_ =	shalt  }
0x74: {  	_ =	shalt  }
0x75: {  	_ =	shalt  }
0x76: {  	_ =	shalt  }
0x77: {  	_ =	shalt  }
0x78: {  	_ =	shalt  }
0x79: {  	_ =	shalt  }
0x7a: {  	_ =	shalt  }
0x7b: {  	_ =	shalt  }
0x7c: {  	_ =	shalt  }
0x7d: {  	_ =	shalt  }
0x7e: {  	_ =	shalt  }
0x7f: {  	_ =	shalt  }
0x80: {  	_ =	shalt  }
0x81: {  	_ =	shalt  }
0x82: {  	_ =	shalt  }
0x83: {  	_ =	shalt  }
0x84: {  	_ =	shalt  }
0x85: {  	_ =	shalt  }
0x86: {  	_ =	shalt  }
0x87: {  	_ =	shalt  }
.Lfunc_end0:
.L_simem_size_0:
called_computation_lowered:
.L_overlay_start_0:
0x88: {  	s2 =	sld [smem:$0x3FD9]  }
0x89: {  	s3 =	sld [smem:$0x3FFE];
	_ =	sdelay $0x1  }
0x8a: {  	s1 =	srdreg.scid  }
0x8b: {  	s0 =	sand.u32 $0x1, s1  }
0x8c: {  	s17 =	sshll.u32 s0, $0xA;
	s2 =	sadd.s32 s3, s2  }
0x8d: {  	s2 =	sadd.s32 s2, s17  }
0x8e: {  	[smem:$0x3FB3] =	sst s2  }
0x8f: {  	_ = 	snop  }
0x90: {  	s2 =	sld [smem:$0x3FD0];
	(tm) =	ssettm $0x1  }
0x91: {  	s18 =	sld [smem:$0x3FFB];
	_ =	sdelay $0x3  }
0x92: {  	_ =	strace s18  }
0x93: {  	s3 =	sld [smem:$0x3FFC];
	_ =	sdelay $0x3  }
0x94: {  	_ =	strace s3  }
0x95: {  	s3 =	sld [smem:$0x3FFD];
	_ =	sdelay $0x3  }
0x96: {  	_ =	strace s3  }
0x97: {  	_ =	strace $0x8FFFFFFF  }
0x98: {  	s19 =	sld [smem:$0x3FDB];
	_ =	sdelay $0x1  }
0x99: {  	s4 =	simm.s32 $_scs_section_size  }
0x9a: {  	s5 =	simm.s32 $_size__tile_overlayer_lowered;
	s6 =	simm.s32 $_tile_overlayer_lowered  }
0x9b: {  	s22 =	simm.s32 $0x1BFF;
	s21 =	sshll.u32 s6, $0x1;
	s3 =	sadd.s32 s4, s19  }
0x9c: {  	s7 =	simm.s32 $0x0;
	s20 =	sshll.u32 s5, $0x1;
	s5 =	sadd.s32 s21, s3  }
0x9d: {  	[timem:s7], [sflag:s22] =	dma.local [hbm:s5], s20  }
0x9e: {  	_ =	swait.ge [sflag:s22], s20  }
0x9f: {  	s4 =	ssub.s32 $0x0, s20;
	[sflag:s22] =	ssyncset.done $0x0  }
0xa0: {  	[sflag:s22] =	ssyncadd.s32 s4;
	_ =	sdelay $0x1  }
0xa1: {  	s23 =	simm.s32 $0x1B8B  }
0xa2: {  	_ =	swait.ge [sflag:s23], $0x1  }
0xa3: {  	[sflag:s23] =	ssyncset.done $0x0  }
0xa4: {  	s25 =	simm.s32 $0x1B8E;
	s24 =	sld [smem:$0x3FFE];
	[sflag:s23] =	ssyncadd.s32 $0xFFFFFFFF  }
0xa5: {  	s26 =	simm.s32 $execute0_lowered;
	[smem:$0x3FD2] =	sst s25  }
0xa6: {  	s5 =	sshll.u32 s26, $0x1;
	_ =	strace $0x80000046;
	[dreg:$0x1] =	wrdreg $0xFFFFFFFF  }
0xa7: {  	s28 =	simm.s32 $_size_execute0_lowered;
	s3 =	sadd.s32 s3, s5;
	[dreg:$0x0] =	wrdreg $0x0  }
0xa8: {  	s5 =	sshll.u32 s28, $0x1;
	[dreg:$0x2] =	wrdreg s3  }
0xa9: {  	[dreg:$0x3] =	wrdreg s5  }
0xaa: {  	[dreg:$0x4] =	wrdreg $0xC0  }
0xab: {  	_ =	task [dreg:s7], $0x5FFFF  }
0xac: {  	[dreg:$0x1] =	wrdreg $0xFFFFFFFF  }
0xad: {  	[dreg:$0x0] =	wrdreg $0x60  }
0xae: {  	[dreg:$0x2] =	wrdreg s24  }
0xaf: {  	[dreg:$0x3] =	wrdreg s2  }
0xb0: {  	[dreg:$0x4] =	wrdreg $0x54000  }
0xb1: {  	[dreg:$0x5] =	wrdreg $0x9  }
0xb2: {  	_ =	task.clear_ibuf [dreg:s7], $0x6FFFF;
	_ =	strace $0x90000046  }
0xb3: {  	s29 =	simm.s32 $0x9;
	_ =	strace $0x80000048  }
0xb4: {  	_ =	swait.ge [sflag:s29], $0x1  }
0xb5: {  	[sflag:s29] =	ssyncadd.s32 $0xFFFFFFFF  }
0xb6: {  	_ =	strace $0x90000048  }
0xb7: {  	_ =	sfence  }
0xb8: {  	s30 =	sld [smem:$0x0];
	_ =	sdelay $0x2  }
0xb9: {  	s31 =	sshll.u32 s1, $0xD;
	s1 =	sshrl.u32 s1, $0x2  }
0xba: {  	s3 =	sand.u32 $0x4000, s31;
	s1 =	sadd.s32 s1, s30  }
0xbb: {  	s0 =	sor.u32 s3, s0;
	s1 =	sshll.u32 s1, $0x11  }
0xbc: {  	s0 =	sor.u32 s1, s0  }
0xbd: {  	s0 =	sadd.s32 $0x8F2B, s0  }
0xbe: {  	[sflag:s0] =	ssyncadd.remote.s32 $0x1  }
0xbf: {  	_ =	sfence.sel $0xFFFF  }
0xc0: {  	[dreg:$0x0] =	wrdreg $0xFFFFFFFF;
	(pc) =	sbr.abs _section_cstart, $3  }
0xc1: {  	[dreg:$0x1] =	wrdreg $0xFFFFFFFF  }
0xc2: {  	_ =	task.clear_ibuf [dreg:s7], $0x2FFFF;
	_ =	strace $0x9FFFFFFF  }
0xc3: {  	(tm) =	ssettm $0x7FFFFFFF  }
tec
execute0_lowered:
.L_overlay_start_1:
0x0: {  	(tag) =	ssettag $0x1  }
0x1: {  	s4 =	rddreg [dreg:$0x0]  }
0x2: {  	s5 =	rddreg [dreg:$0x1]  }
0x3: {  	s1 =	rddreg [dreg:$0x2]  }
0x4: {  	s3 =	srdreg.scid;
	s9 =	stileid.u32  }
0x5: {  	s0 =	rddreg [dreg:$0x3];
	s11 =	smul.u32 $0xFFFFFFD8, s9  }
0x6: {  	s2 =	simm.s32 $0x0;
	s6 =	sand.u32 $0x1, s3;
	s30 =	smul.u32 $0x14000, s9  }
0x7: {  	[smem:$0x7FF] =	sst s2;
	p0 =	sne.s32 s9, $0x0;
	s3 =	smul.u32 $0x140000, s6  }
0x8: {  	_ =	strace $0x80000047;
	s8 =	smul.u32 $0x27100, s6;
	s10 =	sshll.u32 s6, $0x4  }
0x9: {  	s12 =	ssub.s32 $0x2, s6;
	s6 =	smul.u32 $0xFFFFFD80, s6;
	s10 =	sor.u32 s9, s10  }
0xa: {  	s29 =	sshrl.u32 s12, $0x1;
	s9 =	sshrl.u32 @!p0 s1, $0x3;
	s7 =	sadd.s32 s3, s4  }
0xb: {  	s3 =	sadd.s32 $0x280E00, s4;
	s8 =	sadd.s32 s8, s4;
	s10 =	smul.u32 $0x280, s10  }
0xc: {  	s12 =	ssub.s32 s12, s29;
	s6 =	sadd.s32 s6, s11;
	s11 =	simm.s32 $0x80  }
0xd: {  	s6 =	sadd.s32 $0x4E2, s6;
	s31 =	sadd.s32 s30, s7;
	s7 =	smax.u32 s12, $0x1  }
0xe: {  	s12 =	simm.s32 $0x0;
	s4 =	sadd.s32 s5, s10;
	s5 =	sadd.s32 $0x2A8000, s8  }
0xf: {  	s6 =	smin.u32 s6, $0x28;
	s8 =	sadd.s32 $0xFE00, s31;
	s10 =	simm.s32 $0x1  }
.LBB2_1:
0x10: {  	s14 =	simm.s32 @!p0 $0x1C01;
	s13 =	simm.s32 @!p0 $0x1  }
0x11: {  	[spmem:s9], [sflag:s14] =	dma.local @!p0 [hbm:s3], $0x27100  }
0x12: {  	_ =	swait.ge @!p0 [sflag:s13], $0x27100  }
0x13: {  	[sflag:s13] =	ssyncset.done @!p0 $0x0  }
0x14: {  	[sflag:s13] =	ssyncadd.s32 @!p0 $0xFFFD8F00  }
0x15: {  	s15 =	simm.s32 $0x4000;
	[bflag:$0x0] =	sbarrier.arrive $0xFFFF  }
0x16: {  	[tilespmem:s15], [sflag:$0x1] =	stream.linear.gather [hbm4b:s4+s2], $0x1400, $0x38;
	[tilespmem:$0x18C80] =	vst v63  }
0x17: {  	_ =	swait.ge [sflag:s10], $0x1400  }
0x18: {  	[sflag:s10] =	ssyncset.done $0x0  }
0x19: {  	[sflag:s10] =	ssyncadd.s32 $0xFFFFEC00  }
0x1a: {  	[tilespmem:s2], [sflag:$0x1] =	stream.linear.gather [hbm4b:s8+s2], $0x4000, $0x38;
	[tilespmem:$0x18C80] =	vst v63  }
0x1b: {  	p1 =	sne.s32 s6, $0x1;
	_ =	swait.ge [sflag:s10], $0x4000  }
.Ltmp0:
0x1c: {  	[sflag:s10] =	ssyncset.done $0x0;
	(pc) =	sbr.rel @!p1 .LBB2_3-.Ltmp0, $4  }
0x1d: {  	[sflag:s10] =	ssyncadd.s32 $0xFFFFC000  }
0x1e: {  	[spmem:s1] =	stream.indirect.scatter.add.f32 [tilespmem:s2], [sflag:$0x1], $0x80, s15, s11, $0xb8;
	[tilespmem:$0x18C80] =	vst v63  }
0x1f: {  	_ =	swait.ge [sflag:s10], $0x4000  }
0x20: {  	s16 =	sadd.s32 $0xFFFFFFFF, s6;
	s17 =	smov.u32 s8;
	[sflag:s10] =	ssyncset.done $0x0  }
.LBB2_2:
0x21: {  	[sflag:s10] =	ssyncadd.s32 $0xFFFFC000;
	s15 =	sadd.s32 $0x80, s15;
	s17 =	sadd.s32 $0x800, s17  }
0x22: {  	[tilespmem:s2], [sflag:$0x1] =	stream.linear.gather [hbm4b:s17+s2], $0x4000, $0x38;
	[tilespmem:$0x18C80] =	vst v63  }
0x23: {  	p1 =	sne.s32 s16, $0x1;
	s16 =	sadd.s32 $0xFFFFFFFF, s16;
	_ =	swait.ge [sflag:s10], $0x4000  }
.Ltmp1:
0x24: {  	[sflag:s10] =	ssyncset.done $0x0;
	(pc) =	sbr.rel @p1 .LBB2_2-.Ltmp1, $4  }
0x25: {  	[sflag:s10] =	ssyncadd.s32 $0xFFFFC000  }
0x26: {  	[spmem:s1] =	stream.indirect.scatter.add.f32 [tilespmem:s2], [sflag:$0x1], $0x80, s15, s11, $0xb8;
	[tilespmem:$0x18C80] =	vst v63  }
0x27: {  	_ =	swait.ge [sflag:s10], $0x4000  }
0x28: {  	[sflag:s10] =	ssyncset.done $0x0  }
.LBB2_3:
0x29: {  	s12 =	sadd.s32 $0x1, s12  }
0x2a: {  	[sflag:s10] =	ssyncadd.s32 $0xFFFFC000;
	p1 =	sne.s32 s12, s7  }
.Ltmp2:
0x2b: {  	[bflag:$0x0] =	sbarrier.arrive $0xFFFF;
	(pc) =	sbr.rel @p1 .LBB2_1-.Ltmp2, $4  }
0x2c: {  	[hbm:s5], [sflag:s14] =	dma.local @!p0 [spmem:s9], $0x27100  }
0x2d: {  	_ =	swait.ge @!p0 [sflag:s13], $0x27100  }
0x2e: {  	[sflag:s13] =	ssyncset.done @!p0 $0x0  }
0x2f: {  	[sflag:s13] =	ssyncadd.s32 @!p0 $0xFFFD8F00  }
0x30: {  	_ =	sfence.sel $0x180000  }
0x31: {  	[bflag:$0x0] =	sbarrier.arrive $0xFFFF  }
0x32: {  	_ =	strace $0x90000047  }
0x33: {  	s0 =	sadd.s32 @!p0 $0x100000, s0;
	[bflag:$0x2] =	sbarrier.arrive $0xFFFF  }
0x34: {  	[sflag:s0] =	ssyncadd.tile.s32 @!p0 $0x1;
	_ =	shalt  }
.Lfunc_end2:
_tile_overlayer_lowered:
.L_overlay_start_2:
0x35: {  	(tag) =	ssettag $0x2  }
0x36: {  	s0 =	rddreg [dreg:$0x0];
	s2 =	stileid.u32  }
0x37: {  	s1 =	rddreg [dreg:$0x1];
	p0 =	sne.s32 s2, $0x0  }
0x38: {  	s3 =	rddreg [dreg:$0x2];
	[bflag:$0x3] =	sbarrier.arrive $0xFFFF;
	s2 =	simm.s32 @!p0 $0x1C01  }
0x39: {  	[timem:s3], [sflag:s2] =	dma.local @!p0 [hbm:s0], s1  }
0x3a: {  	s0 =	simm.s32 @!p0 $0x1  }
0x3b: {  	_ =	swait.ge @!p0 [sflag:s0], s1  }
0x3c: {  	s1 =	ssub.s32 @!p0 $0x0, s1;
	[sflag:s0] =	ssyncset.done @!p0 $0x0  }
0x3d: {  	[sflag:s0] =	ssyncadd.s32 @!p0 s1  }
0x3e: {  	[bflag:$0x3] =	sbarrier.arrive $0xFFFF  }
0x3f: {  	_ =	shalt  }

// kernel: kernel.21.cloned.1.call-start
scs
__scs_entry_jumppad:
0x0: {  	(pc) =	sbr.rel $0x88, $3  }
0x1: {  	(tag) =	ssettag $0x0;
	lr =	simm.s32 $0x1  }
0x2: {  	[smem:$0x3F8C] =	sst lr;
	_ =	strace $0xD0000000  }
0x3: {  	_ = 	snop  }
0x4: {  	_ = 	snop  }
0x5: {  	_ = 	snop  }
0x6: {  	_ = 	snop  }
0x7: {  	_ = 	snop  }
__scs_overlays_trampoline_lowered:
0x8: {  	[smem:$0x3F9B] =	sst s0  }
0x9: {  	[smem:$0x3F9C] =	sst s1  }
0xa: {  	[smem:$0x3F9D] =	sst s2  }
0xb: {  	[smem:$0x3F9E] =	sst s3  }
0xc: {  	[smem:$0x3F9F] =	sst s4  }
0xd: {  	[smem:$0x3FA0] =	sst s5  }
0xe: {  	[smem:$0x3FA1] =	sst s6  }
0xf: {  	[smem:$0x3FA2] =	sst s7  }
0x10: {  	[smem:$0x3FA3] =	sst s8  }
0x11: {  	[smem:$0x3FA4] =	sst s9;
	s0 =	simm.s32 @!p0 $0x0  }
0x12: {  	s1 =	sld [smem:$0x3F8A];
	s0 =	simm.s32 @p0 $0x1  }
0x13: {  	[smem:$0x3FA5] =	sst s0;
	s0 =	simm.s32 @!p1 $0x0  }
0x14: {  	s2 =	sld [smem:$0x3F89];
	s0 =	simm.s32 @p1 $0x1  }
0x15: {  	[smem:$0x3FA6] =	sst s0;
	s0 =	simm.s32 @!p2 $0x0  }
0x16: {  	s3 =	sld [smem:$0x3FDB];
	s0 =	simm.s32 @p2 $0x1  }
0x17: {  	s4 =	simm.s32 $0x1BF5;
	[smem:$0x3FA8] =	sst s0  }
0x18: {  	s0 =	sld [smem:$0x3F8B];
	_ =	swait.ge [sflag:s4], $0x0  }
0x19: {  	s7 =	sld [smem:$0x3F8C]  }
0x1a: {  	s8 =	sadd.s32 $0xFFFFE003, lr  }
0x1b: {  	s9 =	sadd.s32 $0xFFFFFEF7, lr;
	s5 =	simm.s32 $0xFFFFFFFF;
	p2 =	slt.u32 s8, $0xFFFFF086  }
0x1c: {  	p1 =	slt.u32 s9, $0xF7A;
	s5 =	simm.s32 @!p2 $0x0  }
0x1d: {  	s5 =	simm.s32 @p1 $0x1;
	p0 =	seq.s32 s7, s2  }
0x1e: {  	s7 =	smul.u32 @!p0 $0xF7A, s2;
	p2 =	seq.s32 @!p0 s5, $0x0  }
0x1f: {  	s9 =	smul.u32 $0xF7A, s1;
	s8 =	simm.s32 @!p0 $0x1BF5;
	p2 =	por !p2, p0  }
0x20: {  	[sflag:s8] =	ssyncset.s32 @!p0 $0xFFFFF086;
	s6 =	sadd.s32 @!p0 s3, s7;
	s7 =	simm.s32 @!p0 $0x108  }
0x21: {  	s3 =	sadd.s32 s3, s9;
	s6 =	sadd.s32 @!p0 $0x88, s6;
	s7 =	simm.s32 @p2 $0x1082  }
0x22: {  	[simem:s7], [sflag:s8] =	dma.local @!p0 [hbm:s6], $0xF7A  }
0x23: {  	s9 =	sor.u32 $0xD0000000, s2;
	s6 =	simm.s32 $0x108;
	_ =	swait.ge @!p0 [sflag:s8], $0x0  }
0x24: {  	s3 =	sadd.s32 $0x88, s3;
	s6 =	simm.s32 @!p1 $0x1082;
	[sflag:s4] =	ssyncset.s32 $0xFFFFF086  }
0x25: {  	[simem:s6], [sflag:s4] =	dma.local [hbm:s3], $0xF7A  }
0x26: {  	[smem:$0x3F8C] =	sst s1;
	(tag) =	ssettag s2;
	_ =	strace s9  }
0x27: {  	s1 =	sld [smem:$0x3F9C]  }
0x28: {  	s2 =	sld [smem:$0x3F9D]  }
0x29: {  	s4 =	sld [smem:$0x3F9F]  }
0x2a: {  	p0 =	seq.s32 s5, $0x0;
	s5 =	sld [smem:$0x3FA0]  }
0x2b: {  	s6 =	sld [smem:$0x3FA1]  }
0x2c: {  	s7 =	sld [smem:$0x3FA2]  }
0x2d: {  	s3 =	simm.s32 $0x108;
	s8 =	sld [smem:$0x3FA3]  }
0x2e: {  	s3 =	simm.s32 @!p0 $0x1082;
	s9 =	sld [smem:$0x3FA4]  }
0x2f: {  	lr =	sadd.s32 s0, s3;
	s0 =	sld [smem:$0x3F9B]  }
0x30: {  	s3 =	sld [smem:$0x3F9E]  }
0x31: {  	[smem:$0x3FA7] =	sst s10  }
0x32: {  	s10 =	sld [smem:$0x3FA5];
	_ =	sdelay $0x3  }
0x33: {  	p0 =	seq.s32 s10, $0x1;
	s10 =	sld [smem:$0x3FA7];
	_ =	sdelay $0x3  }
0x34: {  	[smem:$0x3FA7] =	sst s10  }
0x35: {  	s10 =	sld [smem:$0x3FA6];
	_ =	sdelay $0x3  }
0x36: {  	p1 =	seq.s32 s10, $0x1;
	s10 =	sld [smem:$0x3FA7];
	_ =	sdelay $0x3  }
0x37: {  	[smem:$0x3FA7] =	sst s10  }
0x38: {  	s10 =	sld [smem:$0x3FA8]  }
0x39: {  	_ = 	snop;
	(pc) =	sbr.ind lr, $3  }
0x3a: {  	_ = 	snop  }
0x3b: {  	_ = 	snop  }
0x3c: {  	p2 =	seq.s32 s10, $0x1;
	s10 =	sld [smem:$0x3FA7]  }
0x3d: {  	_ =	shalt  }
0x3e: {  	_ =	shalt  }
0x3f: {  	_ =	shalt  }
0x40: {  	_ =	shalt  }
0x41: {  	_ =	shalt  }
0x42: {  	_ =	shalt  }
0x43: {  	_ =	shalt  }
0x44: {  	_ =	shalt  }
0x45: {  	_ =	shalt  }
0x46: {  	_ =	shalt  }
0x47: {  	_ =	shalt  }
0x48: {  	_ =	shalt  }
0x49: {  	_ =	shalt  }
0x4a: {  	_ =	shalt  }
0x4b: {  	_ =	shalt  }
0x4c: {  	_ =	shalt  }
0x4d: {  	_ =	shalt  }
0x4e: {  	_ =	shalt  }
0x4f: {  	_ =	shalt  }
0x50: {  	_ =	shalt  }
0x51: {  	_ =	shalt  }
0x52: {  	_ =	shalt  }
0x53: {  	_ =	shalt  }
0x54: {  	_ =	shalt  }
0x55: {  	_ =	shalt  }
0x56: {  	_ =	shalt  }
0x57: {  	_ =	shalt  }
0x58: {  	_ =	shalt  }
0x59: {  	_ =	shalt  }
0x5a: {  	_ =	shalt  }
0x5b: {  	_ =	shalt  }
0x5c: {  	_ =	shalt  }
0x5d: {  	_ =	shalt  }
0x5e: {  	_ =	shalt  }
0x5f: {  	_ =	shalt  }
0x60: {  	_ =	shalt  }
0x61: {  	_ =	shalt  }
0x62: {  	_ =	shalt  }
0x63: {  	_ =	shalt  }
0x64: {  	_ =	shalt  }
0x65: {  	_ =	shalt  }
0x66: {  	_ =	shalt  }
0x67: {  	_ =	shalt  }
0x68: {  	_ =	shalt  }
0x69: {  	_ =	shalt  }
0x6a: {  	_ =	shalt  }
0x6b: {  	_ =	shalt  }
0x6c: {  	_ =	shalt  }
0x6d: {  	_ =	shalt  }
0x6e: {  	_ =	shalt  }
0x6f: {  	_ =	shalt  }
0x70: {  	_ =	shalt  }
0x71: {  	_ =	shalt  }
0x72: {  	_ =	shalt  }
0x73: {  	_ =	shalt  }
0x74: {  	_ =	shalt  }
0x75: {  	_ =	shalt  }
0x76: {  	_ =	shalt  }
0x77: {  	_ =	shalt  }
0x78: {  	_ =	shalt  }
0x79: {  	_ =	shalt  }
0x7a: {  	_ =	shalt  }
0x7b: {  	_ =	shalt  }
0x7c: {  	_ =	shalt  }
0x7d: {  	_ =	shalt  }
0x7e: {  	_ =	shalt  }
0x7f: {  	_ =	shalt  }
0x80: {  	_ =	shalt  }
0x81: {  	_ =	shalt  }
0x82: {  	_ =	shalt  }
0x83: {  	_ =	shalt  }
0x84: {  	_ =	shalt  }
0x85: {  	_ =	shalt  }
0x86: {  	_ =	shalt  }
0x87: {  	_ =	shalt  }
.Lfunc_end0:
.L_simem_size_0:
called_computation.1_lowered:
.L_overlay_start_0:
0x88: {  	s2 =	sld [smem:$0x3FD9]  }
0x89: {  	s3 =	sld [smem:$0x3FFE];
	_ =	sdelay $0x1  }
0x8a: {  	s1 =	srdreg.scid  }
0x8b: {  	s0 =	sand.u32 $0x1, s1  }
0x8c: {  	s16 =	sshll.u32 s0, $0xA;
	s2 =	sadd.s32 s3, s2  }
0x8d: {  	s2 =	sadd.s32 s2, s16  }
0x8e: {  	[smem:$0x3FB3] =	sst s2  }
0x8f: {  	_ = 	snop  }
0x90: {  	(tm) =	ssettm $0x1  }
0x91: {  	s17 =	sld [smem:$0x3FFB];
	_ =	sdelay $0x3  }
0x92: {  	_ =	strace s17  }
0x93: {  	s2 =	sld [smem:$0x3FFC];
	_ =	sdelay $0x3  }
0x94: {  	_ =	strace s2  }
0x95: {  	s2 =	sld [smem:$0x3FFD];
	_ =	sdelay $0x3  }
0x96: {  	_ =	strace s2  }
0x97: {  	_ =	strace $0x8FFFFFFF  }
0x98: {  	s18 =	sld [smem:$0x3FDB];
	_ =	sdelay $0x1  }
0x99: {  	s19 =	simm.s32 $_scs_section_size  }
0x9a: {  	s4 =	simm.s32 $_size__tile_overlayer_lowered;
	s5 =	simm.s32 $_tile_overlayer_lowered  }
0x9b: {  	s22 =	simm.s32 $0x1BFF;
	s21 =	sshll.u32 s5, $0x1;
	s2 =	sadd.s32 s19, s18  }
0x9c: {  	s6 =	simm.s32 $0x0;
	s20 =	sshll.u32 s4, $0x1;
	s4 =	sadd.s32 s21, s2  }
0x9d: {  	[timem:s6], [sflag:s22] =	dma.local [hbm:s4], s20  }
0x9e: {  	_ =	swait.ge [sflag:s22], s20  }
0x9f: {  	s3 =	ssub.s32 $0x0, s20;
	[sflag:s22] =	ssyncset.done $0x0  }
0xa0: {  	[sflag:s22] =	ssyncadd.s32 s3;
	_ =	sdelay $0x1  }
0xa1: {  	s23 =	simm.s32 $0x1B8B  }
0xa2: {  	_ =	swait.ge [sflag:s23], $0x1  }
0xa3: {  	[sflag:s23] =	ssyncset.done $0x0  }
0xa4: {  	s25 =	simm.s32 $0x1B8E;
	s24 =	sld [smem:$0x3FFE];
	[sflag:s23] =	ssyncadd.s32 $0xFFFFFFFF  }
0xa5: {  	s26 =	simm.s32 $execute0_lowered;
	[smem:$0x3FD2] =	sst s25  }
0xa6: {  	s4 =	sshll.u32 s26, $0x1;
	_ =	strace $0x80000049;
	[dreg:$0x1] =	wrdreg $0xFFFFFFFF  }
0xa7: {  	s28 =	simm.s32 $_size_execute0_lowered;
	s2 =	sadd.s32 s2, s4;
	[dreg:$0x0] =	wrdreg $0x0  }
0xa8: {  	s4 =	sshll.u32 s28, $0x1;
	[dreg:$0x2] =	wrdreg s2  }
0xa9: {  	[dreg:$0x3] =	wrdreg s4  }
0xaa: {  	[dreg:$0x4] =	wrdreg $0xC0  }
0xab: {  	_ =	task [dreg:s6], $0x5FFFF  }
0xac: {  	[dreg:$0x1] =	wrdreg $0xFFFFFFFF  }
0xad: {  	[dreg:$0x0] =	wrdreg $0x60  }
0xae: {  	[dreg:$0x2] =	wrdreg s24  }
0xaf: {  	[dreg:$0x3] =	wrdreg $0x9  }
0xb0: {  	_ =	task.clear_ibuf [dreg:s6], $0x4FFFF;
	_ =	strace $0x90000049  }
0xb1: {  	s29 =	simm.s32 $0x9;
	_ =	strace $0x8000004B  }
0xb2: {  	_ =	swait.ge [sflag:s29], $0x1  }
0xb3: {  	[sflag:s29] =	ssyncadd.s32 $0xFFFFFFFF  }
0xb4: {  	_ =	strace $0x9000004B  }
0xb5: {  	_ =	sfence  }
0xb6: {  	s30 =	sld [smem:$0x0];
	_ =	sdelay $0x2  }
0xb7: {  	s31 =	sshll.u32 s1, $0xD;
	s1 =	sshrl.u32 s1, $0x2  }
0xb8: {  	s3 =	sand.u32 $0x4000, s31;
	s1 =	sadd.s32 s1, s30  }
0xb9: {  	s0 =	sor.u32 s3, s0;
	s1 =	sshll.u32 s1, $0x11  }
0xba: {  	s0 =	sor.u32 s1, s0  }
0xbb: {  	s0 =	sadd.s32 $0x8F2B, s0  }
0xbc: {  	[sflag:s0] =	ssyncadd.remote.s32 $0x1  }
0xbd: {  	_ =	sfence.sel $0xFFFF  }
0xbe: {  	[dreg:$0x0] =	wrdreg $0xFFFFFFFF;
	(pc) =	sbr.abs _section_cstart, $3  }
0xbf: {  	[dreg:$0x1] =	wrdreg $0xFFFFFFFF  }
0xc0: {  	_ =	task.clear_ibuf [dreg:s6], $0x2FFFF;
	_ =	strace $0x9FFFFFFF  }
0xc1: {  	(tm) =	ssettm $0x7FFFFFFF  }
tec
execute0_lowered:
.L_overlay_start_1:
0x0: {  	(tag) =	ssettag $0x1  }
0x1: {  	s1 =	srdreg.scid;
	s0 =	stileid.u32  }
0x2: {  	s4 =	rddreg [dreg:$0x0];
	s2 =	simm.s32 $0x0;
	s11 =	simm.s32 $0x8  }
0x3: {  	s12 =	simm.s32 $0x1380;
	s13 =	simm.s32 $0x5400;
	s5 =	sand.u32 $0x1, s1  }
0x4: {  	s3 =	sshll.u32 s0, $0x1;
	s1 =	rddreg [dreg:$0x1];
	s8 =	smul.u32 $0x138800, s0  }
0x5: {  	s3 =	sor.u32 s5, s3;
	s9 =	ssub.s32 $0x2, s5;
	s5 =	smul.u32 $0x9C400, s5  }
0x6: {  	s14 =	simm.s32 $0x0;
	[smem:$0x7FF] =	sst s2;
	s6 =	smul.u32 $0x271, s3  }
0x7: {  	s10 =	sadd.s32 $0x2A8000, s4;
	s7 =	smul.u32 $0x9C400, s3;
	s30 =	sshrl.u32 s9, $0x1  }
0x8: {  	_ =	strace $0x8000004A;
	s3 =	sadd.s32 $0x10400, s4;
	s9 =	ssub.s32 s9, s30  }
0x9: {  	s8 =	sadd.s32 s5, s8;
	s6 =	sadd.s32 s6, s4;
	s7 =	sshrl.u32 s7, $0x3  }
0xa: {  	s31 =	sshrl.u32 s8, $0x3;
	s8 =	simm.s32 $0x1;
	s7 =	sadd.s32 s10, s7  }
0xb: {  	s4 =	sadd.s32 $0xAE00, s6;
	s6 =	smax.u32 s9, $0x1;
	s9 =	simm.s32 $0x80  }
0xc: {  	s5 =	sadd.s32 $0x13800, s7;
	s7 =	sadd.s32 s31, s10;
	s10 =	simm.s32 $0x1400  }
.LBB2_1:
0xd: {  	[tilespmem:s2], [sflag:$0x1] =	stream.linear.gather [hbm4b:s4+s2], $0x1388, $0x38;
	[tilespmem:$0x5800] =	vst v63  }
0xe: {  	_ =	swait.ge [sflag:s8], $0x1388  }
0xf: {  	[sflag:s8] =	ssyncset.done $0x0  }
0x10: {  	s15 =	simm.s32 $0x0;
	[sflag:s8] =	ssyncadd.s32 $0xFFFFEC78  }
0x11: {  	[tilespmem:s10], [sflag:$0x1] =	stream.indirect.gather [hbm4b:s3+s9], $0x80, s15, s9, $0xb8;
	[tilespmem:$0x5800] =	vst v63  }
0x12: {  	_ =	swait.ge [sflag:s8], $0x4000  }
0x13: {  	[sflag:s8] =	ssyncset.done $0x0  }
0x14: {  	[sflag:s8] =	ssyncadd.s32 $0xFFFFC000  }
0x15: {  	[hbm4b:s7+s2] =	stream.linear.scatter [tilespmem:s10], [sflag:$0x1], $0x4000, $0x38;
	[tilespmem:$0x5800] =	vst v63  }
0x16: {  	s16 =	simm.s32 $0x200;
	_ =	swait.ge [sflag:s8], $0x4000  }
0x17: {  	s17 =	simm.s32 $0x400;
	s15 =	sadd.s32 $0x800, s7;
	[sflag:s8] =	ssyncset.done $0x0  }
.LBB2_2:
0x18: {  	s18 =	sshra.s32 s16, $0x2  }
0x19: {  	[sflag:s8] =	ssyncadd.s32 $0xFFFFC000;
	s16 =	smov.u32 s17;
	s19 =	sadd.s32 $0x200, s17  }
0x1a: {  	[tilespmem:s10], [sflag:$0x1] =	stream.indirect.gather [hbm4b:s3+s9], $0x80, s18, s9, $0xb8;
	[tilespmem:$0x5800] =	vst v63  }
0x1b: {  	p0 =	sne.s32 s17, $0x4C00;
	_ =	swait.ge [sflag:s8], $0x4000  }
.Ltmp0:
0x1c: {  	[sflag:s8] =	ssyncset.done $0x0;
	(pc) =	sbr.rel @p0 .LBB2_2-.Ltmp0, $4  }
0x1d: {  	[sflag:s8] =	ssyncadd.s32 $0xFFFFC000  }
0x1e: {  	[hbm4b:s15+s2] =	stream.linear.scatter [tilespmem:s10], [sflag:$0x1], $0x4000, $0x38;
	[tilespmem:$0x5800] =	vst v63  }
0x1f: {  	_ =	swait.ge [sflag:s8], $0x4000  }
0x20: {  	s17 =	smov.u32 s19;
	s15 =	sadd.s32 $0x800, s15;
	[sflag:s8] =	ssyncset.done $0x0  }
0x21: {  	s16 =	sshra.s32 s16, $0x2;
	[sflag:s8] =	ssyncadd.s32 $0xFFFFC000  }
0x22: {  	[tilespmem:s10], [sflag:$0x1] =	stream.indirect.gather [hbm4b:s3+s9], $0x80, s16, s9, $0xb8;
	[tilespmem:$0x5800] =	vst v63  }
0x23: {  	_ =	swait.ge [sflag:s8], $0x4000  }
0x24: {  	[sflag:s8] =	ssyncset.done $0x0  }
0x25: {  	[sflag:s8] =	ssyncadd.s32 $0xFFFFC000  }
0x26: {  	[hbm4b:s15+s2] =	stream.linear.scatter [tilespmem:s10], [sflag:$0x1], $0x4000, $0x38;
	[tilespmem:$0x5800] =	vst v63  }
0x27: {  	_ =	swait.ge [sflag:s8], $0x4000  }
0x28: {  	[sflag:s8] =	ssyncset.done $0x0  }
0x29: {  	[sflag:s8] =	ssyncadd.s32 $0xFFFFC000  }
0x2a: {  	[tilespmem:s13], [sflag:$0x1] =	stream.indirect.gather [hbm4b:s3+s11], $0x80, s12, s11, $0xb8;
	[tilespmem:$0x5800] =	vst v63  }
0x2b: {  	s14 =	sadd.s32 $0x1, s14;
	_ =	swait.ge [sflag:s8], $0x400  }
0x2c: {  	p0 =	sne.s32 s14, s6;
	[sflag:s8] =	ssyncset.done $0x0  }
.Ltmp1:
0x2d: {  	[sflag:s8] =	ssyncadd.s32 $0xFFFFFC00;
	(pc) =	sbr.rel @p0 .LBB2_1-.Ltmp1, $4  }
0x2e: {  	[hbm4b:s5+s2] =	stream.linear.scatter [tilespmem:s13], [sflag:$0x1], $0x400, $0x38;
	[tilespmem:$0x5800] =	vst v63  }
0x2f: {  	_ =	swait.ge [sflag:s8], $0x400  }
0x30: {  	[sflag:s8] =	ssyncset.done $0x0  }
0x31: {  	[sflag:s8] =	ssyncadd.s32 $0xFFFFFC00  }
0x32: {  	_ =	sfence.sel $0x180000  }
0x33: {  	[bflag:$0x0] =	sbarrier.arrive $0xFFFF  }
0x34: {  	p0 =	sne.s32 s0, $0x0;
	_ =	strace $0x9000004A  }
0x35: {  	s0 =	sadd.s32 @!p0 $0x100000, s1;
	[bflag:$0x2] =	sbarrier.arrive $0xFFFF  }
0x36: {  	[sflag:s0] =	ssyncadd.tile.s32 @!p0 $0x1;
	_ =	shalt  }
.Lfunc_end2:
_tile_overlayer_lowered:
.L_overlay_start_2:
0x37: {  	(tag) =	ssettag $0x2  }
0x38: {  	s0 =	rddreg [dreg:$0x0];
	s2 =	stileid.u32  }
0x39: {  	s1 =	rddreg [dreg:$0x1];
	p0 =	sne.s32 s2, $0x0  }
0x3a: {  	s3 =	rddreg [dreg:$0x2];
	[bflag:$0x3] =	sbarrier.arrive $0xFFFF;
	s2 =	simm.s32 @!p0 $0x1C01  }
0x3b: {  	[timem:s3], [sflag:s2] =	dma.local @!p0 [hbm:s0], s1  }
0x3c: {  	s0 =	simm.s32 @!p0 $0x1  }
0x3d: {  	_ =	swait.ge @!p0 [sflag:s0], s1  }
0x3e: {  	s1 =	ssub.s32 @!p0 $0x0, s1;
	[sflag:s0] =	ssyncset.done @!p0 $0x0  }
0x3f: {  	[sflag:s0] =	ssyncadd.s32 @!p0 s1  }
0x40: {  	[bflag:$0x3] =	sbarrier.arrive $0xFFFF  }
0x41: {  	_ =	shalt  }

// kernel: kernel.24.cloned.1.call-start
scs
__scs_entry_jumppad:
0x0: {  	(pc) =	sbr.rel $0x88, $3  }
0x1: {  	(tag) =	ssettag $0x0;
	lr =	simm.s32 $0x1  }
0x2: {  	[smem:$0x3F8C] =	sst lr;
	_ =	strace $0xD0000000  }
0x3: {  	_ = 	snop  }
0x4: {  	_ = 	snop  }
0x5: {  	_ = 	snop  }
0x6: {  	_ = 	snop  }
0x7: {  	_ = 	snop  }
__scs_overlays_trampoline_lowered:
0x8: {  	[smem:$0x3F9B] =	sst s0  }
0x9: {  	[smem:$0x3F9C] =	sst s1  }
0xa: {  	[smem:$0x3F9D] =	sst s2  }
0xb: {  	[smem:$0x3F9E] =	sst s3  }
0xc: {  	[smem:$0x3F9F] =	sst s4  }
0xd: {  	[smem:$0x3FA0] =	sst s5  }
0xe: {  	[smem:$0x3FA1] =	sst s6  }
0xf: {  	[smem:$0x3FA2] =	sst s7  }
0x10: {  	[smem:$0x3FA3] =	sst s8  }
0x11: {  	[smem:$0x3FA4] =	sst s9;
	s0 =	simm.s32 @!p0 $0x0  }
0x12: {  	s1 =	sld [smem:$0x3F8A];
	s0 =	simm.s32 @p0 $0x1  }
0x13: {  	[smem:$0x3FA5] =	sst s0;
	s0 =	simm.s32 @!p1 $0x0  }
0x14: {  	s2 =	sld [smem:$0x3F89];
	s0 =	simm.s32 @p1 $0x1  }
0x15: {  	[smem:$0x3FA6] =	sst s0;
	s0 =	simm.s32 @!p2 $0x0  }
0x16: {  	s3 =	sld [smem:$0x3FDB];
	s0 =	simm.s32 @p2 $0x1  }
0x17: {  	s4 =	simm.s32 $0x1BF5;
	[smem:$0x3FA8] =	sst s0  }
0x18: {  	s0 =	sld [smem:$0x3F8B];
	_ =	swait.ge [sflag:s4], $0x0  }
0x19: {  	s7 =	sld [smem:$0x3F8C]  }
0x1a: {  	s8 =	sadd.s32 $0xFFFFE003, lr  }
0x1b: {  	s9 =	sadd.s32 $0xFFFFFEF7, lr;
	s5 =	simm.s32 $0xFFFFFFFF;
	p2 =	slt.u32 s8, $0xFFFFF086  }
0x1c: {  	p1 =	slt.u32 s9, $0xF7A;
	s5 =	simm.s32 @!p2 $0x0  }
0x1d: {  	s5 =	simm.s32 @p1 $0x1;
	p0 =	seq.s32 s7, s2  }
0x1e: {  	s7 =	smul.u32 @!p0 $0xF7A, s2;
	p2 =	seq.s32 @!p0 s5, $0x0  }
0x1f: {  	s9 =	smul.u32 $0xF7A, s1;
	s8 =	simm.s32 @!p0 $0x1BF5;
	p2 =	por !p2, p0  }
0x20: {  	[sflag:s8] =	ssyncset.s32 @!p0 $0xFFFFF086;
	s6 =	sadd.s32 @!p0 s3, s7;
	s7 =	simm.s32 @!p0 $0x108  }
0x21: {  	s3 =	sadd.s32 s3, s9;
	s6 =	sadd.s32 @!p0 $0x88, s6;
	s7 =	simm.s32 @p2 $0x1082  }
0x22: {  	[simem:s7], [sflag:s8] =	dma.local @!p0 [hbm:s6], $0xF7A  }
0x23: {  	s9 =	sor.u32 $0xD0000000, s2;
	s6 =	simm.s32 $0x108;
	_ =	swait.ge @!p0 [sflag:s8], $0x0  }
0x24: {  	s3 =	sadd.s32 $0x88, s3;
	s6 =	simm.s32 @!p1 $0x1082;
	[sflag:s4] =	ssyncset.s32 $0xFFFFF086  }
0x25: {  	[simem:s6], [sflag:s4] =	dma.local [hbm:s3], $0xF7A  }
0x26: {  	[smem:$0x3F8C] =	sst s1;
	(tag) =	ssettag s2;
	_ =	strace s9  }
0x27: {  	s1 =	sld [smem:$0x3F9C]  }
0x28: {  	s2 =	sld [smem:$0x3F9D]  }
0x29: {  	s4 =	sld [smem:$0x3F9F]  }
0x2a: {  	p0 =	seq.s32 s5, $0x0;
	s5 =	sld [smem:$0x3FA0]  }
0x2b: {  	s6 =	sld [smem:$0x3FA1]  }
0x2c: {  	s7 =	sld [smem:$0x3FA2]  }
0x2d: {  	s3 =	simm.s32 $0x108;
	s8 =	sld [smem:$0x3FA3]  }
0x2e: {  	s3 =	simm.s32 @!p0 $0x1082;
	s9 =	sld [smem:$0x3FA4]  }
0x2f: {  	lr =	sadd.s32 s0, s3;
	s0 =	sld [smem:$0x3F9B]  }
0x30: {  	s3 =	sld [smem:$0x3F9E]  }
0x31: {  	[smem:$0x3FA7] =	sst s10  }
0x32: {  	s10 =	sld [smem:$0x3FA5];
	_ =	sdelay $0x3  }
0x33: {  	p0 =	seq.s32 s10, $0x1;
	s10 =	sld [smem:$0x3FA7];
	_ =	sdelay $0x3  }
0x34: {  	[smem:$0x3FA7] =	sst s10  }
0x35: {  	s10 =	sld [smem:$0x3FA6];
	_ =	sdelay $0x3  }
0x36: {  	p1 =	seq.s32 s10, $0x1;
	s10 =	sld [smem:$0x3FA7];
	_ =	sdelay $0x3  }
0x37: {  	[smem:$0x3FA7] =	sst s10  }
0x38: {  	s10 =	sld [smem:$0x3FA8]  }
0x39: {  	_ = 	snop;
	(pc) =	sbr.ind lr, $3  }
0x3a: {  	_ = 	snop  }
0x3b: {  	_ = 	snop  }
0x3c: {  	p2 =	seq.s32 s10, $0x1;
	s10 =	sld [smem:$0x3FA7]  }
0x3d: {  	_ =	shalt  }
0x3e: {  	_ =	shalt  }
0x3f: {  	_ =	shalt  }
0x40: {  	_ =	shalt  }
0x41: {  	_ =	shalt  }
0x42: {  	_ =	shalt  }
0x43: {  	_ =	shalt  }
0x44: {  	_ =	shalt  }
0x45: {  	_ =	shalt  }
0x46: {  	_ =	shalt  }
0x47: {  	_ =	shalt  }
0x48: {  	_ =	shalt  }
0x49: {  	_ =	shalt  }
0x4a: {  	_ =	shalt  }
0x4b: {  	_ =	shalt  }
0x4c: {  	_ =	shalt  }
0x4d: {  	_ =	shalt  }
0x4e: {  	_ =	shalt  }
0x4f: {  	_ =	shalt  }
0x50: {  	_ =	shalt  }
0x51: {  	_ =	shalt  }
0x52: {  	_ =	shalt  }
0x53: {  	_ =	shalt  }
0x54: {  	_ =	shalt  }
0x55: {  	_ =	shalt  }
0x56: {  	_ =	shalt  }
0x57: {  	_ =	shalt  }
0x58: {  	_ =	shalt  }
0x59: {  	_ =	shalt  }
0x5a: {  	_ =	shalt  }
0x5b: {  	_ =	shalt  }
0x5c: {  	_ =	shalt  }
0x5d: {  	_ =	shalt  }
0x5e: {  	_ =	shalt  }
0x5f: {  	_ =	shalt  }
0x60: {  	_ =	shalt  }
0x61: {  	_ =	shalt  }
0x62: {  	_ =	shalt  }
0x63: {  	_ =	shalt  }
0x64: {  	_ =	shalt  }
0x65: {  	_ =	shalt  }
0x66: {  	_ =	shalt  }
0x67: {  	_ =	shalt  }
0x68: {  	_ =	shalt  }
0x69: {  	_ =	shalt  }
0x6a: {  	_ =	shalt  }
0x6b: {  	_ =	shalt  }
0x6c: {  	_ =	shalt  }
0x6d: {  	_ =	shalt  }
0x6e: {  	_ =	shalt  }
0x6f: {  	_ =	shalt  }
0x70: {  	_ =	shalt  }
0x71: {  	_ =	shalt  }
0x72: {  	_ =	shalt  }
0x73: {  	_ =	shalt  }
0x74: {  	_ =	shalt  }
0x75: {  	_ =	shalt  }
0x76: {  	_ =	shalt  }
0x77: {  	_ =	shalt  }
0x78: {  	_ =	shalt  }
0x79: {  	_ =	shalt  }
0x7a: {  	_ =	shalt  }
0x7b: {  	_ =	shalt  }
0x7c: {  	_ =	shalt  }
0x7d: {  	_ =	shalt  }
0x7e: {  	_ =	shalt  }
0x7f: {  	_ =	shalt  }
0x80: {  	_ =	shalt  }
0x81: {  	_ =	shalt  }
0x82: {  	_ =	shalt  }
0x83: {  	_ =	shalt  }
0x84: {  	_ =	shalt  }
0x85: {  	_ =	shalt  }
0x86: {  	_ =	shalt  }
0x87: {  	_ =	shalt  }
.Lfunc_end0:
.L_simem_size_0:
called_computation.2_lowered:
.L_overlay_start_0:
0x88: {  	s2 =	sld [smem:$0x3FD9]  }
0x89: {  	s3 =	sld [smem:$0x3FFE];
	_ =	sdelay $0x1  }
0x8a: {  	s1 =	srdreg.scid  }
0x8b: {  	s0 =	sand.u32 $0x1, s1  }
0x8c: {  	s17 =	sshll.u32 s0, $0xA;
	s2 =	sadd.s32 s3, s2  }
0x8d: {  	s2 =	sadd.s32 s2, s17  }
0x8e: {  	[smem:$0x3FB3] =	sst s2  }
0x8f: {  	_ = 	snop  }
0x90: {  	(tm) =	ssettm $0x1  }
0x91: {  	s18 =	sld [smem:$0x3FFB];
	_ =	sdelay $0x3  }
0x92: {  	_ =	strace s18  }
0x93: {  	s2 =	sld [smem:$0x3FFC];
	_ =	sdelay $0x3  }
0x94: {  	_ =	strace s2  }
0x95: {  	s2 =	sld [smem:$0x3FFD];
	_ =	sdelay $0x3  }
0x96: {  	_ =	strace s2  }
0x97: {  	_ =	strace $0x8FFFFFFF  }
0x98: {  	s19 =	sld [smem:$0x3FDB];
	_ =	sdelay $0x1  }
0x99: {  	s20 =	simm.s32 $_scs_section_size  }
0x9a: {  	s4 =	simm.s32 $_size__tile_overlayer_lowered;
	s5 =	simm.s32 $_tile_overlayer_lowered  }
0x9b: {  	s6 =	simm.s32 $0x1BFF;
	s21 =	sshll.u32 s5, $0x1;
	s3 =	sadd.s32 s20, s19  }
0x9c: {  	s22 =	simm.s32 $0x0;
	s4 =	sshll.u32 s4, $0x1;
	s5 =	sadd.s32 s21, s3  }
0x9d: {  	[timem:s22], [sflag:s6] =	dma.local [hbm:s5], s4  }
0x9e: {  	_ =	swait.ge [sflag:s6], s4  }
0x9f: {  	s4 =	ssub.s32 $0x0, s4;
	[sflag:s6] =	ssyncset.done $0x0  }
0xa0: {  	[sflag:s6] =	ssyncadd.s32 s4;
	_ =	sdelay $0x1  }
0xa1: {  	s23 =	simm.s32 $0x1B8B  }
0xa2: {  	_ =	swait.ge [sflag:s23], $0x1  }
0xa3: {  	[sflag:s23] =	ssyncset.done $0x0  }
0xa4: {  	[sflag:s23] =	ssyncadd.s32 $0xFFFFFFFF  }
0xa5: {  	s4 =	sld [smem:$0x0]  }
0xa6: {  	s5 =	sand.u32 $0xFFFFFFFE, s1  }
0xa7: {  	p0 =	sne.s32 s1, s5  }
0xa8: {  	s5 =	sshll.u32 @p0 s5, $0xE  }
0xa9: {  	s5 =	sadd.s32 @p0 $0x11B8D, s5;
	s6 =	sshll.u32 @p0 s4, $0x11  }
0xaa: {  	s5 =	sor.u32 @p0 s6, s5  }
0xab: {  	[sflag:s5] =	ssyncadd.remote.s32 @p0 $0x1;
	_ =	sdelay $0x1  }
0xac: {  	s5 =	simm.s32 @p0 $0x1B8D  }
0xad: {  	_ =	swait.eq @p0 [sflag:s5], $0x1  }
0xae: {  	[sflag:s5] =	ssyncadd.s32 @p0 $0xFFFFFFFF  }
0xaf: {  	s6 =	sshll.u32 @!p0 s1, $0xE  }
0xb0: {  	s6 =	sor.u32 @!p0 $0x4000, s6;
	s5 =	simm.s32 @!p0 $0x1B8D  }
0xb1: {  	s4 =	sshll.u32 @!p0 s4, $0x11;
	s6 =	sadd.s32 @!p0 $0x11B8D, s6;
	_ =	swait.eq @!p0 [sflag:s5], $0x1  }
0xb2: {  	s4 =	sor.u32 @!p0 s4, s6;
	[sflag:s5] =	ssyncadd.s32 @!p0 $0xFFFFFFFF  }
0xb3: {  	s25 =	simm.s32 $0x1B8E;
	s24 =	sld [smem:$0x3FFE];
	[sflag:s4] =	ssyncadd.remote.s32 @!p0 $0x1  }
0xb4: {  	s26 =	simm.s32 $execute0_lowered;
	[smem:$0x3FD2] =	sst s25  }
0xb5: {  	s5 =	sshll.u32 s26, $0x1;
	_ =	strace $0x8000004C;
	[dreg:$0x1] =	wrdreg $0xFFFFFFFF  }
0xb6: {  	s28 =	simm.s32 $_size_execute0_lowered;
	s3 =	sadd.s32 s3, s5;
	[dreg:$0x0] =	wrdreg $0x0  }
0xb7: {  	s5 =	sshll.u32 s28, $0x1;
	[dreg:$0x2] =	wrdreg s3  }
0xb8: {  	[dreg:$0x3] =	wrdreg s5  }
0xb9: {  	[dreg:$0x4] =	wrdreg $0xC0  }
0xba: {  	_ =	task [dreg:s22], $0x5FFFF  }
0xbb: {  	[dreg:$0x1] =	wrdreg $0xFFFFFFFF  }
0xbc: {  	[dreg:$0x0] =	wrdreg $0x60  }
0xbd: {  	[dreg:$0x2] =	wrdreg s24  }
0xbe: {  	[dreg:$0x3] =	wrdreg $0xA  }
0xbf: {  	_ =	task.clear_ibuf [dreg:s22], $0x4FFFF;
	_ =	strace $0x9000004C  }
0xc0: {  	s29 =	simm.s32 $0xA;
	_ =	strace $0x8000004E  }
0xc1: {  	_ =	swait.ge [sflag:s29], $0x1  }
0xc2: {  	[sflag:s29] =	ssyncadd.s32 $0xFFFFFFFF  }
0xc3: {  	_ =	strace $0x9000004E  }
0xc4: {  	_ =	sfence  }
0xc5: {  	s30 =	sld [smem:$0x0];
	_ =	sdelay $0x2  }
0xc6: {  	s31 =	sshll.u32 s1, $0xD;
	s1 =	sshrl.u32 s1, $0x2  }
0xc7: {  	s4 =	sand.u32 $0x4000, s31;
	s1 =	sadd.s32 s1, s30  }
0xc8: {  	s0 =	sor.u32 s4, s0;
	s1 =	sshll.u32 s1, $0x11  }
0xc9: {  	s0 =	sor.u32 s1, s0  }
0xca: {  	s0 =	sadd.s32 $0x8F2B, s0  }
0xcb: {  	[sflag:s0] =	ssyncadd.remote.s32 $0x1  }
0xcc: {  	_ =	sfence.sel $0xFFFF  }
0xcd: {  	[dreg:$0x0] =	wrdreg $0xFFFFFFFF;
	(pc) =	sbr.abs _section_cstart, $3  }
0xce: {  	[dreg:$0x1] =	wrdreg $0xFFFFFFFF  }
0xcf: {  	_ =	task.clear_ibuf [dreg:s22], $0x2FFFF;
	_ =	strace $0x9FFFFFFF  }
0xd0: {  	(tm) =	ssettm $0x7FFFFFFF  }
0xd1: {  	_ =	shalt  }
tec
execute0_lowered:
.L_overlay_start_1:
0x0: {  	(tag) =	ssettag $0x1  }
0x1: {  	s1 =	srdreg.scid;
	s0 =	stileid.u32  }
0x2: {  	s4 =	rddreg [dreg:$0x0];
	s2 =	simm.s32 $0x0;
	s11 =	simm.s32 $0x8  }
0x3: {  	s12 =	simm.s32 $0x1380;
	s13 =	simm.s32 $0x5400;
	s5 =	sand.u32 $0x1, s1  }
0x4: {  	s3 =	sshll.u32 s0, $0x1;
	s1 =	rddreg [dreg:$0x1];
	s8 =	smul.u32 $0x138800, s0  }
0x5: {  	s3 =	sor.u32 s5, s3;
	s9 =	ssub.s32 $0x2, s5;
	s5 =	smul.u32 $0x9C400, s5  }
0x6: {  	s14 =	simm.s32 $0x0;
	[smem:$0x7FF] =	sst s2;
	s6 =	smul.u32 $0x271, s3  }
0x7: {  	s10 =	sadd.s32 $0x519000, s4;
	s7 =	smul.u32 $0x9C400, s3;
	s30 =	sshrl.u32 s9, $0x1  }
0x8: {  	_ =	strace $0x8000004D;
	s3 =	sadd.s32 $0x38600, s4;
	s9 =	ssub.s32 s9, s30  }
0x9: {  	s8 =	sadd.s32 s5, s8;
	s6 =	sadd.s32 s6, s4;
	s7 =	sshrl.u32 s7, $0x3  }
0xa: {  	s31 =	sshrl.u32 s8, $0x3;
	s8 =	simm.s32 $0x1;
	s7 =	sadd.s32 s10, s7  }
0xb: {  	s4 =	sadd.s32 $0x5E00, s6;
	s6 =	smax.u32 s9, $0x1;
	s9 =	simm.s32 $0x80  }
0xc: {  	s5 =	sadd.s32 $0x13800, s7;
	s7 =	sadd.s32 s31, s10;
	s10 =	simm.s32 $0x1400  }
.LBB2_1:
0xd: {  	[tilespmem:s2], [sflag:$0x1] =	stream.linear.gather [hbm4b:s4+s2], $0x1388, $0x38;
	[tilespmem:$0x5800] =	vst v63  }
0xe: {  	_ =	swait.ge [sflag:s8], $0x1388  }
0xf: {  	[sflag:s8] =	ssyncset.done $0x0  }
0x10: {  	s15 =	simm.s32 $0x0;
	[sflag:s8] =	ssyncadd.s32 $0xFFFFEC78  }
0x11: {  	[tilespmem:s10], [sflag:$0x1] =	stream.indirect.gather [hbm4b:s3+s9], $0x80, s15, s9, $0xb8;
	[tilespmem:$0x5800] =	vst v63  }
0x12: {  	_ =	swait.ge [sflag:s8], $0x4000  }
0x13: {  	[sflag:s8] =	ssyncset.done $0x0  }
0x14: {  	[sflag:s8] =	ssyncadd.s32 $0xFFFFC000  }
0x15: {  	[hbm4b:s7+s2] =	stream.linear.scatter [tilespmem:s10], [sflag:$0x1], $0x4000, $0x38;
	[tilespmem:$0x5800] =	vst v63  }
0x16: {  	s16 =	simm.s32 $0x200;
	_ =	swait.ge [sflag:s8], $0x4000  }
0x17: {  	s17 =	simm.s32 $0x400;
	s15 =	sadd.s32 $0x800, s7;
	[sflag:s8] =	ssyncset.done $0x0  }
.LBB2_2:
0x18: {  	s18 =	sshra.s32 s16, $0x2  }
0x19: {  	[sflag:s8] =	ssyncadd.s32 $0xFFFFC000;
	s16 =	smov.u32 s17;
	s19 =	sadd.s32 $0x200, s17  }
0x1a: {  	[tilespmem:s10], [sflag:$0x1] =	stream.indirect.gather [hbm4b:s3+s9], $0x80, s18, s9, $0xb8;
	[tilespmem:$0x5800] =	vst v63  }
0x1b: {  	p0 =	sne.s32 s17, $0x4C00;
	_ =	swait.ge [sflag:s8], $0x4000  }
.Ltmp0:
0x1c: {  	[sflag:s8] =	ssyncset.done $0x0;
	(pc) =	sbr.rel @p0 .LBB2_2-.Ltmp0, $4  }
0x1d: {  	[sflag:s8] =	ssyncadd.s32 $0xFFFFC000  }
0x1e: {  	[hbm4b:s15+s2] =	stream.linear.scatter [tilespmem:s10], [sflag:$0x1], $0x4000, $0x38;
	[tilespmem:$0x5800] =	vst v63  }
0x1f: {  	_ =	swait.ge [sflag:s8], $0x4000  }
0x20: {  	s17 =	smov.u32 s19;
	s15 =	sadd.s32 $0x800, s15;
	[sflag:s8] =	ssyncset.done $0x0  }
0x21: {  	s16 =	sshra.s32 s16, $0x2;
	[sflag:s8] =	ssyncadd.s32 $0xFFFFC000  }
0x22: {  	[tilespmem:s10], [sflag:$0x1] =	stream.indirect.gather [hbm4b:s3+s9], $0x80, s16, s9, $0xb8;
	[tilespmem:$0x5800] =	vst v63  }
0x23: {  	_ =	swait.ge [sflag:s8], $0x4000  }
0x24: {  	[sflag:s8] =	ssyncset.done $0x0  }
0x25: {  	[sflag:s8] =	ssyncadd.s32 $0xFFFFC000  }
0x26: {  	[hbm4b:s15+s2] =	stream.linear.scatter [tilespmem:s10], [sflag:$0x1], $0x4000, $0x38;
	[tilespmem:$0x5800] =	vst v63  }
0x27: {  	_ =	swait.ge [sflag:s8], $0x4000  }
0x28: {  	[sflag:s8] =	ssyncset.done $0x0  }
0x29: {  	[sflag:s8] =	ssyncadd.s32 $0xFFFFC000  }
0x2a: {  	[tilespmem:s13], [sflag:$0x1] =	stream.indirect.gather [hbm4b:s3+s11], $0x80, s12, s11, $0xb8;
	[tilespmem:$0x5800] =	vst v63  }
0x2b: {  	s14 =	sadd.s32 $0x1, s14;
	_ =	swait.ge [sflag:s8], $0x400  }
0x2c: {  	p0 =	sne.s32 s14, s6;
	[sflag:s8] =	ssyncset.done $0x0  }
.Ltmp1:
0x2d: {  	[sflag:s8] =	ssyncadd.s32 $0xFFFFFC00;
	(pc) =	sbr.rel @p0 .LBB2_1-.Ltmp1, $4  }
0x2e: {  	[hbm4b:s5+s2] =	stream.linear.scatter [tilespmem:s13], [sflag:$0x1], $0x400, $0x38;
	[tilespmem:$0x5800] =	vst v63  }
0x2f: {  	_ =	swait.ge [sflag:s8], $0x400  }
0x30: {  	[sflag:s8] =	ssyncset.done $0x0  }
0x31: {  	[sflag:s8] =	ssyncadd.s32 $0xFFFFFC00  }
0x32: {  	_ =	sfence.sel $0x180000  }
0x33: {  	[bflag:$0x0] =	sbarrier.arrive $0xFFFF  }
0x34: {  	p0 =	sne.s32 s0, $0x0;
	_ =	strace $0x9000004D  }
0x35: {  	s0 =	sadd.s32 @!p0 $0x100000, s1;
	[bflag:$0x2] =	sbarrier.arrive $0xFFFF  }
0x36: {  	[sflag:s0] =	ssyncadd.tile.s32 @!p0 $0x1;
	_ =	shalt  }
.Lfunc_end2:
_tile_overlayer_lowered:
.L_overlay_start_2:
0x37: {  	(tag) =	ssettag $0x2  }
0x38: {  	s0 =	rddreg [dreg:$0x0];
	s2 =	stileid.u32  }
0x39: {  	s1 =	rddreg [dreg:$0x1];
	p0 =	sne.s32 s2, $0x0  }
0x3a: {  	s3 =	rddreg [dreg:$0x2];
	[bflag:$0x3] =	sbarrier.arrive $0xFFFF;
	s2 =	simm.s32 @!p0 $0x1C01  }
0x3b: {  	[timem:s3], [sflag:s2] =	dma.local @!p0 [hbm:s0], s1  }
0x3c: {  	s0 =	simm.s32 @!p0 $0x1  }
0x3d: {  	_ =	swait.ge @!p0 [sflag:s0], s1  }
0x3e: {  	s1 =	ssub.s32 @!p0 $0x0, s1;
	[sflag:s0] =	ssyncset.done @!p0 $0x0  }
0x3f: {  	[sflag:s0] =	ssyncadd.s32 @!p0 s1  }
0x40: {  	[bflag:$0x3] =	sbarrier.arrive $0xFFFF  }
0x41: {  	_ =	shalt  }

// kernel: kernel.27.cloned.1.call-start
scs
__scs_entry_jumppad:
0x0: {  	(pc) =	sbr.rel $0x88, $3  }
0x1: {  	(tag) =	ssettag $0x0;
	lr =	simm.s32 $0x1  }
0x2: {  	[smem:$0x3F8C] =	sst lr;
	_ =	strace $0xD0000000  }
0x3: {  	_ = 	snop  }
0x4: {  	_ = 	snop  }
0x5: {  	_ = 	snop  }
0x6: {  	_ = 	snop  }
0x7: {  	_ = 	snop  }
__scs_overlays_trampoline_lowered:
0x8: {  	[smem:$0x3F9B] =	sst s0  }
0x9: {  	[smem:$0x3F9C] =	sst s1  }
0xa: {  	[smem:$0x3F9D] =	sst s2  }
0xb: {  	[smem:$0x3F9E] =	sst s3  }
0xc: {  	[smem:$0x3F9F] =	sst s4  }
0xd: {  	[smem:$0x3FA0] =	sst s5  }
0xe: {  	[smem:$0x3FA1] =	sst s6  }
0xf: {  	[smem:$0x3FA2] =	sst s7  }
0x10: {  	[smem:$0x3FA3] =	sst s8  }
0x11: {  	[smem:$0x3FA4] =	sst s9;
	s0 =	simm.s32 @!p0 $0x0  }
0x12: {  	s1 =	sld [smem:$0x3F8A];
	s0 =	simm.s32 @p0 $0x1  }
0x13: {  	[smem:$0x3FA5] =	sst s0;
	s0 =	simm.s32 @!p1 $0x0  }
0x14: {  	s2 =	sld [smem:$0x3F89];
	s0 =	simm.s32 @p1 $0x1  }
0x15: {  	[smem:$0x3FA6] =	sst s0;
	s0 =	simm.s32 @!p2 $0x0  }
0x16: {  	s3 =	sld [smem:$0x3FDB];
	s0 =	simm.s32 @p2 $0x1  }
0x17: {  	s4 =	simm.s32 $0x1BF5;
	[smem:$0x3FA8] =	sst s0  }
0x18: {  	s0 =	sld [smem:$0x3F8B];
	_ =	swait.ge [sflag:s4], $0x0  }
0x19: {  	s7 =	sld [smem:$0x3F8C]  }
0x1a: {  	s8 =	sadd.s32 $0xFFFFE003, lr  }
0x1b: {  	s9 =	sadd.s32 $0xFFFFFEF7, lr;
	s5 =	simm.s32 $0xFFFFFFFF;
	p2 =	slt.u32 s8, $0xFFFFF086  }
0x1c: {  	p1 =	slt.u32 s9, $0xF7A;
	s5 =	simm.s32 @!p2 $0x0  }
0x1d: {  	s5 =	simm.s32 @p1 $0x1;
	p0 =	seq.s32 s7, s2  }
0x1e: {  	s7 =	smul.u32 @!p0 $0xF7A, s2;
	p2 =	seq.s32 @!p0 s5, $0x0  }
0x1f: {  	s9 =	smul.u32 $0xF7A, s1;
	s8 =	simm.s32 @!p0 $0x1BF5;
	p2 =	por !p2, p0  }
0x20: {  	[sflag:s8] =	ssyncset.s32 @!p0 $0xFFFFF086;
	s6 =	sadd.s32 @!p0 s3, s7;
	s7 =	simm.s32 @!p0 $0x108  }
0x21: {  	s3 =	sadd.s32 s3, s9;
	s6 =	sadd.s32 @!p0 $0x88, s6;
	s7 =	simm.s32 @p2 $0x1082  }
0x22: {  	[simem:s7], [sflag:s8] =	dma.local @!p0 [hbm:s6], $0xF7A  }
0x23: {  	s9 =	sor.u32 $0xD0000000, s2;
	s6 =	simm.s32 $0x108;
	_ =	swait.ge @!p0 [sflag:s8], $0x0  }
0x24: {  	s3 =	sadd.s32 $0x88, s3;
	s6 =	simm.s32 @!p1 $0x1082;
	[sflag:s4] =	ssyncset.s32 $0xFFFFF086  }
0x25: {  	[simem:s6], [sflag:s4] =	dma.local [hbm:s3], $0xF7A  }
0x26: {  	[smem:$0x3F8C] =	sst s1;
	(tag) =	ssettag s2;
	_ =	strace s9  }
0x27: {  	s1 =	sld [smem:$0x3F9C]  }
0x28: {  	s2 =	sld [smem:$0x3F9D]  }
0x29: {  	s4 =	sld [smem:$0x3F9F]  }
0x2a: {  	p0 =	seq.s32 s5, $0x0;
	s5 =	sld [smem:$0x3FA0]  }
0x2b: {  	s6 =	sld [smem:$0x3FA1]  }
0x2c: {  	s7 =	sld [smem:$0x3FA2]  }
0x2d: {  	s3 =	simm.s32 $0x108;
	s8 =	sld [smem:$0x3FA3]  }
0x2e: {  	s3 =	simm.s32 @!p0 $0x1082;
	s9 =	sld [smem:$0x3FA4]  }
0x2f: {  	lr =	sadd.s32 s0, s3;
	s0 =	sld [smem:$0x3F9B]  }
0x30: {  	s3 =	sld [smem:$0x3F9E]  }
0x31: {  	[smem:$0x3FA7] =	sst s10  }
0x32: {  	s10 =	sld [smem:$0x3FA5];
	_ =	sdelay $0x3  }
0x33: {  	p0 =	seq.s32 s10, $0x1;
	s10 =	sld [smem:$0x3FA7];
	_ =	sdelay $0x3  }
0x34: {  	[smem:$0x3FA7] =	sst s10  }
0x35: {  	s10 =	sld [smem:$0x3FA6];
	_ =	sdelay $0x3  }
0x36: {  	p1 =	seq.s32 s10, $0x1;
	s10 =	sld [smem:$0x3FA7];
	_ =	sdelay $0x3  }
0x37: {  	[smem:$0x3FA7] =	sst s10  }
0x38: {  	s10 =	sld [smem:$0x3FA8]  }
0x39: {  	_ = 	snop;
	(pc) =	sbr.ind lr, $3  }
0x3a: {  	_ = 	snop  }
0x3b: {  	_ = 	snop  }
0x3c: {  	p2 =	seq.s32 s10, $0x1;
	s10 =	sld [smem:$0x3FA7]  }
0x3d: {  	_ =	shalt  }
0x3e: {  	_ =	shalt  }
0x3f: {  	_ =	shalt  }
0x40: {  	_ =	shalt  }
0x41: {  	_ =	shalt  }
0x42: {  	_ =	shalt  }
0x43: {  	_ =	shalt  }
0x44: {  	_ =	shalt  }
0x45: {  	_ =	shalt  }
0x46: {  	_ =	shalt  }
0x47: {  	_ =	shalt  }
0x48: {  	_ =	shalt  }
0x49: {  	_ =	shalt  }
0x4a: {  	_ =	shalt  }
0x4b: {  	_ =	shalt  }
0x4c: {  	_ =	shalt  }
0x4d: {  	_ =	shalt  }
0x4e: {  	_ =	shalt  }
0x4f: {  	_ =	shalt  }
0x50: {  	_ =	shalt  }
0x51: {  	_ =	shalt  }
0x52: {  	_ =	shalt  }
0x53: {  	_ =	shalt  }
0x54: {  	_ =	shalt  }
0x55: {  	_ =	shalt  }
0x56: {  	_ =	shalt  }
0x57: {  	_ =	shalt  }
0x58: {  	_ =	shalt  }
0x59: {  	_ =	shalt  }
0x5a: {  	_ =	shalt  }
0x5b: {  	_ =	shalt  }
0x5c: {  	_ =	shalt  }
0x5d: {  	_ =	shalt  }
0x5e: {  	_ =	shalt  }
0x5f: {  	_ =	shalt  }
0x60: {  	_ =	shalt  }
0x61: {  	_ =	shalt  }
0x62: {  	_ =	shalt  }
0x63: {  	_ =	shalt  }
0x64: {  	_ =	shalt  }
0x65: {  	_ =	shalt  }
0x66: {  	_ =	shalt  }
0x67: {  	_ =	shalt  }
0x68: {  	_ =	shalt  }
0x69: {  	_ =	shalt  }
0x6a: {  	_ =	shalt  }
0x6b: {  	_ =	shalt  }
0x6c: {  	_ =	shalt  }
0x6d: {  	_ =	shalt  }
0x6e: {  	_ =	shalt  }
0x6f: {  	_ =	shalt  }
0x70: {  	_ =	shalt  }
0x71: {  	_ =	shalt  }
0x72: {  	_ =	shalt  }
0x73: {  	_ =	shalt  }
0x74: {  	_ =	shalt  }
0x75: {  	_ =	shalt  }
0x76: {  	_ =	shalt  }
0x77: {  	_ =	shalt  }
0x78: {  	_ =	shalt  }
0x79: {  	_ =	shalt  }
0x7a: {  	_ =	shalt  }
0x7b: {  	_ =	shalt  }
0x7c: {  	_ =	shalt  }
0x7d: {  	_ =	shalt  }
0x7e: {  	_ =	shalt  }
0x7f: {  	_ =	shalt  }
0x80: {  	_ =	shalt  }
0x81: {  	_ =	shalt  }
0x82: {  	_ =	shalt  }
0x83: {  	_ =	shalt  }
0x84: {  	_ =	shalt  }
0x85: {  	_ =	shalt  }
0x86: {  	_ =	shalt  }
0x87: {  	_ =	shalt  }
.Lfunc_end0:
.L_simem_size_0:
called_computation.3_lowered:
.L_overlay_start_0:
0x88: {  	s2 =	sld [smem:$0x3FD9]  }
0x89: {  	s3 =	sld [smem:$0x3FFE];
	_ =	sdelay $0x1  }
0x8a: {  	s1 =	srdreg.scid  }
0x8b: {  	s0 =	sand.u32 $0x1, s1  }
0x8c: {  	s17 =	sshll.u32 s0, $0xA;
	s2 =	sadd.s32 s3, s2  }
0x8d: {  	s2 =	sadd.s32 s2, s17  }
0x8e: {  	[smem:$0x3FB3] =	sst s2  }
0x8f: {  	_ = 	snop  }
0x90: {  	s2 =	sld [smem:$0x3FD0];
	(tm) =	ssettm $0x1  }
0x91: {  	s18 =	sld [smem:$0x3FFB];
	_ =	sdelay $0x3  }
0x92: {  	_ =	strace s18  }
0x93: {  	s3 =	sld [smem:$0x3FFC];
	_ =	sdelay $0x3  }
0x94: {  	_ =	strace s3  }
0x95: {  	s3 =	sld [smem:$0x3FFD];
	_ =	sdelay $0x3  }
0x96: {  	_ =	strace s3  }
0x97: {  	_ =	strace $0x8FFFFFFF  }
0x98: {  	s19 =	sld [smem:$0x3FDB];
	_ =	sdelay $0x1  }
0x99: {  	s4 =	simm.s32 $_scs_section_size  }
0x9a: {  	s5 =	simm.s32 $_size__tile_overlayer_lowered;
	s6 =	simm.s32 $_tile_overlayer_lowered  }
0x9b: {  	s22 =	simm.s32 $0x1BFF;
	s21 =	sshll.u32 s6, $0x1;
	s3 =	sadd.s32 s4, s19  }
0x9c: {  	s7 =	simm.s32 $0x0;
	s20 =	sshll.u32 s5, $0x1;
	s5 =	sadd.s32 s21, s3  }
0x9d: {  	[timem:s7], [sflag:s22] =	dma.local [hbm:s5], s20  }
0x9e: {  	_ =	swait.ge [sflag:s22], s20  }
0x9f: {  	s4 =	ssub.s32 $0x0, s20;
	[sflag:s22] =	ssyncset.done $0x0  }
0xa0: {  	[sflag:s22] =	ssyncadd.s32 s4;
	_ =	sdelay $0x1  }
0xa1: {  	s23 =	simm.s32 $0x1B8B  }
0xa2: {  	_ =	swait.ge [sflag:s23], $0x1  }
0xa3: {  	[sflag:s23] =	ssyncset.done $0x0  }
0xa4: {  	s25 =	simm.s32 $0x1B8E;
	s24 =	sld [smem:$0x3FFE];
	[sflag:s23] =	ssyncadd.s32 $0xFFFFFFFF  }
0xa5: {  	s26 =	simm.s32 $execute0_lowered;
	[smem:$0x3FD2] =	sst s25  }
0xa6: {  	s5 =	sshll.u32 s26, $0x1;
	_ =	strace $0x8000004F;
	[dreg:$0x1] =	wrdreg $0xFFFFFFFF  }
0xa7: {  	s28 =	simm.s32 $_size_execute0_lowered;
	s3 =	sadd.s32 s3, s5;
	[dreg:$0x0] =	wrdreg $0x0  }
0xa8: {  	s5 =	sshll.u32 s28, $0x1;
	[dreg:$0x2] =	wrdreg s3  }
0xa9: {  	[dreg:$0x3] =	wrdreg s5  }
0xaa: {  	[dreg:$0x4] =	wrdreg $0xC0  }
0xab: {  	_ =	task [dreg:s7], $0x5FFFF  }
0xac: {  	[dreg:$0x1] =	wrdreg $0xFFFFFFFF  }
0xad: {  	[dreg:$0x0] =	wrdreg $0x60  }
0xae: {  	[dreg:$0x2] =	wrdreg s24  }
0xaf: {  	[dreg:$0x3] =	wrdreg s2  }
0xb0: {  	[dreg:$0x4] =	wrdreg $0x68000  }
0xb1: {  	[dreg:$0x5] =	wrdreg $0x9  }
0xb2: {  	_ =	task.clear_ibuf [dreg:s7], $0x6FFFF;
	_ =	strace $0x9000004F  }
0xb3: {  	s29 =	simm.s32 $0x9;
	_ =	strace $0x80000051  }
0xb4: {  	_ =	swait.ge [sflag:s29], $0x1  }
0xb5: {  	[sflag:s29] =	ssyncadd.s32 $0xFFFFFFFF  }
0xb6: {  	_ =	strace $0x90000051  }
0xb7: {  	_ =	sfence  }
0xb8: {  	s30 =	sld [smem:$0x0];
	_ =	sdelay $0x2  }
0xb9: {  	s31 =	sshll.u32 s1, $0xD;
	s1 =	sshrl.u32 s1, $0x2  }
0xba: {  	s3 =	sand.u32 $0x4000, s31;
	s1 =	sadd.s32 s1, s30  }
0xbb: {  	s0 =	sor.u32 s3, s0;
	s1 =	sshll.u32 s1, $0x11  }
0xbc: {  	s0 =	sor.u32 s1, s0  }
0xbd: {  	s0 =	sadd.s32 $0x8F2B, s0  }
0xbe: {  	[sflag:s0] =	ssyncadd.remote.s32 $0x1  }
0xbf: {  	_ =	sfence.sel $0xFFFF  }
0xc0: {  	[dreg:$0x0] =	wrdreg $0xFFFFFFFF;
	(pc) =	sbr.abs _section_cstart, $3  }
0xc1: {  	[dreg:$0x1] =	wrdreg $0xFFFFFFFF  }
0xc2: {  	_ =	task.clear_ibuf [dreg:s7], $0x2FFFF;
	_ =	strace $0x9FFFFFFF  }
0xc3: {  	(tm) =	ssettm $0x7FFFFFFF  }
tec
execute0_lowered:
.L_overlay_start_1:
0x0: {  	(tag) =	ssettag $0x1  }
0x1: {  	s0 =	srdreg.scid  }
0x2: {  	s4 =	rddreg [dreg:$0x0];
	s7 =	stileid.u32  }
0x3: {  	s6 =	rddreg [dreg:$0x1];
	s8 =	smul.u32 $0x140000, s7  }
0x4: {  	s1 =	rddreg [dreg:$0x2];
	s2 =	simm.s32 $0x0;
	s9 =	smul.u32 $0x50, s7  }
0x5: {  	s5 =	sand.u32 $0x1, s0;
	s0 =	rddreg [dreg:$0x3];
	s12 =	smul.u32 $0x500, s7  }
0x6: {  	[smem:$0x7FF] =	sst s2;
	s3 =	smul.u32 $0x1388000, s5  }
0x7: {  	p0 =	sne.s32 s7, $0x0;
	s10 =	smul.u32 $0x27100, s5;
	s5 =	ssub.s32 $0x2, s5  }
0x8: {  	_ =	strace $0x80000050;
	s11 =	sshrl.u32 s5, $0x1;
	s9 =	ssub.s32 $0x4E2, s9  }
0x9: {  	s3 =	sadd.s32 s8, s3;
	s10 =	sadd.s32 s10, s4;
	s11 =	ssub.s32 s5, s11  }
0xa: {  	s5 =	sadd.s32 s6, s12;
	s12 =	simm.s32 $0x0;
	s3 =	sshrl.u32 s3, $0x3  }
0xb: {  	s6 =	sadd.s32 $0xADA00, s10;
	s7 =	smax.u32 s11, $0x1;
	s10 =	simm.s32 $0x1  }
0xc: {  	s11 =	simm.s32 $0x80;
	s31 =	sadd.s32 s3, s4;
	s3 =	sadd.s32 $0x280E00, s4  }
0xd: {  	s4 =	smin.u32 s9, $0x50;
	s9 =	sshrl.u32 @!p0 s1, $0x3;
	s8 =	sadd.s32 $0x78A000, s31  }
.LBB2_1:
0xe: {  	s14 =	simm.s32 @!p0 $0x1C01;
	s13 =	simm.s32 @!p0 $0x1  }
0xf: {  	[spmem:s9], [sflag:s14] =	dma.local @!p0 [hbm:s3], $0x27100  }
0x10: {  	_ =	swait.ge @!p0 [sflag:s13], $0x27100  }
0x11: {  	[sflag:s13] =	ssyncset.done @!p0 $0x0  }
0x12: {  	[sflag:s13] =	ssyncadd.s32 @!p0 $0xFFFD8F00  }
0x13: {  	s15 =	simm.s32 $0x4000;
	[bflag:$0x0] =	sbarrier.arrive $0xFFFF  }
0x14: {  	[tilespmem:s15], [sflag:$0x1] =	stream.linear.gather [hbm4b:s5+s2], $0x2800, $0x38;
	[tilespmem:$0x1A080] =	vst v63  }
0x15: {  	_ =	swait.ge [sflag:s10], $0x2800  }
0x16: {  	[sflag:s10] =	ssyncset.done $0x0  }
0x17: {  	[sflag:s10] =	ssyncadd.s32 $0xFFFFD800  }
0x18: {  	[tilespmem:s2], [sflag:$0x1] =	stream.linear.gather [hbm4b:s8+s2], $0x4000, $0x38;
	[tilespmem:$0x1A080] =	vst v63  }
0x19: {  	p1 =	sne.s32 s4, $0x1;
	_ =	swait.ge [sflag:s10], $0x4000  }
.Ltmp0:
0x1a: {  	[sflag:s10] =	ssyncset.done $0x0;
	(pc) =	sbr.rel @!p1 .LBB2_3-.Ltmp0, $4  }
0x1b: {  	[sflag:s10] =	ssyncadd.s32 $0xFFFFC000  }
0x1c: {  	[spmem:s1] =	stream.indirect.scatter.add.f32 [tilespmem:s2], [sflag:$0x1], $0x80, s15, s11, $0xb8;
	[tilespmem:$0x1A080] =	vst v63  }
0x1d: {  	_ =	swait.ge [sflag:s10], $0x4000  }
0x1e: {  	s16 =	sadd.s32 $0xFFFFFFFF, s4;
	s17 =	smov.u32 s8;
	[sflag:s10] =	ssyncset.done $0x0  }
.LBB2_2:
0x1f: {  	[sflag:s10] =	ssyncadd.s32 $0xFFFFC000;
	s15 =	sadd.s32 $0x80, s15;
	s17 =	sadd.s32 $0x800, s17  }
0x20: {  	[tilespmem:s2], [sflag:$0x1] =	stream.linear.gather [hbm4b:s17+s2], $0x4000, $0x38;
	[tilespmem:$0x1A080] =	vst v63  }
0x21: {  	p1 =	sne.s32 s16, $0x1;
	s16 =	sadd.s32 $0xFFFFFFFF, s16;
	_ =	swait.ge [sflag:s10], $0x4000  }
.Ltmp1:
0x22: {  	[sflag:s10] =	ssyncset.done $0x0;
	(pc) =	sbr.rel @p1 .LBB2_2-.Ltmp1, $4  }
0x23: {  	[sflag:s10] =	ssyncadd.s32 $0xFFFFC000  }
0x24: {  	[spmem:s1] =	stream.indirect.scatter.add.f32 [tilespmem:s2], [sflag:$0x1], $0x80, s15, s11, $0xb8;
	[tilespmem:$0x1A080] =	vst v63  }
0x25: {  	_ =	swait.ge [sflag:s10], $0x4000  }
0x26: {  	[sflag:s10] =	ssyncset.done $0x0  }
.LBB2_3:
0x27: {  	s12 =	sadd.s32 $0x1, s12  }
0x28: {  	[sflag:s10] =	ssyncadd.s32 $0xFFFFC000;
	p1 =	sne.s32 s12, s7  }
.Ltmp2:
0x29: {  	[bflag:$0x0] =	sbarrier.arrive $0xFFFF;
	(pc) =	sbr.rel @p1 .LBB2_1-.Ltmp2, $4  }
0x2a: {  	[hbm:s6], [sflag:s14] =	dma.local @!p0 [spmem:s9], $0x27100  }
0x2b: {  	_ =	swait.ge @!p0 [sflag:s13], $0x27100  }
0x2c: {  	[sflag:s13] =	ssyncset.done @!p0 $0x0  }
0x2d: {  	[sflag:s13] =	ssyncadd.s32 @!p0 $0xFFFD8F00  }
0x2e: {  	_ =	sfence.sel $0x180000  }
0x2f: {  	[bflag:$0x0] =	sbarrier.arrive $0xFFFF  }
0x30: {  	_ =	strace $0x90000050  }
0x31: {  	s0 =	sadd.s32 @!p0 $0x100000, s0;
	[bflag:$0x2] =	sbarrier.arrive $0xFFFF  }
0x32: {  	[sflag:s0] =	ssyncadd.tile.s32 @!p0 $0x1;
	_ =	shalt  }
.Lfunc_end2:
_tile_overlayer_lowered:
.L_overlay_start_2:
0x33: {  	(tag) =	ssettag $0x2  }
0x34: {  	s0 =	rddreg [dreg:$0x0];
	s2 =	stileid.u32  }
0x35: {  	s1 =	rddreg [dreg:$0x1];
	p0 =	sne.s32 s2, $0x0  }
0x36: {  	s3 =	rddreg [dreg:$0x2];
	[bflag:$0x3] =	sbarrier.arrive $0xFFFF;
	s2 =	simm.s32 @!p0 $0x1C01  }
0x37: {  	[timem:s3], [sflag:s2] =	dma.local @!p0 [hbm:s0], s1  }
0x38: {  	s0 =	simm.s32 @!p0 $0x1  }
0x39: {  	_ =	swait.ge @!p0 [sflag:s0], s1  }
0x3a: {  	s1 =	ssub.s32 @!p0 $0x0, s1;
	[sflag:s0] =	ssyncset.done @!p0 $0x0  }
0x3b: {  	[sflag:s0] =	ssyncadd.s32 @!p0 s1  }
0x3c: {  	[bflag:$0x3] =	sbarrier.arrive $0xFFFF  }
0x3d: {  	_ =	shalt  }

// kernel: kernel.30.cloned.1.call-start
scs
__scs_entry_jumppad:
0x0: {  	(pc) =	sbr.rel $0x88, $3  }
0x1: {  	(tag) =	ssettag $0x0;
	lr =	simm.s32 $0x1  }
0x2: {  	[smem:$0x3F8C] =	sst lr;
	_ =	strace $0xD0000000  }
0x3: {  	_ = 	snop  }
0x4: {  	_ = 	snop  }
0x5: {  	_ = 	snop  }
0x6: {  	_ = 	snop  }
0x7: {  	_ = 	snop  }
__scs_overlays_trampoline_lowered:
0x8: {  	[smem:$0x3F9B] =	sst s0  }
0x9: {  	[smem:$0x3F9C] =	sst s1  }
0xa: {  	[smem:$0x3F9D] =	sst s2  }
0xb: {  	[smem:$0x3F9E] =	sst s3  }
0xc: {  	[smem:$0x3F9F] =	sst s4  }
0xd: {  	[smem:$0x3FA0] =	sst s5  }
0xe: {  	[smem:$0x3FA1] =	sst s6  }
0xf: {  	[smem:$0x3FA2] =	sst s7  }
0x10: {  	[smem:$0x3FA3] =	sst s8  }
0x11: {  	[smem:$0x3FA4] =	sst s9;
	s0 =	simm.s32 @!p0 $0x0  }
0x12: {  	s1 =	sld [smem:$0x3F8A];
	s0 =	simm.s32 @p0 $0x1  }
0x13: {  	[smem:$0x3FA5] =	sst s0;
	s0 =	simm.s32 @!p1 $0x0  }
0x14: {  	s2 =	sld [smem:$0x3F89];
	s0 =	simm.s32 @p1 $0x1  }
0x15: {  	[smem:$0x3FA6] =	sst s0;
	s0 =	simm.s32 @!p2 $0x0  }
0x16: {  	s3 =	sld [smem:$0x3FDB];
	s0 =	simm.s32 @p2 $0x1  }
0x17: {  	s4 =	simm.s32 $0x1BF5;
	[smem:$0x3FA8] =	sst s0  }
0x18: {  	s0 =	sld [smem:$0x3F8B];
	_ =	swait.ge [sflag:s4], $0x0  }
0x19: {  	s7 =	sld [smem:$0x3F8C]  }
0x1a: {  	s8 =	sadd.s32 $0xFFFFE003, lr  }
0x1b: {  	s9 =	sadd.s32 $0xFFFFFEF7, lr;
	s5 =	simm.s32 $0xFFFFFFFF;
	p2 =	slt.u32 s8, $0xFFFFF086  }
0x1c: {  	p1 =	slt.u32 s9, $0xF7A;
	s5 =	simm.s32 @!p2 $0x0  }
0x1d: {  	s5 =	simm.s32 @p1 $0x1;
	p0 =	seq.s32 s7, s2  }
0x1e: {  	s7 =	smul.u32 @!p0 $0xF7A, s2;
	p2 =	seq.s32 @!p0 s5, $0x0  }
0x1f: {  	s9 =	smul.u32 $0xF7A, s1;
	s8 =	simm.s32 @!p0 $0x1BF5;
	p2 =	por !p2, p0  }
0x20: {  	[sflag:s8] =	ssyncset.s32 @!p0 $0xFFFFF086;
	s6 =	sadd.s32 @!p0 s3, s7;
	s7 =	simm.s32 @!p0 $0x108  }
0x21: {  	s3 =	sadd.s32 s3, s9;
	s6 =	sadd.s32 @!p0 $0x88, s6;
	s7 =	simm.s32 @p2 $0x1082  }
0x22: {  	[simem:s7], [sflag:s8] =	dma.local @!p0 [hbm:s6], $0xF7A  }
0x23: {  	s9 =	sor.u32 $0xD0000000, s2;
	s6 =	simm.s32 $0x108;
	_ =	swait.ge @!p0 [sflag:s8], $0x0  }
0x24: {  	s3 =	sadd.s32 $0x88, s3;
	s6 =	simm.s32 @!p1 $0x1082;
	[sflag:s4] =	ssyncset.s32 $0xFFFFF086  }
0x25: {  	[simem:s6], [sflag:s4] =	dma.local [hbm:s3], $0xF7A  }
0x26: {  	[smem:$0x3F8C] =	sst s1;
	(tag) =	ssettag s2;
	_ =	strace s9  }
0x27: {  	s1 =	sld [smem:$0x3F9C]  }
0x28: {  	s2 =	sld [smem:$0x3F9D]  }
0x29: {  	s4 =	sld [smem:$0x3F9F]  }
0x2a: {  	p0 =	seq.s32 s5, $0x0;
	s5 =	sld [smem:$0x3FA0]  }
0x2b: {  	s6 =	sld [smem:$0x3FA1]  }
0x2c: {  	s7 =	sld [smem:$0x3FA2]  }
0x2d: {  	s3 =	simm.s32 $0x108;
	s8 =	sld [smem:$0x3FA3]  }
0x2e: {  	s3 =	simm.s32 @!p0 $0x1082;
	s9 =	sld [smem:$0x3FA4]  }
0x2f: {  	lr =	sadd.s32 s0, s3;
	s0 =	sld [smem:$0x3F9B]  }
0x30: {  	s3 =	sld [smem:$0x3F9E]  }
0x31: {  	[smem:$0x3FA7] =	sst s10  }
0x32: {  	s10 =	sld [smem:$0x3FA5];
	_ =	sdelay $0x3  }
0x33: {  	p0 =	seq.s32 s10, $0x1;
	s10 =	sld [smem:$0x3FA7];
	_ =	sdelay $0x3  }
0x34: {  	[smem:$0x3FA7] =	sst s10  }
0x35: {  	s10 =	sld [smem:$0x3FA6];
	_ =	sdelay $0x3  }
0x36: {  	p1 =	seq.s32 s10, $0x1;
	s10 =	sld [smem:$0x3FA7];
	_ =	sdelay $0x3  }
0x37: {  	[smem:$0x3FA7] =	sst s10  }
0x38: {  	s10 =	sld [smem:$0x3FA8]  }
0x39: {  	_ = 	snop;
	(pc) =	sbr.ind lr, $3  }
0x3a: {  	_ = 	snop  }
0x3b: {  	_ = 	snop  }
0x3c: {  	p2 =	seq.s32 s10, $0x1;
	s10 =	sld [smem:$0x3FA7]  }
0x3d: {  	_ =	shalt  }
0x3e: {  	_ =	shalt  }
0x3f: {  	_ =	shalt  }
0x40: {  	_ =	shalt  }
0x41: {  	_ =	shalt  }
0x42: {  	_ =	shalt  }
0x43: {  	_ =	shalt  }
0x44: {  	_ =	shalt  }
0x45: {  	_ =	shalt  }
0x46: {  	_ =	shalt  }
0x47: {  	_ =	shalt  }
0x48: {  	_ =	shalt  }
0x49: {  	_ =	shalt  }
0x4a: {  	_ =	shalt  }
0x4b: {  	_ =	shalt  }
0x4c: {  	_ =	shalt  }
0x4d: {  	_ =	shalt  }
0x4e: {  	_ =	shalt  }
0x4f: {  	_ =	shalt  }
0x50: {  	_ =	shalt  }
0x51: {  	_ =	shalt  }
0x52: {  	_ =	shalt  }
0x53: {  	_ =	shalt  }
0x54: {  	_ =	shalt  }
0x55: {  	_ =	shalt  }
0x56: {  	_ =	shalt  }
0x57: {  	_ =	shalt  }
0x58: {  	_ =	shalt  }
0x59: {  	_ =	shalt  }
0x5a: {  	_ =	shalt  }
0x5b: {  	_ =	shalt  }
0x5c: {  	_ =	shalt  }
0x5d: {  	_ =	shalt  }
0x5e: {  	_ =	shalt  }
0x5f: {  	_ =	shalt  }
0x60: {  	_ =	shalt  }
0x61: {  	_ =	shalt  }
0x62: {  	_ =	shalt  }
0x63: {  	_ =	shalt  }
0x64: {  	_ =	shalt  }
0x65: {  	_ =	shalt  }
0x66: {  	_ =	shalt  }
0x67: {  	_ =	shalt  }
0x68: {  	_ =	shalt  }
0x69: {  	_ =	shalt  }
0x6a: {  	_ =	shalt  }
0x6b: {  	_ =	shalt  }
0x6c: {  	_ =	shalt  }
0x6d: {  	_ =	shalt  }
0x6e: {  	_ =	shalt  }
0x6f: {  	_ =	shalt  }
0x70: {  	_ =	shalt  }
0x71: {  	_ =	shalt  }
0x72: {  	_ =	shalt  }
0x73: {  	_ =	shalt  }
0x74: {  	_ =	shalt  }
0x75: {  	_ =	shalt  }
0x76: {  	_ =	shalt  }
0x77: {  	_ =	shalt  }
0x78: {  	_ =	shalt  }
0x79: {  	_ =	shalt  }
0x7a: {  	_ =	shalt  }
0x7b: {  	_ =	shalt  }
0x7c: {  	_ =	shalt  }
0x7d: {  	_ =	shalt  }
0x7e: {  	_ =	shalt  }
0x7f: {  	_ =	shalt  }
0x80: {  	_ =	shalt  }
0x81: {  	_ =	shalt  }
0x82: {  	_ =	shalt  }
0x83: {  	_ =	shalt  }
0x84: {  	_ =	shalt  }
0x85: {  	_ =	shalt  }
0x86: {  	_ =	shalt  }
0x87: {  	_ =	shalt  }
.Lfunc_end0:
.L_simem_size_0:
called_computation.4_lowered:
.L_overlay_start_0:
0x88: {  	s2 =	sld [smem:$0x3FD9]  }
0x89: {  	s3 =	sld [smem:$0x3FFE];
	_ =	sdelay $0x1  }
0x8a: {  	s1 =	srdreg.scid  }
0x8b: {  	s0 =	sand.u32 $0x1, s1  }
0x8c: {  	s16 =	sshll.u32 s0, $0xA;
	s2 =	sadd.s32 s3, s2  }
0x8d: {  	s2 =	sadd.s32 s2, s16  }
0x8e: {  	[smem:$0x3FB3] =	sst s2  }
0x8f: {  	_ = 	snop  }
0x90: {  	(tm) =	ssettm $0x1  }
0x91: {  	s17 =	sld [smem:$0x3FFB];
	_ =	sdelay $0x3  }
0x92: {  	_ =	strace s17  }
0x93: {  	s2 =	sld [smem:$0x3FFC];
	_ =	sdelay $0x3  }
0x94: {  	_ =	strace s2  }
0x95: {  	s2 =	sld [smem:$0x3FFD];
	_ =	sdelay $0x3  }
0x96: {  	_ =	strace s2  }
0x97: {  	_ =	strace $0x8FFFFFFF  }
0x98: {  	s18 =	sld [smem:$0x3FDB];
	_ =	sdelay $0x1  }
0x99: {  	s19 =	simm.s32 $_scs_section_size  }
0x9a: {  	s4 =	simm.s32 $_size__tile_overlayer_lowered;
	s5 =	simm.s32 $_tile_overlayer_lowered  }
0x9b: {  	s22 =	simm.s32 $0x1BFF;
	s21 =	sshll.u32 s5, $0x1;
	s2 =	sadd.s32 s19, s18  }
0x9c: {  	s6 =	simm.s32 $0x0;
	s20 =	sshll.u32 s4, $0x1;
	s4 =	sadd.s32 s21, s2  }
0x9d: {  	[timem:s6], [sflag:s22] =	dma.local [hbm:s4], s20  }
0x9e: {  	_ =	swait.ge [sflag:s22], s20  }
0x9f: {  	s3 =	ssub.s32 $0x0, s20;
	[sflag:s22] =	ssyncset.done $0x0  }
0xa0: {  	[sflag:s22] =	ssyncadd.s32 s3;
	_ =	sdelay $0x1  }
0xa1: {  	s23 =	simm.s32 $0x1B8B  }
0xa2: {  	_ =	swait.ge [sflag:s23], $0x1  }
0xa3: {  	[sflag:s23] =	ssyncset.done $0x0  }
0xa4: {  	s25 =	simm.s32 $0x1B8E;
	s24 =	sld [smem:$0x3FFE];
	[sflag:s23] =	ssyncadd.s32 $0xFFFFFFFF  }
0xa5: {  	s26 =	simm.s32 $execute0_lowered;
	[smem:$0x3FD2] =	sst s25  }
0xa6: {  	s4 =	sshll.u32 s26, $0x1;
	_ =	strace $0x80000052;
	[dreg:$0x1] =	wrdreg $0xFFFFFFFF  }
0xa7: {  	s28 =	simm.s32 $_size_execute0_lowered;
	s2 =	sadd.s32 s2, s4;
	[dreg:$0x0] =	wrdreg $0x0  }
0xa8: {  	s4 =	sshll.u32 s28, $0x1;
	[dreg:$0x2] =	wrdreg s2  }
0xa9: {  	[dreg:$0x3] =	wrdreg s4  }
0xaa: {  	[dreg:$0x4] =	wrdreg $0xC0  }
0xab: {  	_ =	task [dreg:s6], $0x5FFFF  }
0xac: {  	[dreg:$0x1] =	wrdreg $0xFFFFFFFF  }
0xad: {  	[dreg:$0x0] =	wrdreg $0x60  }
0xae: {  	[dreg:$0x2] =	wrdreg s24  }
0xaf: {  	[dreg:$0x3] =	wrdreg $0x9  }
0xb0: {  	_ =	task.clear_ibuf [dreg:s6], $0x4FFFF;
	_ =	strace $0x90000052  }
0xb1: {  	s29 =	simm.s32 $0x9;
	_ =	strace $0x80000054  }
0xb2: {  	_ =	swait.ge [sflag:s29], $0x1  }
0xb3: {  	[sflag:s29] =	ssyncadd.s32 $0xFFFFFFFF  }
0xb4: {  	_ =	strace $0x90000054  }
0xb5: {  	_ =	sfence  }
0xb6: {  	s30 =	sld [smem:$0x0];
	_ =	sdelay $0x2  }
0xb7: {  	s31 =	sshll.u32 s1, $0xD;
	s1 =	sshrl.u32 s1, $0x2  }
0xb8: {  	s3 =	sand.u32 $0x4000, s31;
	s1 =	sadd.s32 s1, s30  }
0xb9: {  	s0 =	sor.u32 s3, s0;
	s1 =	sshll.u32 s1, $0x11  }
0xba: {  	s0 =	sor.u32 s1, s0  }
0xbb: {  	s0 =	sadd.s32 $0x8F2B, s0  }
0xbc: {  	[sflag:s0] =	ssyncadd.remote.s32 $0x1  }
0xbd: {  	_ =	sfence.sel $0xFFFF  }
0xbe: {  	[dreg:$0x0] =	wrdreg $0xFFFFFFFF;
	(pc) =	sbr.abs _section_cstart, $3  }
0xbf: {  	[dreg:$0x1] =	wrdreg $0xFFFFFFFF  }
0xc0: {  	_ =	task.clear_ibuf [dreg:s6], $0x2FFFF;
	_ =	strace $0x9FFFFFFF  }
0xc1: {  	(tm) =	ssettm $0x7FFFFFFF  }
tec
execute0_lowered:
.L_overlay_start_1:
0x0: {  	(tag) =	ssettag $0x1  }
0x1: {  	s1 =	srdreg.scid;
	s0 =	stileid.u32  }
0x2: {  	s4 =	rddreg [dreg:$0x0];
	s2 =	simm.s32 $0x0;
	s11 =	simm.s32 $0x8  }
0x3: {  	s12 =	simm.s32 $0x1380;
	s13 =	simm.s32 $0x5400;
	s5 =	sand.u32 $0x1, s1  }
0x4: {  	s3 =	sshll.u32 s0, $0x1;
	s1 =	rddreg [dreg:$0x1];
	s8 =	smul.u32 $0x138800, s0  }
0x5: {  	s3 =	sor.u32 s5, s3;
	s9 =	ssub.s32 $0x2, s5;
	s5 =	smul.u32 $0x9C400, s5  }
0x6: {  	s14 =	simm.s32 $0x0;
	[smem:$0x7FF] =	sst s2;
	s6 =	smul.u32 $0x271, s3  }
0x7: {  	s10 =	sadd.s32 $0x2A8000, s4;
	s7 =	smul.u32 $0x9C400, s3;
	s30 =	sshrl.u32 s9, $0x1  }
0x8: {  	_ =	strace $0x80000053;
	s3 =	sadd.s32 $0x38600, s4;
	s9 =	ssub.s32 s9, s30  }
0x9: {  	s8 =	sadd.s32 s5, s8;
	s6 =	sadd.s32 s6, s4;
	s7 =	sshrl.u32 s7, $0x3  }
0xa: {  	s31 =	sshrl.u32 s8, $0x3;
	s8 =	simm.s32 $0x1;
	s7 =	sadd.s32 s10, s7  }
0xb: {  	s4 =	sadd.s32 $0x5E00, s6;
	s6 =	smax.u32 s9, $0x1;
	s9 =	simm.s32 $0x80  }
0xc: {  	s5 =	sadd.s32 $0x13800, s7;
	s7 =	sadd.s32 s31, s10;
	s10 =	simm.s32 $0x1400  }
.LBB2_1:
0xd: {  	[tilespmem:s2], [sflag:$0x1] =	stream.linear.gather [hbm4b:s4+s2], $0x1388, $0x38;
	[tilespmem:$0x5800] =	vst v63  }
0xe: {  	_ =	swait.ge [sflag:s8], $0x1388  }
0xf: {  	[sflag:s8] =	ssyncset.done $0x0  }
0x10: {  	s15 =	simm.s32 $0x0;
	[sflag:s8] =	ssyncadd.s32 $0xFFFFEC78  }
0x11: {  	[tilespmem:s10], [sflag:$0x1] =	stream.indirect.gather [hbm4b:s3+s9], $0x80, s15, s9, $0xb8;
	[tilespmem:$0x5800] =	vst v63  }
0x12: {  	_ =	swait.ge [sflag:s8], $0x4000  }
0x13: {  	[sflag:s8] =	ssyncset.done $0x0  }
0x14: {  	[sflag:s8] =	ssyncadd.s32 $0xFFFFC000  }
0x15: {  	[hbm4b:s7+s2] =	stream.linear.scatter [tilespmem:s10], [sflag:$0x1], $0x4000, $0x38;
	[tilespmem:$0x5800] =	vst v63  }
0x16: {  	s16 =	simm.s32 $0x200;
	_ =	swait.ge [sflag:s8], $0x4000  }
0x17: {  	s17 =	simm.s32 $0x400;
	s15 =	sadd.s32 $0x800, s7;
	[sflag:s8] =	ssyncset.done $0x0  }
.LBB2_2:
0x18: {  	s18 =	sshra.s32 s16, $0x2  }
0x19: {  	[sflag:s8] =	ssyncadd.s32 $0xFFFFC000;
	s16 =	smov.u32 s17;
	s19 =	sadd.s32 $0x200, s17  }
0x1a: {  	[tilespmem:s10], [sflag:$0x1] =	stream.indirect.gather [hbm4b:s3+s9], $0x80, s18, s9, $0xb8;
	[tilespmem:$0x5800] =	vst v63  }
0x1b: {  	p0 =	sne.s32 s17, $0x4C00;
	_ =	swait.ge [sflag:s8], $0x4000  }
.Ltmp0:
0x1c: {  	[sflag:s8] =	ssyncset.done $0x0;
	(pc) =	sbr.rel @p0 .LBB2_2-.Ltmp0, $4  }
0x1d: {  	[sflag:s8] =	ssyncadd.s32 $0xFFFFC000  }
0x1e: {  	[hbm4b:s15+s2] =	stream.linear.scatter [tilespmem:s10], [sflag:$0x1], $0x4000, $0x38;
	[tilespmem:$0x5800] =	vst v63  }
0x1f: {  	_ =	swait.ge [sflag:s8], $0x4000  }
0x20: {  	s17 =	smov.u32 s19;
	s15 =	sadd.s32 $0x800, s15;
	[sflag:s8] =	ssyncset.done $0x0  }
0x21: {  	s16 =	sshra.s32 s16, $0x2;
	[sflag:s8] =	ssyncadd.s32 $0xFFFFC000  }
0x22: {  	[tilespmem:s10], [sflag:$0x1] =	stream.indirect.gather [hbm4b:s3+s9], $0x80, s16, s9, $0xb8;
	[tilespmem:$0x5800] =	vst v63  }
0x23: {  	_ =	swait.ge [sflag:s8], $0x4000  }
0x24: {  	[sflag:s8] =	ssyncset.done $0x0  }
0x25: {  	[sflag:s8] =	ssyncadd.s32 $0xFFFFC000  }
0x26: {  	[hbm4b:s15+s2] =	stream.linear.scatter [tilespmem:s10], [sflag:$0x1], $0x4000, $0x38;
	[tilespmem:$0x5800] =	vst v63  }
0x27: {  	_ =	swait.ge [sflag:s8], $0x4000  }
0x28: {  	[sflag:s8] =	ssyncset.done $0x0  }
0x29: {  	[sflag:s8] =	ssyncadd.s32 $0xFFFFC000  }
0x2a: {  	[tilespmem:s13], [sflag:$0x1] =	stream.indirect.gather [hbm4b:s3+s11], $0x80, s12, s11, $0xb8;
	[tilespmem:$0x5800] =	vst v63  }
0x2b: {  	s14 =	sadd.s32 $0x1, s14;
	_ =	swait.ge [sflag:s8], $0x400  }
0x2c: {  	p0 =	sne.s32 s14, s6;
	[sflag:s8] =	ssyncset.done $0x0  }
.Ltmp1:
0x2d: {  	[sflag:s8] =	ssyncadd.s32 $0xFFFFFC00;
	(pc) =	sbr.rel @p0 .LBB2_1-.Ltmp1, $4  }
0x2e: {  	[hbm4b:s5+s2] =	stream.linear.scatter [tilespmem:s13], [sflag:$0x1], $0x400, $0x38;
	[tilespmem:$0x5800] =	vst v63  }
0x2f: {  	_ =	swait.ge [sflag:s8], $0x400  }
0x30: {  	[sflag:s8] =	ssyncset.done $0x0  }
0x31: {  	[sflag:s8] =	ssyncadd.s32 $0xFFFFFC00  }
0x32: {  	_ =	sfence.sel $0x180000  }
0x33: {  	[bflag:$0x0] =	sbarrier.arrive $0xFFFF  }
0x34: {  	p0 =	sne.s32 s0, $0x0;
	_ =	strace $0x90000053  }
0x35: {  	s0 =	sadd.s32 @!p0 $0x100000, s1;
	[bflag:$0x2] =	sbarrier.arrive $0xFFFF  }
0x36: {  	[sflag:s0] =	ssyncadd.tile.s32 @!p0 $0x1;
	_ =	shalt  }
.Lfunc_end2:
_tile_overlayer_lowered:
.L_overlay_start_2:
0x37: {  	(tag) =	ssettag $0x2  }
0x38: {  	s0 =	rddreg [dreg:$0x0];
	s2 =	stileid.u32  }
0x39: {  	s1 =	rddreg [dreg:$0x1];
	p0 =	sne.s32 s2, $0x0  }
0x3a: {  	s3 =	rddreg [dreg:$0x2];
	[bflag:$0x3] =	sbarrier.arrive $0xFFFF;
	s2 =	simm.s32 @!p0 $0x1C01  }
0x3b: {  	[timem:s3], [sflag:s2] =	dma.local @!p0 [hbm:s0], s1  }
0x3c: {  	s0 =	simm.s32 @!p0 $0x1  }
0x3d: {  	_ =	swait.ge @!p0 [sflag:s0], s1  }
0x3e: {  	s1 =	ssub.s32 @!p0 $0x0, s1;
	[sflag:s0] =	ssyncset.done @!p0 $0x0  }
0x3f: {  	[sflag:s0] =	ssyncadd.s32 @!p0 s1  }
0x40: {  	[bflag:$0x3] =	sbarrier.arrive $0xFFFF  }
0x41: {  	_ =	shalt  }

// kernel: kernel.33.cloned.1.call-start
scs
__scs_entry_jumppad:
0x0: {  	(pc) =	sbr.rel $0x88, $3  }
0x1: {  	(tag) =	ssettag $0x0;
	lr =	simm.s32 $0x1  }
0x2: {  	[smem:$0x3F8C] =	sst lr;
	_ =	strace $0xD0000000  }
0x3: {  	_ = 	snop  }
0x4: {  	_ = 	snop  }
0x5: {  	_ = 	snop  }
0x6: {  	_ = 	snop  }
0x7: {  	_ = 	snop  }
__scs_overlays_trampoline_lowered:
0x8: {  	[smem:$0x3F9B] =	sst s0  }
0x9: {  	[smem:$0x3F9C] =	sst s1  }
0xa: {  	[smem:$0x3F9D] =	sst s2  }
0xb: {  	[smem:$0x3F9E] =	sst s3  }
0xc: {  	[smem:$0x3F9F] =	sst s4  }
0xd: {  	[smem:$0x3FA0] =	sst s5  }
0xe: {  	[smem:$0x3FA1] =	sst s6  }
0xf: {  	[smem:$0x3FA2] =	sst s7  }
0x10: {  	[smem:$0x3FA3] =	sst s8  }
0x11: {  	[smem:$0x3FA4] =	sst s9;
	s0 =	simm.s32 @!p0 $0x0  }
0x12: {  	s1 =	sld [smem:$0x3F8A];
	s0 =	simm.s32 @p0 $0x1  }
0x13: {  	[smem:$0x3FA5] =	sst s0;
	s0 =	simm.s32 @!p1 $0x0  }
0x14: {  	s2 =	sld [smem:$0x3F89];
	s0 =	simm.s32 @p1 $0x1  }
0x15: {  	[smem:$0x3FA6] =	sst s0;
	s0 =	simm.s32 @!p2 $0x0  }
0x16: {  	s3 =	sld [smem:$0x3FDB];
	s0 =	simm.s32 @p2 $0x1  }
0x17: {  	s4 =	simm.s32 $0x1BF5;
	[smem:$0x3FA8] =	sst s0  }
0x18: {  	s0 =	sld [smem:$0x3F8B];
	_ =	swait.ge [sflag:s4], $0x0  }
0x19: {  	s7 =	sld [smem:$0x3F8C]  }
0x1a: {  	s8 =	sadd.s32 $0xFFFFE003, lr  }
0x1b: {  	s9 =	sadd.s32 $0xFFFFFEF7, lr;
	s5 =	simm.s32 $0xFFFFFFFF;
	p2 =	slt.u32 s8, $0xFFFFF086  }
0x1c: {  	p1 =	slt.u32 s9, $0xF7A;
	s5 =	simm.s32 @!p2 $0x0  }
0x1d: {  	s5 =	simm.s32 @p1 $0x1;
	p0 =	seq.s32 s7, s2  }
0x1e: {  	s7 =	smul.u32 @!p0 $0xF7A, s2;
	p2 =	seq.s32 @!p0 s5, $0x0  }
0x1f: {  	s9 =	smul.u32 $0xF7A, s1;
	s8 =	simm.s32 @!p0 $0x1BF5;
	p2 =	por !p2, p0  }
0x20: {  	[sflag:s8] =	ssyncset.s32 @!p0 $0xFFFFF086;
	s6 =	sadd.s32 @!p0 s3, s7;
	s7 =	simm.s32 @!p0 $0x108  }
0x21: {  	s3 =	sadd.s32 s3, s9;
	s6 =	sadd.s32 @!p0 $0x88, s6;
	s7 =	simm.s32 @p2 $0x1082  }
0x22: {  	[simem:s7], [sflag:s8] =	dma.local @!p0 [hbm:s6], $0xF7A  }
0x23: {  	s9 =	sor.u32 $0xD0000000, s2;
	s6 =	simm.s32 $0x108;
	_ =	swait.ge @!p0 [sflag:s8], $0x0  }
0x24: {  	s3 =	sadd.s32 $0x88, s3;
	s6 =	simm.s32 @!p1 $0x1082;
	[sflag:s4] =	ssyncset.s32 $0xFFFFF086  }
0x25: {  	[simem:s6], [sflag:s4] =	dma.local [hbm:s3], $0xF7A  }
0x26: {  	[smem:$0x3F8C] =	sst s1;
	(tag) =	ssettag s2;
	_ =	strace s9  }
0x27: {  	s1 =	sld [smem:$0x3F9C]  }
0x28: {  	s2 =	sld [smem:$0x3F9D]  }
0x29: {  	s4 =	sld [smem:$0x3F9F]  }
0x2a: {  	p0 =	seq.s32 s5, $0x0;
	s5 =	sld [smem:$0x3FA0]  }
0x2b: {  	s6 =	sld [smem:$0x3FA1]  }
0x2c: {  	s7 =	sld [smem:$0x3FA2]  }
0x2d: {  	s3 =	simm.s32 $0x108;
	s8 =	sld [smem:$0x3FA3]  }
0x2e: {  	s3 =	simm.s32 @!p0 $0x1082;
	s9 =	sld [smem:$0x3FA4]  }
0x2f: {  	lr =	sadd.s32 s0, s3;
	s0 =	sld [smem:$0x3F9B]  }
0x30: {  	s3 =	sld [smem:$0x3F9E]  }
0x31: {  	[smem:$0x3FA7] =	sst s10  }
0x32: {  	s10 =	sld [smem:$0x3FA5];
	_ =	sdelay $0x3  }
0x33: {  	p0 =	seq.s32 s10, $0x1;
	s10 =	sld [smem:$0x3FA7];
	_ =	sdelay $0x3  }
0x34: {  	[smem:$0x3FA7] =	sst s10  }
0x35: {  	s10 =	sld [smem:$0x3FA6];
	_ =	sdelay $0x3  }
0x36: {  	p1 =	seq.s32 s10, $0x1;
	s10 =	sld [smem:$0x3FA7];
	_ =	sdelay $0x3  }
0x37: {  	[smem:$0x3FA7] =	sst s10  }
0x38: {  	s10 =	sld [smem:$0x3FA8]  }
0x39: {  	_ = 	snop;
	(pc) =	sbr.ind lr, $3  }
0x3a: {  	_ = 	snop  }
0x3b: {  	_ = 	snop  }
0x3c: {  	p2 =	seq.s32 s10, $0x1;
	s10 =	sld [smem:$0x3FA7]  }
0x3d: {  	_ =	shalt  }
0x3e: {  	_ =	shalt  }
0x3f: {  	_ =	shalt  }
0x40: {  	_ =	shalt  }
0x41: {  	_ =	shalt  }
0x42: {  	_ =	shalt  }
0x43: {  	_ =	shalt  }
0x44: {  	_ =	shalt  }
0x45: {  	_ =	shalt  }
0x46: {  	_ =	shalt  }
0x47: {  	_ =	shalt  }
0x48: {  	_ =	shalt  }
0x49: {  	_ =	shalt  }
0x4a: {  	_ =	shalt  }
0x4b: {  	_ =	shalt  }
0x4c: {  	_ =	shalt  }
0x4d: {  	_ =	shalt  }
0x4e: {  	_ =	shalt  }
0x4f: {  	_ =	shalt  }
0x50: {  	_ =	shalt  }
0x51: {  	_ =	shalt  }
0x52: {  	_ =	shalt  }
0x53: {  	_ =	shalt  }
0x54: {  	_ =	shalt  }
0x55: {  	_ =	shalt  }
0x56: {  	_ =	shalt  }
0x57: {  	_ =	shalt  }
0x58: {  	_ =	shalt  }
0x59: {  	_ =	shalt  }
0x5a: {  	_ =	shalt  }
0x5b: {  	_ =	shalt  }
0x5c: {  	_ =	shalt  }
0x5d: {  	_ =	shalt  }
0x5e: {  	_ =	shalt  }
0x5f: {  	_ =	shalt  }
0x60: {  	_ =	shalt  }
0x61: {  	_ =	shalt  }
0x62: {  	_ =	shalt  }
0x63: {  	_ =	shalt  }
0x64: {  	_ =	shalt  }
0x65: {  	_ =	shalt  }
0x66: {  	_ =	shalt  }
0x67: {  	_ =	shalt  }
0x68: {  	_ =	shalt  }
0x69: {  	_ =	shalt  }
0x6a: {  	_ =	shalt  }
0x6b: {  	_ =	shalt  }
0x6c: {  	_ =	shalt  }
0x6d: {  	_ =	shalt  }
0x6e: {  	_ =	shalt  }
0x6f: {  	_ =	shalt  }
0x70: {  	_ =	shalt  }
0x71: {  	_ =	shalt  }
0x72: {  	_ =	shalt  }
0x73: {  	_ =	shalt  }
0x74: {  	_ =	shalt  }
0x75: {  	_ =	shalt  }
0x76: {  	_ =	shalt  }
0x77: {  	_ =	shalt  }
0x78: {  	_ =	shalt  }
0x79: {  	_ =	shalt  }
0x7a: {  	_ =	shalt  }
0x7b: {  	_ =	shalt  }
0x7c: {  	_ =	shalt  }
0x7d: {  	_ =	shalt  }
0x7e: {  	_ =	shalt  }
0x7f: {  	_ =	shalt  }
0x80: {  	_ =	shalt  }
0x81: {  	_ =	shalt  }
0x82: {  	_ =	shalt  }
0x83: {  	_ =	shalt  }
0x84: {  	_ =	shalt  }
0x85: {  	_ =	shalt  }
0x86: {  	_ =	shalt  }
0x87: {  	_ =	shalt  }
.Lfunc_end0:
.L_simem_size_0:
called_computation.5_lowered:
.L_overlay_start_0:
0x88: {  	s2 =	sld [smem:$0x3FD9]  }
0x89: {  	s3 =	sld [smem:$0x3FFE];
	_ =	sdelay $0x1  }
0x8a: {  	s1 =	srdreg.scid  }
0x8b: {  	s0 =	sand.u32 $0x1, s1  }
0x8c: {  	s17 =	sshll.u32 s0, $0xA;
	s2 =	sadd.s32 s3, s2  }
0x8d: {  	s2 =	sadd.s32 s2, s17  }
0x8e: {  	[smem:$0x3FB3] =	sst s2  }
0x8f: {  	_ = 	snop  }
0x90: {  	s2 =	sld [smem:$0x3FD0];
	(tm) =	ssettm $0x1  }
0x91: {  	s18 =	sld [smem:$0x3FFB];
	_ =	sdelay $0x3  }
0x92: {  	_ =	strace s18  }
0x93: {  	s3 =	sld [smem:$0x3FFC];
	_ =	sdelay $0x3  }
0x94: {  	_ =	strace s3  }
0x95: {  	s3 =	sld [smem:$0x3FFD];
	_ =	sdelay $0x3  }
0x96: {  	_ =	strace s3  }
0x97: {  	_ =	strace $0x8FFFFFFF  }
0x98: {  	s19 =	sld [smem:$0x3FDB];
	_ =	sdelay $0x1  }
0x99: {  	s4 =	simm.s32 $_scs_section_size  }
0x9a: {  	s5 =	simm.s32 $_size__tile_overlayer_lowered;
	s6 =	simm.s32 $_tile_overlayer_lowered  }
0x9b: {  	s22 =	simm.s32 $0x1BFF;
	s21 =	sshll.u32 s6, $0x1;
	s3 =	sadd.s32 s4, s19  }
0x9c: {  	s7 =	simm.s32 $0x0;
	s20 =	sshll.u32 s5, $0x1;
	s5 =	sadd.s32 s21, s3  }
0x9d: {  	[timem:s7], [sflag:s22] =	dma.local [hbm:s5], s20  }
0x9e: {  	_ =	swait.ge [sflag:s22], s20  }
0x9f: {  	s4 =	ssub.s32 $0x0, s20;
	[sflag:s22] =	ssyncset.done $0x0  }
0xa0: {  	[sflag:s22] =	ssyncadd.s32 s4;
	_ =	sdelay $0x1  }
0xa1: {  	s23 =	simm.s32 $0x1B8B  }
0xa2: {  	_ =	swait.ge [sflag:s23], $0x1  }
0xa3: {  	[sflag:s23] =	ssyncset.done $0x0  }
0xa4: {  	s25 =	simm.s32 $0x1B8E;
	s24 =	sld [smem:$0x3FFE];
	[sflag:s23] =	ssyncadd.s32 $0xFFFFFFFF  }
0xa5: {  	s26 =	simm.s32 $execute0_lowered;
	[smem:$0x3FD2] =	sst s25  }
0xa6: {  	s5 =	sshll.u32 s26, $0x1;
	_ =	strace $0x80000055;
	[dreg:$0x1] =	wrdreg $0xFFFFFFFF  }
0xa7: {  	s28 =	simm.s32 $_size_execute0_lowered;
	s3 =	sadd.s32 s3, s5;
	[dreg:$0x0] =	wrdreg $0x0  }
0xa8: {  	s5 =	sshll.u32 s28, $0x1;
	[dreg:$0x2] =	wrdreg s3  }
0xa9: {  	[dreg:$0x3] =	wrdreg s5  }
0xaa: {  	[dreg:$0x4] =	wrdreg $0xC0  }
0xab: {  	_ =	task [dreg:s7], $0x5FFFF  }
0xac: {  	[dreg:$0x1] =	wrdreg $0xFFFFFFFF  }
0xad: {  	[dreg:$0x0] =	wrdreg $0x60  }
0xae: {  	[dreg:$0x2] =	wrdreg s24  }
0xaf: {  	[dreg:$0x3] =	wrdreg s2  }
0xb0: {  	[dreg:$0x4] =	wrdreg $0x68000  }
0xb1: {  	[dreg:$0x5] =	wrdreg $0x9  }
0xb2: {  	_ =	task.clear_ibuf [dreg:s7], $0x6FFFF;
	_ =	strace $0x90000055  }
0xb3: {  	s29 =	simm.s32 $0x9;
	_ =	strace $0x80000057  }
0xb4: {  	_ =	swait.ge [sflag:s29], $0x1  }
0xb5: {  	[sflag:s29] =	ssyncadd.s32 $0xFFFFFFFF  }
0xb6: {  	_ =	strace $0x90000057  }
0xb7: {  	_ =	sfence  }
0xb8: {  	s30 =	sld [smem:$0x0];
	_ =	sdelay $0x2  }
0xb9: {  	s31 =	sshll.u32 s1, $0xD;
	s1 =	sshrl.u32 s1, $0x2  }
0xba: {  	s3 =	sand.u32 $0x4000, s31;
	s1 =	sadd.s32 s1, s30  }
0xbb: {  	s0 =	sor.u32 s3, s0;
	s1 =	sshll.u32 s1, $0x11  }
0xbc: {  	s0 =	sor.u32 s1, s0  }
0xbd: {  	s0 =	sadd.s32 $0x8F2B, s0  }
0xbe: {  	[sflag:s0] =	ssyncadd.remote.s32 $0x1  }
0xbf: {  	_ =	sfence.sel $0xFFFF  }
0xc0: {  	[dreg:$0x0] =	wrdreg $0xFFFFFFFF;
	(pc) =	sbr.abs _section_cstart, $3  }
0xc1: {  	[dreg:$0x1] =	wrdreg $0xFFFFFFFF  }
0xc2: {  	_ =	task.clear_ibuf [dreg:s7], $0x2FFFF;
	_ =	strace $0x9FFFFFFF  }
0xc3: {  	(tm) =	ssettm $0x7FFFFFFF  }
tec
execute0_lowered:
.L_overlay_start_1:
0x0: {  	(tag) =	ssettag $0x1  }
0x1: {  	s0 =	srdreg.scid  }
0x2: {  	s4 =	rddreg [dreg:$0x0];
	s7 =	stileid.u32  }
0x3: {  	s6 =	rddreg [dreg:$0x1];
	s8 =	smul.u32 $0x140000, s7  }
0x4: {  	s1 =	rddreg [dreg:$0x2];
	s2 =	simm.s32 $0x0;
	s9 =	smul.u32 $0x50, s7  }
0x5: {  	s5 =	sand.u32 $0x1, s0;
	s0 =	rddreg [dreg:$0x3];
	s12 =	smul.u32 $0x500, s7  }
0x6: {  	[smem:$0x7FF] =	sst s2;
	s3 =	smul.u32 $0x1388000, s5  }
0x7: {  	p0 =	sne.s32 s7, $0x0;
	s10 =	smul.u32 $0x27100, s5;
	s5 =	ssub.s32 $0x2, s5  }
0x8: {  	_ =	strace $0x80000056;
	s11 =	sshrl.u32 s5, $0x1;
	s9 =	ssub.s32 $0x4E2, s9  }
0x9: {  	s3 =	sadd.s32 s8, s3;
	s10 =	sadd.s32 s10, s4;
	s11 =	ssub.s32 s5, s11  }
0xa: {  	s5 =	sadd.s32 s6, s12;
	s12 =	simm.s32 $0x0;
	s3 =	sshrl.u32 s3, $0x3  }
0xb: {  	s6 =	sadd.s32 $0xADA00, s10;
	s7 =	smax.u32 s11, $0x1;
	s10 =	simm.s32 $0x1  }
0xc: {  	s11 =	simm.s32 $0x80;
	s31 =	sadd.s32 s3, s4;
	s3 =	sadd.s32 $0x280E00, s4  }
0xd: {  	s4 =	smin.u32 s9, $0x50;
	s9 =	sshrl.u32 @!p0 s1, $0x3;
	s8 =	sadd.s32 $0x519000, s31  }
.LBB2_1:
0xe: {  	s14 =	simm.s32 @!p0 $0x1C01;
	s13 =	simm.s32 @!p0 $0x1  }
0xf: {  	[spmem:s9], [sflag:s14] =	dma.local @!p0 [hbm:s3], $0x27100  }
0x10: {  	_ =	swait.ge @!p0 [sflag:s13], $0x27100  }
0x11: {  	[sflag:s13] =	ssyncset.done @!p0 $0x0  }
0x12: {  	[sflag:s13] =	ssyncadd.s32 @!p0 $0xFFFD8F00  }
0x13: {  	s15 =	simm.s32 $0x4000;
	[bflag:$0x0] =	sbarrier.arrive $0xFFFF  }
0x14: {  	[tilespmem:s15], [sflag:$0x1] =	stream.linear.gather [hbm4b:s5+s2], $0x2800, $0x38;
	[tilespmem:$0x1A080] =	vst v63  }
0x15: {  	_ =	swait.ge [sflag:s10], $0x2800  }
0x16: {  	[sflag:s10] =	ssyncset.done $0x0  }
0x17: {  	[sflag:s10] =	ssyncadd.s32 $0xFFFFD800  }
0x18: {  	[tilespmem:s2], [sflag:$0x1] =	stream.linear.gather [hbm4b:s8+s2], $0x4000, $0x38;
	[tilespmem:$0x1A080] =	vst v63  }
0x19: {  	p1 =	sne.s32 s4, $0x1;
	_ =	swait.ge [sflag:s10], $0x4000  }
.Ltmp0:
0x1a: {  	[sflag:s10] =	ssyncset.done $0x0;
	(pc) =	sbr.rel @!p1 .LBB2_3-.Ltmp0, $4  }
0x1b: {  	[sflag:s10] =	ssyncadd.s32 $0xFFFFC000  }
0x1c: {  	[spmem:s1] =	stream.indirect.scatter.add.f32 [tilespmem:s2], [sflag:$0x1], $0x80, s15, s11, $0xb8;
	[tilespmem:$0x1A080] =	vst v63  }
0x1d: {  	_ =	swait.ge [sflag:s10], $0x4000  }
0x1e: {  	s16 =	sadd.s32 $0xFFFFFFFF, s4;
	s17 =	smov.u32 s8;
	[sflag:s10] =	ssyncset.done $0x0  }
.LBB2_2:
0x1f: {  	[sflag:s10] =	ssyncadd.s32 $0xFFFFC000;
	s15 =	sadd.s32 $0x80, s15;
	s17 =	sadd.s32 $0x800, s17  }
0x20: {  	[tilespmem:s2], [sflag:$0x1] =	stream.linear.gather [hbm4b:s17+s2], $0x4000, $0x38;
	[tilespmem:$0x1A080] =	vst v63  }
0x21: {  	p1 =	sne.s32 s16, $0x1;
	s16 =	sadd.s32 $0xFFFFFFFF, s16;
	_ =	swait.ge [sflag:s10], $0x4000  }
.Ltmp1:
0x22: {  	[sflag:s10] =	ssyncset.done $0x0;
	(pc) =	sbr.rel @p1 .LBB2_2-.Ltmp1, $4  }
0x23: {  	[sflag:s10] =	ssyncadd.s32 $0xFFFFC000  }
0x24: {  	[spmem:s1] =	stream.indirect.scatter.add.f32 [tilespmem:s2], [sflag:$0x1], $0x80, s15, s11, $0xb8;
	[tilespmem:$0x1A080] =	vst v63  }
0x25: {  	_ =	swait.ge [sflag:s10], $0x4000  }
0x26: {  	[sflag:s10] =	ssyncset.done $0x0  }
.LBB2_3:
0x27: {  	s12 =	sadd.s32 $0x1, s12  }
0x28: {  	[sflag:s10] =	ssyncadd.s32 $0xFFFFC000;
	p1 =	sne.s32 s12, s7  }
.Ltmp2:
0x29: {  	[bflag:$0x0] =	sbarrier.arrive $0xFFFF;
	(pc) =	sbr.rel @p1 .LBB2_1-.Ltmp2, $4  }
0x2a: {  	[hbm:s6], [sflag:s14] =	dma.local @!p0 [spmem:s9], $0x27100  }
0x2b: {  	_ =	swait.ge @!p0 [sflag:s13], $0x27100  }
0x2c: {  	[sflag:s13] =	ssyncset.done @!p0 $0x0  }
0x2d: {  	[sflag:s13] =	ssyncadd.s32 @!p0 $0xFFFD8F00  }
0x2e: {  	_ =	sfence.sel $0x180000  }
0x2f: {  	[bflag:$0x0] =	sbarrier.arrive $0xFFFF  }
0x30: {  	_ =	strace $0x90000056  }
0x31: {  	s0 =	sadd.s32 @!p0 $0x100000, s0;
	[bflag:$0x2] =	sbarrier.arrive $0xFFFF  }
0x32: {  	[sflag:s0] =	ssyncadd.tile.s32 @!p0 $0x1;
	_ =	shalt  }
.Lfunc_end2:
_tile_overlayer_lowered:
.L_overlay_start_2:
0x33: {  	(tag) =	ssettag $0x2  }
0x34: {  	s0 =	rddreg [dreg:$0x0];
	s2 =	stileid.u32  }
0x35: {  	s1 =	rddreg [dreg:$0x1];
	p0 =	sne.s32 s2, $0x0  }
0x36: {  	s3 =	rddreg [dreg:$0x2];
	[bflag:$0x3] =	sbarrier.arrive $0xFFFF;
	s2 =	simm.s32 @!p0 $0x1C01  }
0x37: {  	[timem:s3], [sflag:s2] =	dma.local @!p0 [hbm:s0], s1  }
0x38: {  	s0 =	simm.s32 @!p0 $0x1  }
0x39: {  	_ =	swait.ge @!p0 [sflag:s0], s1  }
0x3a: {  	s1 =	ssub.s32 @!p0 $0x0, s1;
	[sflag:s0] =	ssyncset.done @!p0 $0x0  }
0x3b: {  	[sflag:s0] =	ssyncadd.s32 @!p0 s1  }
0x3c: {  	[bflag:$0x3] =	sbarrier.arrive $0xFFFF  }
0x3d: {  	_ =	shalt  }

// kernel: kernel.36.cloned.1.call-start
scs
__scs_entry_jumppad:
0x0: {  	(pc) =	sbr.rel $0x88, $3  }
0x1: {  	(tag) =	ssettag $0x0;
	lr =	simm.s32 $0x1  }
0x2: {  	[smem:$0x3F8C] =	sst lr;
	_ =	strace $0xD0000000  }
0x3: {  	_ = 	snop  }
0x4: {  	_ = 	snop  }
0x5: {  	_ = 	snop  }
0x6: {  	_ = 	snop  }
0x7: {  	_ = 	snop  }
__scs_overlays_trampoline_lowered:
0x8: {  	[smem:$0x3F9B] =	sst s0  }
0x9: {  	[smem:$0x3F9C] =	sst s1  }
0xa: {  	[smem:$0x3F9D] =	sst s2  }
0xb: {  	[smem:$0x3F9E] =	sst s3  }
0xc: {  	[smem:$0x3F9F] =	sst s4  }
0xd: {  	[smem:$0x3FA0] =	sst s5  }
0xe: {  	[smem:$0x3FA1] =	sst s6  }
0xf: {  	[smem:$0x3FA2] =	sst s7  }
0x10: {  	[smem:$0x3FA3] =	sst s8  }
0x11: {  	[smem:$0x3FA4] =	sst s9;
	s0 =	simm.s32 @!p0 $0x0  }
0x12: {  	s1 =	sld [smem:$0x3F8A];
	s0 =	simm.s32 @p0 $0x1  }
0x13: {  	[smem:$0x3FA5] =	sst s0;
	s0 =	simm.s32 @!p1 $0x0  }
0x14: {  	s2 =	sld [smem:$0x3F89];
	s0 =	simm.s32 @p1 $0x1  }
0x15: {  	[smem:$0x3FA6] =	sst s0;
	s0 =	simm.s32 @!p2 $0x0  }
0x16: {  	s3 =	sld [smem:$0x3FDB];
	s0 =	simm.s32 @p2 $0x1  }
0x17: {  	s4 =	simm.s32 $0x1BF5;
	[smem:$0x3FA8] =	sst s0  }
0x18: {  	s0 =	sld [smem:$0x3F8B];
	_ =	swait.ge [sflag:s4], $0x0  }
0x19: {  	s7 =	sld [smem:$0x3F8C]  }
0x1a: {  	s8 =	sadd.s32 $0xFFFFE003, lr  }
0x1b: {  	s9 =	sadd.s32 $0xFFFFFEF7, lr;
	s5 =	simm.s32 $0xFFFFFFFF;
	p2 =	slt.u32 s8, $0xFFFFF086  }
0x1c: {  	p1 =	slt.u32 s9, $0xF7A;
	s5 =	simm.s32 @!p2 $0x0  }
0x1d: {  	s5 =	simm.s32 @p1 $0x1;
	p0 =	seq.s32 s7, s2  }
0x1e: {  	s7 =	smul.u32 @!p0 $0xF7A, s2;
	p2 =	seq.s32 @!p0 s5, $0x0  }
0x1f: {  	s9 =	smul.u32 $0xF7A, s1;
	s8 =	simm.s32 @!p0 $0x1BF5;
	p2 =	por !p2, p0  }
0x20: {  	[sflag:s8] =	ssyncset.s32 @!p0 $0xFFFFF086;
	s6 =	sadd.s32 @!p0 s3, s7;
	s7 =	simm.s32 @!p0 $0x108  }
0x21: {  	s3 =	sadd.s32 s3, s9;
	s6 =	sadd.s32 @!p0 $0x88, s6;
	s7 =	simm.s32 @p2 $0x1082  }
0x22: {  	[simem:s7], [sflag:s8] =	dma.local @!p0 [hbm:s6], $0xF7A  }
0x23: {  	s9 =	sor.u32 $0xD0000000, s2;
	s6 =	simm.s32 $0x108;
	_ =	swait.ge @!p0 [sflag:s8], $0x0  }
0x24: {  	s3 =	sadd.s32 $0x88, s3;
	s6 =	simm.s32 @!p1 $0x1082;
	[sflag:s4] =	ssyncset.s32 $0xFFFFF086  }
0x25: {  	[simem:s6], [sflag:s4] =	dma.local [hbm:s3], $0xF7A  }
0x26: {  	[smem:$0x3F8C] =	sst s1;
	(tag) =	ssettag s2;
	_ =	strace s9  }
0x27: {  	s1 =	sld [smem:$0x3F9C]  }
0x28: {  	s2 =	sld [smem:$0x3F9D]  }
0x29: {  	s4 =	sld [smem:$0x3F9F]  }
0x2a: {  	p0 =	seq.s32 s5, $0x0;
	s5 =	sld [smem:$0x3FA0]  }
0x2b: {  	s6 =	sld [smem:$0x3FA1]  }
0x2c: {  	s7 =	sld [smem:$0x3FA2]  }
0x2d: {  	s3 =	simm.s32 $0x108;
	s8 =	sld [smem:$0x3FA3]  }
0x2e: {  	s3 =	simm.s32 @!p0 $0x1082;
	s9 =	sld [smem:$0x3FA4]  }
0x2f: {  	lr =	sadd.s32 s0, s3;
	s0 =	sld [smem:$0x3F9B]  }
0x30: {  	s3 =	sld [smem:$0x3F9E]  }
0x31: {  	[smem:$0x3FA7] =	sst s10  }
0x32: {  	s10 =	sld [smem:$0x3FA5];
	_ =	sdelay $0x3  }
0x33: {  	p0 =	seq.s32 s10, $0x1;
	s10 =	sld [smem:$0x3FA7];
	_ =	sdelay $0x3  }
0x34: {  	[smem:$0x3FA7] =	sst s10  }
0x35: {  	s10 =	sld [smem:$0x3FA6];
	_ =	sdelay $0x3  }
0x36: {  	p1 =	seq.s32 s10, $0x1;
	s10 =	sld [smem:$0x3FA7];
	_ =	sdelay $0x3  }
0x37: {  	[smem:$0x3FA7] =	sst s10  }
0x38: {  	s10 =	sld [smem:$0x3FA8]  }
0x39: {  	_ = 	snop;
	(pc) =	sbr.ind lr, $3  }
0x3a: {  	_ = 	snop  }
0x3b: {  	_ = 	snop  }
0x3c: {  	p2 =	seq.s32 s10, $0x1;
	s10 =	sld [smem:$0x3FA7]  }
0x3d: {  	_ =	shalt  }
0x3e: {  	_ =	shalt  }
0x3f: {  	_ =	shalt  }
0x40: {  	_ =	shalt  }
0x41: {  	_ =	shalt  }
0x42: {  	_ =	shalt  }
0x43: {  	_ =	shalt  }
0x44: {  	_ =	shalt  }
0x45: {  	_ =	shalt  }
0x46: {  	_ =	shalt  }
0x47: {  	_ =	shalt  }
0x48: {  	_ =	shalt  }
0x49: {  	_ =	shalt  }
0x4a: {  	_ =	shalt  }
0x4b: {  	_ =	shalt  }
0x4c: {  	_ =	shalt  }
0x4d: {  	_ =	shalt  }
0x4e: {  	_ =	shalt  }
0x4f: {  	_ =	shalt  }
0x50: {  	_ =	shalt  }
0x51: {  	_ =	shalt  }
0x52: {  	_ =	shalt  }
0x53: {  	_ =	shalt  }
0x54: {  	_ =	shalt  }
0x55: {  	_ =	shalt  }
0x56: {  	_ =	shalt  }
0x57: {  	_ =	shalt  }
0x58: {  	_ =	shalt  }
0x59: {  	_ =	shalt  }
0x5a: {  	_ =	shalt  }
0x5b: {  	_ =	shalt  }
0x5c: {  	_ =	shalt  }
0x5d: {  	_ =	shalt  }
0x5e: {  	_ =	shalt  }
0x5f: {  	_ =	shalt  }
0x60: {  	_ =	shalt  }
0x61: {  	_ =	shalt  }
0x62: {  	_ =	shalt  }
0x63: {  	_ =	shalt  }
0x64: {  	_ =	shalt  }
0x65: {  	_ =	shalt  }
0x66: {  	_ =	shalt  }
0x67: {  	_ =	shalt  }
0x68: {  	_ =	shalt  }
0x69: {  	_ =	shalt  }
0x6a: {  	_ =	shalt  }
0x6b: {  	_ =	shalt  }
0x6c: {  	_ =	shalt  }
0x6d: {  	_ =	shalt  }
0x6e: {  	_ =	shalt  }
0x6f: {  	_ =	shalt  }
0x70: {  	_ =	shalt  }
0x71: {  	_ =	shalt  }
0x72: {  	_ =	shalt  }
0x73: {  	_ =	shalt  }
0x74: {  	_ =	shalt  }
0x75: {  	_ =	shalt  }
0x76: {  	_ =	shalt  }
0x77: {  	_ =	shalt  }
0x78: {  	_ =	shalt  }
0x79: {  	_ =	shalt  }
0x7a: {  	_ =	shalt  }
0x7b: {  	_ =	shalt  }
0x7c: {  	_ =	shalt  }
0x7d: {  	_ =	shalt  }
0x7e: {  	_ =	shalt  }
0x7f: {  	_ =	shalt  }
0x80: {  	_ =	shalt  }
0x81: {  	_ =	shalt  }
0x82: {  	_ =	shalt  }
0x83: {  	_ =	shalt  }
0x84: {  	_ =	shalt  }
0x85: {  	_ =	shalt  }
0x86: {  	_ =	shalt  }
0x87: {  	_ =	shalt  }
.Lfunc_end0:
.L_simem_size_0:
called_computation.6_lowered:
.L_overlay_start_0:
0x88: {  	s2 =	sld [smem:$0x3FD9]  }
0x89: {  	s3 =	sld [smem:$0x3FFE];
	_ =	sdelay $0x1  }
0x8a: {  	s1 =	srdreg.scid  }
0x8b: {  	s0 =	sand.u32 $0x1, s1  }
0x8c: {  	s16 =	sshll.u32 s0, $0xA;
	s2 =	sadd.s32 s3, s2  }
0x8d: {  	s2 =	sadd.s32 s2, s16  }
0x8e: {  	[smem:$0x3FB3] =	sst s2  }
0x8f: {  	_ = 	snop  }
0x90: {  	(tm) =	ssettm $0x1  }
0x91: {  	s17 =	sld [smem:$0x3FFB];
	_ =	sdelay $0x3  }
0x92: {  	_ =	strace s17  }
0x93: {  	s2 =	sld [smem:$0x3FFC];
	_ =	sdelay $0x3  }
0x94: {  	_ =	strace s2  }
0x95: {  	s2 =	sld [smem:$0x3FFD];
	_ =	sdelay $0x3  }
0x96: {  	_ =	strace s2  }
0x97: {  	_ =	strace $0x8FFFFFFF  }
0x98: {  	s18 =	sld [smem:$0x3FDB];
	_ =	sdelay $0x1  }
0x99: {  	s19 =	simm.s32 $_scs_section_size  }
0x9a: {  	s4 =	simm.s32 $_size__tile_overlayer_lowered;
	s5 =	simm.s32 $_tile_overlayer_lowered  }
0x9b: {  	s22 =	simm.s32 $0x1BFF;
	s21 =	sshll.u32 s5, $0x1;
	s2 =	sadd.s32 s19, s18  }
0x9c: {  	s6 =	simm.s32 $0x0;
	s20 =	sshll.u32 s4, $0x1;
	s4 =	sadd.s32 s21, s2  }
0x9d: {  	[timem:s6], [sflag:s22] =	dma.local [hbm:s4], s20  }
0x9e: {  	_ =	swait.ge [sflag:s22], s20  }
0x9f: {  	s3 =	ssub.s32 $0x0, s20;
	[sflag:s22] =	ssyncset.done $0x0  }
0xa0: {  	[sflag:s22] =	ssyncadd.s32 s3;
	_ =	sdelay $0x1  }
0xa1: {  	s23 =	simm.s32 $0x1B8B  }
0xa2: {  	_ =	swait.ge [sflag:s23], $0x1  }
0xa3: {  	[sflag:s23] =	ssyncset.done $0x0  }
0xa4: {  	s25 =	simm.s32 $0x1B8E;
	s24 =	sld [smem:$0x3FFE];
	[sflag:s23] =	ssyncadd.s32 $0xFFFFFFFF  }
0xa5: {  	s26 =	simm.s32 $execute0_lowered;
	[smem:$0x3FD2] =	sst s25  }
0xa6: {  	s4 =	sshll.u32 s26, $0x1;
	_ =	strace $0x80000058;
	[dreg:$0x1] =	wrdreg $0xFFFFFFFF  }
0xa7: {  	s28 =	simm.s32 $_size_execute0_lowered;
	s2 =	sadd.s32 s2, s4;
	[dreg:$0x0] =	wrdreg $0x0  }
0xa8: {  	s4 =	sshll.u32 s28, $0x1;
	[dreg:$0x2] =	wrdreg s2  }
0xa9: {  	[dreg:$0x3] =	wrdreg s4  }
0xaa: {  	[dreg:$0x4] =	wrdreg $0xC0  }
0xab: {  	_ =	task [dreg:s6], $0x5FFFF  }
0xac: {  	[dreg:$0x1] =	wrdreg $0xFFFFFFFF  }
0xad: {  	[dreg:$0x0] =	wrdreg $0x60  }
0xae: {  	[dreg:$0x2] =	wrdreg s24  }
0xaf: {  	[dreg:$0x3] =	wrdreg $0x9  }
0xb0: {  	_ =	task.clear_ibuf [dreg:s6], $0x4FFFF;
	_ =	strace $0x90000058  }
0xb1: {  	s29 =	simm.s32 $0x9;
	_ =	strace $0x8000005A  }
0xb2: {  	_ =	swait.ge [sflag:s29], $0x1  }
0xb3: {  	[sflag:s29] =	ssyncadd.s32 $0xFFFFFFFF  }
0xb4: {  	_ =	strace $0x9000005A  }
0xb5: {  	_ =	sfence  }
0xb6: {  	s30 =	sld [smem:$0x0];
	_ =	sdelay $0x2  }
0xb7: {  	s31 =	sshll.u32 s1, $0xD;
	s1 =	sshrl.u32 s1, $0x2  }
0xb8: {  	s3 =	sand.u32 $0x4000, s31;
	s1 =	sadd.s32 s1, s30  }
0xb9: {  	s0 =	sor.u32 s3, s0;
	s1 =	sshll.u32 s1, $0x11  }
0xba: {  	s0 =	sor.u32 s1, s0  }
0xbb: {  	s0 =	sadd.s32 $0x8F2B, s0  }
0xbc: {  	[sflag:s0] =	ssyncadd.remote.s32 $0x1  }
0xbd: {  	_ =	sfence.sel $0xFFFF  }
0xbe: {  	[dreg:$0x0] =	wrdreg $0xFFFFFFFF;
	(pc) =	sbr.abs _section_cstart, $3  }
0xbf: {  	[dreg:$0x1] =	wrdreg $0xFFFFFFFF  }
0xc0: {  	_ =	task.clear_ibuf [dreg:s6], $0x2FFFF;
	_ =	strace $0x9FFFFFFF  }
0xc1: {  	(tm) =	ssettm $0x7FFFFFFF  }
tec
execute0_lowered:
.L_overlay_start_1:
0x0: {  	(tag) =	ssettag $0x1  }
0x1: {  	s1 =	srdreg.scid;
	s0 =	stileid.u32  }
0x2: {  	s4 =	rddreg [dreg:$0x0];
	s2 =	simm.s32 $0x0;
	s11 =	simm.s32 $0x8  }
0x3: {  	s12 =	simm.s32 $0x1380;
	s13 =	simm.s32 $0x5400;
	s5 =	sand.u32 $0x1, s1  }
0x4: {  	s3 =	sshll.u32 s0, $0x1;
	s1 =	rddreg [dreg:$0x1];
	s8 =	smul.u32 $0x138800, s0  }
0x5: {  	s3 =	sor.u32 s5, s3;
	s9 =	ssub.s32 $0x2, s5;
	s5 =	smul.u32 $0x9C400, s5  }
0x6: {  	s14 =	simm.s32 $0x0;
	[smem:$0x7FF] =	sst s2;
	s6 =	smul.u32 $0x271, s3  }
0x7: {  	s10 =	sadd.s32 $0x2A8000, s4;
	s7 =	smul.u32 $0x9C400, s3;
	s30 =	sshrl.u32 s9, $0x1  }
0x8: {  	_ =	strace $0x80000059;
	s3 =	sadd.s32 $0x15C00, s4;
	s9 =	ssub.s32 s9, s30  }
0x9: {  	s8 =	sadd.s32 s5, s8;
	s6 =	sadd.s32 s6, s4;
	s7 =	sshrl.u32 s7, $0x3  }
0xa: {  	s31 =	sshrl.u32 s8, $0x3;
	s8 =	simm.s32 $0x1;
	s7 =	sadd.s32 s10, s7  }
0xb: {  	s4 =	sadd.s32 $0x5E00, s6;
	s6 =	smax.u32 s9, $0x1;
	s9 =	simm.s32 $0x80  }
0xc: {  	s5 =	sadd.s32 $0x13800, s7;
	s7 =	sadd.s32 s31, s10;
	s10 =	simm.s32 $0x1400  }
.LBB2_1:
0xd: {  	[tilespmem:s2], [sflag:$0x1] =	stream.linear.gather [hbm4b:s4+s2], $0x1388, $0x38;
	[tilespmem:$0x5800] =	vst v63  }
0xe: {  	_ =	swait.ge [sflag:s8], $0x1388  }
0xf: {  	[sflag:s8] =	ssyncset.done $0x0  }
0x10: {  	s15 =	simm.s32 $0x0;
	[sflag:s8] =	ssyncadd.s32 $0xFFFFEC78  }
0x11: {  	[tilespmem:s10], [sflag:$0x1] =	stream.indirect.gather [hbm4b:s3+s9], $0x80, s15, s9, $0xb8;
	[tilespmem:$0x5800] =	vst v63  }
0x12: {  	_ =	swait.ge [sflag:s8], $0x4000  }
0x13: {  	[sflag:s8] =	ssyncset.done $0x0  }
0x14: {  	[sflag:s8] =	ssyncadd.s32 $0xFFFFC000  }
0x15: {  	[hbm4b:s7+s2] =	stream.linear.scatter [tilespmem:s10], [sflag:$0x1], $0x4000, $0x38;
	[tilespmem:$0x5800] =	vst v63  }
0x16: {  	s16 =	simm.s32 $0x200;
	_ =	swait.ge [sflag:s8], $0x4000  }
0x17: {  	s17 =	simm.s32 $0x400;
	s15 =	sadd.s32 $0x800, s7;
	[sflag:s8] =	ssyncset.done $0x0  }
.LBB2_2:
0x18: {  	s18 =	sshra.s32 s16, $0x2  }
0x19: {  	[sflag:s8] =	ssyncadd.s32 $0xFFFFC000;
	s16 =	smov.u32 s17;
	s19 =	sadd.s32 $0x200, s17  }
0x1a: {  	[tilespmem:s10], [sflag:$0x1] =	stream.indirect.gather [hbm4b:s3+s9], $0x80, s18, s9, $0xb8;
	[tilespmem:$0x5800] =	vst v63  }
0x1b: {  	p0 =	sne.s32 s17, $0x4C00;
	_ =	swait.ge [sflag:s8], $0x4000  }
.Ltmp0:
0x1c: {  	[sflag:s8] =	ssyncset.done $0x0;
	(pc) =	sbr.rel @p0 .LBB2_2-.Ltmp0, $4  }
0x1d: {  	[sflag:s8] =	ssyncadd.s32 $0xFFFFC000  }
0x1e: {  	[hbm4b:s15+s2] =	stream.linear.scatter [tilespmem:s10], [sflag:$0x1], $0x4000, $0x38;
	[tilespmem:$0x5800] =	vst v63  }
0x1f: {  	_ =	swait.ge [sflag:s8], $0x4000  }
0x20: {  	s17 =	smov.u32 s19;
	s15 =	sadd.s32 $0x800, s15;
	[sflag:s8] =	ssyncset.done $0x0  }
0x21: {  	s16 =	sshra.s32 s16, $0x2;
	[sflag:s8] =	ssyncadd.s32 $0xFFFFC000  }
0x22: {  	[tilespmem:s10], [sflag:$0x1] =	stream.indirect.gather [hbm4b:s3+s9], $0x80, s16, s9, $0xb8;
	[tilespmem:$0x5800] =	vst v63  }
0x23: {  	_ =	swait.ge [sflag:s8], $0x4000  }
0x24: {  	[sflag:s8] =	ssyncset.done $0x0  }
0x25: {  	[sflag:s8] =	ssyncadd.s32 $0xFFFFC000  }
0x26: {  	[hbm4b:s15+s2] =	stream.linear.scatter [tilespmem:s10], [sflag:$0x1], $0x4000, $0x38;
	[tilespmem:$0x5800] =	vst v63  }
0x27: {  	_ =	swait.ge [sflag:s8], $0x4000  }
0x28: {  	[sflag:s8] =	ssyncset.done $0x0  }
0x29: {  	[sflag:s8] =	ssyncadd.s32 $0xFFFFC000  }
0x2a: {  	[tilespmem:s13], [sflag:$0x1] =	stream.indirect.gather [hbm4b:s3+s11], $0x80, s12, s11, $0xb8;
	[tilespmem:$0x5800] =	vst v63  }
0x2b: {  	s14 =	sadd.s32 $0x1, s14;
	_ =	swait.ge [sflag:s8], $0x400  }
0x2c: {  	p0 =	sne.s32 s14, s6;
	[sflag:s8] =	ssyncset.done $0x0  }
.Ltmp1:
0x2d: {  	[sflag:s8] =	ssyncadd.s32 $0xFFFFFC00;
	(pc) =	sbr.rel @p0 .LBB2_1-.Ltmp1, $4  }
0x2e: {  	[hbm4b:s5+s2] =	stream.linear.scatter [tilespmem:s13], [sflag:$0x1], $0x400, $0x38;
	[tilespmem:$0x5800] =	vst v63  }
0x2f: {  	_ =	swait.ge [sflag:s8], $0x400  }
0x30: {  	[sflag:s8] =	ssyncset.done $0x0  }
0x31: {  	[sflag:s8] =	ssyncadd.s32 $0xFFFFFC00  }
0x32: {  	_ =	sfence.sel $0x180000  }
0x33: {  	[bflag:$0x0] =	sbarrier.arrive $0xFFFF  }
0x34: {  	p0 =	sne.s32 s0, $0x0;
	_ =	strace $0x90000059  }
0x35: {  	s0 =	sadd.s32 @!p0 $0x100000, s1;
	[bflag:$0x2] =	sbarrier.arrive $0xFFFF  }
0x36: {  	[sflag:s0] =	ssyncadd.tile.s32 @!p0 $0x1;
	_ =	shalt  }
.Lfunc_end2:
_tile_overlayer_lowered:
.L_overlay_start_2:
0x37: {  	(tag) =	ssettag $0x2  }
0x38: {  	s0 =	rddreg [dreg:$0x0];
	s2 =	stileid.u32  }
0x39: {  	s1 =	rddreg [dreg:$0x1];
	p0 =	sne.s32 s2, $0x0  }
0x3a: {  	s3 =	rddreg [dreg:$0x2];
	[bflag:$0x3] =	sbarrier.arrive $0xFFFF;
	s2 =	simm.s32 @!p0 $0x1C01  }
0x3b: {  	[timem:s3], [sflag:s2] =	dma.local @!p0 [hbm:s0], s1  }
0x3c: {  	s0 =	simm.s32 @!p0 $0x1  }
0x3d: {  	_ =	swait.ge @!p0 [sflag:s0], s1  }
0x3e: {  	s1 =	ssub.s32 @!p0 $0x0, s1;
	[sflag:s0] =	ssyncset.done @!p0 $0x0  }
0x3f: {  	[sflag:s0] =	ssyncadd.s32 @!p0 s1  }
0x40: {  	[bflag:$0x3] =	sbarrier.arrive $0xFFFF  }
0x41: {  	_ =	shalt  }

// kernel: kernel.39.cloned.1.call-start
scs
__scs_entry_jumppad:
0x0: {  	(pc) =	sbr.rel $0x88, $3  }
0x1: {  	(tag) =	ssettag $0x0;
	lr =	simm.s32 $0x1  }
0x2: {  	[smem:$0x3F8C] =	sst lr;
	_ =	strace $0xD0000000  }
0x3: {  	_ = 	snop  }
0x4: {  	_ = 	snop  }
0x5: {  	_ = 	snop  }
0x6: {  	_ = 	snop  }
0x7: {  	_ = 	snop  }
__scs_overlays_trampoline_lowered:
0x8: {  	[smem:$0x3F9B] =	sst s0  }
0x9: {  	[smem:$0x3F9C] =	sst s1  }
0xa: {  	[smem:$0x3F9D] =	sst s2  }
0xb: {  	[smem:$0x3F9E] =	sst s3  }
0xc: {  	[smem:$0x3F9F] =	sst s4  }
0xd: {  	[smem:$0x3FA0] =	sst s5  }
0xe: {  	[smem:$0x3FA1] =	sst s6  }
0xf: {  	[smem:$0x3FA2] =	sst s7  }
0x10: {  	[smem:$0x3FA3] =	sst s8  }
0x11: {  	[smem:$0x3FA4] =	sst s9;
	s0 =	simm.s32 @!p0 $0x0  }
0x12: {  	s1 =	sld [smem:$0x3F8A];
	s0 =	simm.s32 @p0 $0x1  }
0x13: {  	[smem:$0x3FA5] =	sst s0;
	s0 =	simm.s32 @!p1 $0x0  }
0x14: {  	s2 =	sld [smem:$0x3F89];
	s0 =	simm.s32 @p1 $0x1  }
0x15: {  	[smem:$0x3FA6] =	sst s0;
	s0 =	simm.s32 @!p2 $0x0  }
0x16: {  	s3 =	sld [smem:$0x3FDB];
	s0 =	simm.s32 @p2 $0x1  }
0x17: {  	s4 =	simm.s32 $0x1BF5;
	[smem:$0x3FA8] =	sst s0  }
0x18: {  	s0 =	sld [smem:$0x3F8B];
	_ =	swait.ge [sflag:s4], $0x0  }
0x19: {  	s7 =	sld [smem:$0x3F8C]  }
0x1a: {  	s8 =	sadd.s32 $0xFFFFE003, lr  }
0x1b: {  	s9 =	sadd.s32 $0xFFFFFEF7, lr;
	s5 =	simm.s32 $0xFFFFFFFF;
	p2 =	slt.u32 s8, $0xFFFFF086  }
0x1c: {  	p1 =	slt.u32 s9, $0xF7A;
	s5 =	simm.s32 @!p2 $0x0  }
0x1d: {  	s5 =	simm.s32 @p1 $0x1;
	p0 =	seq.s32 s7, s2  }
0x1e: {  	s7 =	smul.u32 @!p0 $0xF7A, s2;
	p2 =	seq.s32 @!p0 s5, $0x0  }
0x1f: {  	s9 =	smul.u32 $0xF7A, s1;
	s8 =	simm.s32 @!p0 $0x1BF5;
	p2 =	por !p2, p0  }
0x20: {  	[sflag:s8] =	ssyncset.s32 @!p0 $0xFFFFF086;
	s6 =	sadd.s32 @!p0 s3, s7;
	s7 =	simm.s32 @!p0 $0x108  }
0x21: {  	s3 =	sadd.s32 s3, s9;
	s6 =	sadd.s32 @!p0 $0x88, s6;
	s7 =	simm.s32 @p2 $0x1082  }
0x22: {  	[simem:s7], [sflag:s8] =	dma.local @!p0 [hbm:s6], $0xF7A  }
0x23: {  	s9 =	sor.u32 $0xD0000000, s2;
	s6 =	simm.s32 $0x108;
	_ =	swait.ge @!p0 [sflag:s8], $0x0  }
0x24: {  	s3 =	sadd.s32 $0x88, s3;
	s6 =	simm.s32 @!p1 $0x1082;
	[sflag:s4] =	ssyncset.s32 $0xFFFFF086  }
0x25: {  	[simem:s6], [sflag:s4] =	dma.local [hbm:s3], $0xF7A  }
0x26: {  	[smem:$0x3F8C] =	sst s1;
	(tag) =	ssettag s2;
	_ =	strace s9  }
0x27: {  	s1 =	sld [smem:$0x3F9C]  }
0x28: {  	s2 =	sld [smem:$0x3F9D]  }
0x29: {  	s4 =	sld [smem:$0x3F9F]  }
0x2a: {  	p0 =	seq.s32 s5, $0x0;
	s5 =	sld [smem:$0x3FA0]  }
0x2b: {  	s6 =	sld [smem:$0x3FA1]  }
0x2c: {  	s7 =	sld [smem:$0x3FA2]  }
0x2d: {  	s3 =	simm.s32 $0x108;
	s8 =	sld [smem:$0x3FA3]  }
0x2e: {  	s3 =	simm.s32 @!p0 $0x1082;
	s9 =	sld [smem:$0x3FA4]  }
0x2f: {  	lr =	sadd.s32 s0, s3;
	s0 =	sld [smem:$0x3F9B]  }
0x30: {  	s3 =	sld [smem:$0x3F9E]  }
0x31: {  	[smem:$0x3FA7] =	sst s10  }
0x32: {  	s10 =	sld [smem:$0x3FA5];
	_ =	sdelay $0x3  }
0x33: {  	p0 =	seq.s32 s10, $0x1;
	s10 =	sld [smem:$0x3FA7];
	_ =	sdelay $0x3  }
0x34: {  	[smem:$0x3FA7] =	sst s10  }
0x35: {  	s10 =	sld [smem:$0x3FA6];
	_ =	sdelay $0x3  }
0x36: {  	p1 =	seq.s32 s10, $0x1;
	s10 =	sld [smem:$0x3FA7];
	_ =	sdelay $0x3  }
0x37: {  	[smem:$0x3FA7] =	sst s10  }
0x38: {  	s10 =	sld [smem:$0x3FA8]  }
0x39: {  	_ = 	snop;
	(pc) =	sbr.ind lr, $3  }
0x3a: {  	_ = 	snop  }
0x3b: {  	_ = 	snop  }
0x3c: {  	p2 =	seq.s32 s10, $0x1;
	s10 =	sld [smem:$0x3FA7]  }
0x3d: {  	_ =	shalt  }
0x3e: {  	_ =	shalt  }
0x3f: {  	_ =	shalt  }
0x40: {  	_ =	shalt  }
0x41: {  	_ =	shalt  }
0x42: {  	_ =	shalt  }
0x43: {  	_ =	shalt  }
0x44: {  	_ =	shalt  }
0x45: {  	_ =	shalt  }
0x46: {  	_ =	shalt  }
0x47: {  	_ =	shalt  }
0x48: {  	_ =	shalt  }
0x49: {  	_ =	shalt  }
0x4a: {  	_ =	shalt  }
0x4b: {  	_ =	shalt  }
0x4c: {  	_ =	shalt  }
0x4d: {  	_ =	shalt  }
0x4e: {  	_ =	shalt  }
0x4f: {  	_ =	shalt  }
0x50: {  	_ =	shalt  }
0x51: {  	_ =	shalt  }
0x52: {  	_ =	shalt  }
0x53: {  	_ =	shalt  }
0x54: {  	_ =	shalt  }
0x55: {  	_ =	shalt  }
0x56: {  	_ =	shalt  }
0x57: {  	_ =	shalt  }
0x58: {  	_ =	shalt  }
0x59: {  	_ =	shalt  }
0x5a: {  	_ =	shalt  }
0x5b: {  	_ =	shalt  }
0x5c: {  	_ =	shalt  }
0x5d: {  	_ =	shalt  }
0x5e: {  	_ =	shalt  }
0x5f: {  	_ =	shalt  }
0x60: {  	_ =	shalt  }
0x61: {  	_ =	shalt  }
0x62: {  	_ =	shalt  }
0x63: {  	_ =	shalt  }
0x64: {  	_ =	shalt  }
0x65: {  	_ =	shalt  }
0x66: {  	_ =	shalt  }
0x67: {  	_ =	shalt  }
0x68: {  	_ =	shalt  }
0x69: {  	_ =	shalt  }
0x6a: {  	_ =	shalt  }
0x6b: {  	_ =	shalt  }
0x6c: {  	_ =	shalt  }
0x6d: {  	_ =	shalt  }
0x6e: {  	_ =	shalt  }
0x6f: {  	_ =	shalt  }
0x70: {  	_ =	shalt  }
0x71: {  	_ =	shalt  }
0x72: {  	_ =	shalt  }
0x73: {  	_ =	shalt  }
0x74: {  	_ =	shalt  }
0x75: {  	_ =	shalt  }
0x76: {  	_ =	shalt  }
0x77: {  	_ =	shalt  }
0x78: {  	_ =	shalt  }
0x79: {  	_ =	shalt  }
0x7a: {  	_ =	shalt  }
0x7b: {  	_ =	shalt  }
0x7c: {  	_ =	shalt  }
0x7d: {  	_ =	shalt  }
0x7e: {  	_ =	shalt  }
0x7f: {  	_ =	shalt  }
0x80: {  	_ =	shalt  }
0x81: {  	_ =	shalt  }
0x82: {  	_ =	shalt  }
0x83: {  	_ =	shalt  }
0x84: {  	_ =	shalt  }
0x85: {  	_ =	shalt  }
0x86: {  	_ =	shalt  }
0x87: {  	_ =	shalt  }
.Lfunc_end0:
.L_simem_size_0:
called_computation.7_lowered:
.L_overlay_start_0:
0x88: {  	s2 =	sld [smem:$0x3FD9]  }
0x89: {  	s3 =	sld [smem:$0x3FFE];
	_ =	sdelay $0x1  }
0x8a: {  	s1 =	srdreg.scid  }
0x8b: {  	s0 =	sand.u32 $0x1, s1  }
0x8c: {  	s17 =	sshll.u32 s0, $0xA;
	s2 =	sadd.s32 s3, s2  }
0x8d: {  	s2 =	sadd.s32 s2, s17  }
0x8e: {  	[smem:$0x3FB3] =	sst s2  }
0x8f: {  	_ = 	snop  }
0x90: {  	s2 =	sld [smem:$0x3FD0];
	(tm) =	ssettm $0x1  }
0x91: {  	s18 =	sld [smem:$0x3FFB];
	_ =	sdelay $0x3  }
0x92: {  	_ =	strace s18  }
0x93: {  	s3 =	sld [smem:$0x3FFC];
	_ =	sdelay $0x3  }
0x94: {  	_ =	strace s3  }
0x95: {  	s3 =	sld [smem:$0x3FFD];
	_ =	sdelay $0x3  }
0x96: {  	_ =	strace s3  }
0x97: {  	_ =	strace $0x8FFFFFFF  }
0x98: {  	s19 =	sld [smem:$0x3FDB];
	_ =	sdelay $0x1  }
0x99: {  	s4 =	simm.s32 $_scs_section_size  }
0x9a: {  	s5 =	simm.s32 $_size__tile_overlayer_lowered;
	s6 =	simm.s32 $_tile_overlayer_lowered  }
0x9b: {  	s22 =	simm.s32 $0x1BFF;
	s21 =	sshll.u32 s6, $0x1;
	s3 =	sadd.s32 s4, s19  }
0x9c: {  	s7 =	simm.s32 $0x0;
	s20 =	sshll.u32 s5, $0x1;
	s5 =	sadd.s32 s21, s3  }
0x9d: {  	[timem:s7], [sflag:s22] =	dma.local [hbm:s5], s20  }
0x9e: {  	_ =	swait.ge [sflag:s22], s20  }
0x9f: {  	s4 =	ssub.s32 $0x0, s20;
	[sflag:s22] =	ssyncset.done $0x0  }
0xa0: {  	[sflag:s22] =	ssyncadd.s32 s4;
	_ =	sdelay $0x1  }
0xa1: {  	s23 =	simm.s32 $0x1B8B  }
0xa2: {  	_ =	swait.ge [sflag:s23], $0x1  }
0xa3: {  	[sflag:s23] =	ssyncset.done $0x0  }
0xa4: {  	s25 =	simm.s32 $0x1B8E;
	s24 =	sld [smem:$0x3FFE];
	[sflag:s23] =	ssyncadd.s32 $0xFFFFFFFF  }
0xa5: {  	s26 =	simm.s32 $execute0_lowered;
	[smem:$0x3FD2] =	sst s25  }
0xa6: {  	s5 =	sshll.u32 s26, $0x1;
	_ =	strace $0x8000005B;
	[dreg:$0x1] =	wrdreg $0xFFFFFFFF  }
0xa7: {  	s28 =	simm.s32 $_size_execute0_lowered;
	s3 =	sadd.s32 s3, s5;
	[dreg:$0x0] =	wrdreg $0x0  }
0xa8: {  	s5 =	sshll.u32 s28, $0x1;
	[dreg:$0x2] =	wrdreg s3  }
0xa9: {  	[dreg:$0x3] =	wrdreg s5  }
0xaa: {  	[dreg:$0x4] =	wrdreg $0xC0  }
0xab: {  	_ =	task [dreg:s7], $0x5FFFF  }
0xac: {  	[dreg:$0x1] =	wrdreg $0xFFFFFFFF  }
0xad: {  	[dreg:$0x0] =	wrdreg $0x60  }
0xae: {  	[dreg:$0x2] =	wrdreg s24  }
0xaf: {  	[dreg:$0x3] =	wrdreg s2  }
0xb0: {  	[dreg:$0x4] =	wrdreg $0x54000  }
0xb1: {  	[dreg:$0x5] =	wrdreg $0x9  }
0xb2: {  	_ =	task.clear_ibuf [dreg:s7], $0x6FFFF;
	_ =	strace $0x9000005B  }
0xb3: {  	s29 =	simm.s32 $0x9;
	_ =	strace $0x8000005D  }
0xb4: {  	_ =	swait.ge [sflag:s29], $0x1  }
0xb5: {  	[sflag:s29] =	ssyncadd.s32 $0xFFFFFFFF  }
0xb6: {  	_ =	strace $0x9000005D  }
0xb7: {  	_ =	sfence  }
0xb8: {  	s30 =	sld [smem:$0x0];
	_ =	sdelay $0x2  }
0xb9: {  	s31 =	sshll.u32 s1, $0xD;
	s1 =	sshrl.u32 s1, $0x2  }
0xba: {  	s3 =	sand.u32 $0x4000, s31;
	s1 =	sadd.s32 s1, s30  }
0xbb: {  	s0 =	sor.u32 s3, s0;
	s1 =	sshll.u32 s1, $0x11  }
0xbc: {  	s0 =	sor.u32 s1, s0  }
0xbd: {  	s0 =	sadd.s32 $0x8F2B, s0  }
0xbe: {  	[sflag:s0] =	ssyncadd.remote.s32 $0x1  }
0xbf: {  	_ =	sfence.sel $0xFFFF  }
0xc0: {  	[dreg:$0x0] =	wrdreg $0xFFFFFFFF;
	(pc) =	sbr.abs _section_cstart, $3  }
0xc1: {  	[dreg:$0x1] =	wrdreg $0xFFFFFFFF  }
0xc2: {  	_ =	task.clear_ibuf [dreg:s7], $0x2FFFF;
	_ =	strace $0x9FFFFFFF  }
0xc3: {  	(tm) =	ssettm $0x7FFFFFFF  }
tec
execute0_lowered:
.L_overlay_start_1:
0x0: {  	(tag) =	ssettag $0x1  }
0x1: {  	s4 =	rddreg [dreg:$0x0]  }
0x2: {  	s5 =	rddreg [dreg:$0x1]  }
0x3: {  	s1 =	rddreg [dreg:$0x2]  }
0x4: {  	s3 =	srdreg.scid;
	s9 =	stileid.u32  }
0x5: {  	s0 =	rddreg [dreg:$0x3];
	s11 =	smul.u32 $0xFFFFFFD8, s9  }
0x6: {  	s2 =	simm.s32 $0x0;
	s6 =	sand.u32 $0x1, s3;
	s30 =	smul.u32 $0x14000, s9  }
0x7: {  	[smem:$0x7FF] =	sst s2;
	p0 =	sne.s32 s9, $0x0;
	s3 =	smul.u32 $0x140000, s6  }
0x8: {  	_ =	strace $0x8000005C;
	s8 =	smul.u32 $0x27100, s6;
	s10 =	sshll.u32 s6, $0x4  }
0x9: {  	s12 =	ssub.s32 $0x2, s6;
	s6 =	smul.u32 $0xFFFFFD80, s6;
	s10 =	sor.u32 s9, s10  }
0xa: {  	s29 =	sshrl.u32 s12, $0x1;
	s9 =	sshrl.u32 @!p0 s1, $0x3;
	s7 =	sadd.s32 s3, s4  }
0xb: {  	s3 =	sadd.s32 $0x280E00, s4;
	s8 =	sadd.s32 s8, s4;
	s10 =	smul.u32 $0x280, s10  }
0xc: {  	s12 =	ssub.s32 s12, s29;
	s6 =	sadd.s32 s6, s11;
	s11 =	simm.s32 $0x80  }
0xd: {  	s6 =	sadd.s32 $0x4E2, s6;
	s31 =	sadd.s32 s30, s7;
	s7 =	smax.u32 s12, $0x1  }
0xe: {  	s12 =	simm.s32 $0x0;
	s4 =	sadd.s32 s5, s10;
	s5 =	sadd.s32 $0x64000, s8  }
0xf: {  	s6 =	smin.u32 s6, $0x28;
	s8 =	sadd.s32 $0x519000, s31;
	s10 =	simm.s32 $0x1  }
.LBB2_1:
0x10: {  	s14 =	simm.s32 @!p0 $0x1C01;
	s13 =	simm.s32 @!p0 $0x1  }
0x11: {  	[spmem:s9], [sflag:s14] =	dma.local @!p0 [hbm:s3], $0x27100  }
0x12: {  	_ =	swait.ge @!p0 [sflag:s13], $0x27100  }
0x13: {  	[sflag:s13] =	ssyncset.done @!p0 $0x0  }
0x14: {  	[sflag:s13] =	ssyncadd.s32 @!p0 $0xFFFD8F00  }
0x15: {  	s15 =	simm.s32 $0x4000;
	[bflag:$0x0] =	sbarrier.arrive $0xFFFF  }
0x16: {  	[tilespmem:s15], [sflag:$0x1] =	stream.linear.gather [hbm4b:s4+s2], $0x1400, $0x38;
	[tilespmem:$0x18C80] =	vst v63  }
0x17: {  	_ =	swait.ge [sflag:s10], $0x1400  }
0x18: {  	[sflag:s10] =	ssyncset.done $0x0  }
0x19: {  	[sflag:s10] =	ssyncadd.s32 $0xFFFFEC00  }
0x1a: {  	[tilespmem:s2], [sflag:$0x1] =	stream.linear.gather [hbm4b:s8+s2], $0x4000, $0x38;
	[tilespmem:$0x18C80] =	vst v63  }
0x1b: {  	p1 =	sne.s32 s6, $0x1;
	_ =	swait.ge [sflag:s10], $0x4000  }
.Ltmp0:
0x1c: {  	[sflag:s10] =	ssyncset.done $0x0;
	(pc) =	sbr.rel @!p1 .LBB2_3-.Ltmp0, $4  }
0x1d: {  	[sflag:s10] =	ssyncadd.s32 $0xFFFFC000  }
0x1e: {  	[spmem:s1] =	stream.indirect.scatter.add.f32 [tilespmem:s2], [sflag:$0x1], $0x80, s15, s11, $0xb8;
	[tilespmem:$0x18C80] =	vst v63  }
0x1f: {  	_ =	swait.ge [sflag:s10], $0x4000  }
0x20: {  	s16 =	sadd.s32 $0xFFFFFFFF, s6;
	s17 =	smov.u32 s8;
	[sflag:s10] =	ssyncset.done $0x0  }
.LBB2_2:
0x21: {  	[sflag:s10] =	ssyncadd.s32 $0xFFFFC000;
	s15 =	sadd.s32 $0x80, s15;
	s17 =	sadd.s32 $0x800, s17  }
0x22: {  	[tilespmem:s2], [sflag:$0x1] =	stream.linear.gather [hbm4b:s17+s2], $0x4000, $0x38;
	[tilespmem:$0x18C80] =	vst v63  }
0x23: {  	p1 =	sne.s32 s16, $0x1;
	s16 =	sadd.s32 $0xFFFFFFFF, s16;
	_ =	swait.ge [sflag:s10], $0x4000  }
.Ltmp1:
0x24: {  	[sflag:s10] =	ssyncset.done $0x0;
	(pc) =	sbr.rel @p1 .LBB2_2-.Ltmp1, $4  }
0x25: {  	[sflag:s10] =	ssyncadd.s32 $0xFFFFC000  }
0x26: {  	[spmem:s1] =	stream.indirect.scatter.add.f32 [tilespmem:s2], [sflag:$0x1], $0x80, s15, s11, $0xb8;
	[tilespmem:$0x18C80] =	vst v63  }
0x27: {  	_ =	swait.ge [sflag:s10], $0x4000  }
0x28: {  	[sflag:s10] =	ssyncset.done $0x0  }
.LBB2_3:
0x29: {  	s12 =	sadd.s32 $0x1, s12  }
0x2a: {  	[sflag:s10] =	ssyncadd.s32 $0xFFFFC000;
	p1 =	sne.s32 s12, s7  }
.Ltmp2:
0x2b: {  	[bflag:$0x0] =	sbarrier.arrive $0xFFFF;
	(pc) =	sbr.rel @p1 .LBB2_1-.Ltmp2, $4  }
0x2c: {  	[hbm:s5], [sflag:s14] =	dma.local @!p0 [spmem:s9], $0x27100  }
0x2d: {  	_ =	swait.ge @!p0 [sflag:s13], $0x27100  }
0x2e: {  	[sflag:s13] =	ssyncset.done @!p0 $0x0  }
0x2f: {  	[sflag:s13] =	ssyncadd.s32 @!p0 $0xFFFD8F00  }
0x30: {  	_ =	sfence.sel $0x180000  }
0x31: {  	[bflag:$0x0] =	sbarrier.arrive $0xFFFF  }
0x32: {  	_ =	strace $0x9000005C  }
0x33: {  	s0 =	sadd.s32 @!p0 $0x100000, s0;
	[bflag:$0x2] =	sbarrier.arrive $0xFFFF  }
0x34: {  	[sflag:s0] =	ssyncadd.tile.s32 @!p0 $0x1;
	_ =	shalt  }
.Lfunc_end2:
_tile_overlayer_lowered:
.L_overlay_start_2:
0x35: {  	(tag) =	ssettag $0x2  }
0x36: {  	s0 =	rddreg [dreg:$0x0];
	s2 =	stileid.u32  }
0x37: {  	s1 =	rddreg [dreg:$0x1];
	p0 =	sne.s32 s2, $0x0  }
0x38: {  	s3 =	rddreg [dreg:$0x2];
	[bflag:$0x3] =	sbarrier.arrive $0xFFFF;
	s2 =	simm.s32 @!p0 $0x1C01  }
0x39: {  	[timem:s3], [sflag:s2] =	dma.local @!p0 [hbm:s0], s1  }
0x3a: {  	s0 =	simm.s32 @!p0 $0x1  }
0x3b: {  	_ =	swait.ge @!p0 [sflag:s0], s1  }
0x3c: {  	s1 =	ssub.s32 @!p0 $0x0, s1;
	[sflag:s0] =	ssyncset.done @!p0 $0x0  }
0x3d: {  	[sflag:s0] =	ssyncadd.s32 @!p0 s1  }
0x3e: {  	[bflag:$0x3] =	sbarrier.arrive $0xFFFF  }
0x3f: {  	_ =	shalt  }

</sc_bundles>
